<compile_context>
chip_gen: v7x
topology: tpu7x:2x2x1
jax: 0.10.2.dev20260603
libtpu: 0.0.44.dev20260713+nightly
codegen_flags: <defaults>
</compile_context>

<pallas_src>
import functools
import math

import jax
import jax.numpy as jnp
from jax import lax
from jax.experimental import pallas as pl
from jax.experimental.pallas import tpu as pltpu
from jax.experimental.pallas import tpu_sc as plsc

DIM_ = 128
HALF_ = 64
BASE_ = 10000.0
CACHE_ = 4096

NC_ = 2
NS_ = 16
NW_ = NC_ * NS_


def _round_to_f16(v):
    i = jax.lax.bitcast_convert_type(v, jnp.int32)
    bias = 0x0FFF + ((i >> 13) & 1)
    r = (i + bias) & jnp.int32(~0x1FFF)
    return jax.lax.bitcast_convert_type(r, jnp.float32)


def _table_body(cos_ref, sin_ref):
    nq = CACHE_ // 16
    iq = lax.broadcasted_iota(jnp.int32, (nq, HALF_), 0).astype(jnp.float32)
    ir = lax.broadcasted_iota(jnp.int32, (16, HALF_), 0).astype(jnp.float32)
    jq = lax.broadcasted_iota(jnp.int32, (nq, HALF_), 1).astype(jnp.float32)
    jr = lax.broadcasted_iota(jnp.int32, (16, HALF_), 1).astype(jnp.float32)
    c = -math.log(BASE_) / HALF_
    aq = (16.0 * iq) * jnp.exp(jq * c)
    ar = ir * jnp.exp(jr * c)
    ac, as_ = jnp.cos(aq), jnp.sin(aq)
    bc, bs = jnp.cos(ar), jnp.sin(ar)
    ace = jnp.broadcast_to(ac[:, None, :], (nq, 16, HALF_)).reshape(CACHE_, HALF_)
    ase = jnp.broadcast_to(as_[:, None, :], (nq, 16, HALF_)).reshape(CACHE_, HALF_)
    bce = jnp.broadcast_to(bc[None, :, :], (nq, 16, HALF_)).reshape(CACHE_, HALF_)
    bse = jnp.broadcast_to(bs[None, :, :], (nq, 16, HALF_)).reshape(CACHE_, HALF_)
    cv = _round_to_f16(ace * bce - ase * bse)
    sv = _round_to_f16(ase * bce + ace * bse)
    cos_ref[...] = jnp.concatenate([cv, cv], axis=-1)
    sin_ref[...] = jnp.concatenate([sv, sv], axis=-1)


def _sc_lookup(cos_t, sin_t, pos_flat, B, H, S, D):
    chunk = (B * S) // NW_
    mesh = plsc.VectorSubcoreMesh(
        core_axis_name="c", subcore_axis_name="s",
        num_cores=NC_, num_subcores=NS_)
    out_t = jax.ShapeDtypeStruct((B, H, S, D), jnp.float32)

    @functools.partial(
        pl.kernel,
        out_type=[out_t, out_t],
        mesh=mesh,
        scratch_types=[
            pltpu.VMEM((chunk,), jnp.int32),
            pltpu.VMEM((chunk, D), jnp.float32),
            pltpu.VMEM((chunk, D), jnp.float32),
            pltpu.SemaphoreType.DMA,
            pltpu.SemaphoreType.DMA,
        ],
    )
    def sc_kernel(cos_t_hbm, sin_t_hbm, pos_hbm, cos_out, sin_out,
                  idx_v, cos_v, sin_v, gsem, wsem):
        wid = lax.axis_index("s") * NC_ + lax.axis_index("c")
        base = wid * chunk
        b = base // S
        s0 = base % S
        pltpu.sync_copy(pos_hbm.at[pl.ds(base, chunk)], idx_v)
        g1 = pltpu.async_copy(cos_t_hbm.at[idx_v], cos_v, gsem)
        g2 = pltpu.async_copy(sin_t_hbm.at[idx_v], sin_v, gsem)
        cps = []
        g1.wait()
        for h in range(H):
            cps.append(pltpu.async_copy(
                cos_v, cos_out.at[b, h, pl.ds(s0, chunk)], wsem))
        g2.wait()
        for h in range(H):
            cps.append(pltpu.async_copy(
                sin_v, sin_out.at[b, h, pl.ds(s0, chunk)], wsem))
        for cp in cps:
            cp.wait()

    return sc_kernel(cos_t, sin_t, pos_flat)


@jax.jit
def kernel(x, position_ids):
    B, H, S, D = x.shape
    cos_t, sin_t = pl.pallas_call(
        _table_body,
        out_shape=[jax.ShapeDtypeStruct((CACHE_, DIM_), jnp.float32)] * 2,
    )()
    cos, sin = _sc_lookup(cos_t, sin_t, position_ids.reshape(B * S),
                          B, H, S, D)
    return cos, sin

# --- scband reference (transcript-rebuilt; emitter-appended) ---
"""Pipeline reference for scband-cached-rotary-embedding-13932873908408 (READ-ONLY COPY).

The authoritative reference and input builder live on the scoring server;
editing this copy changes nothing except your own understanding.
"""

import jax, jax.numpy as jnp
import numpy as np

DIM = 128
BASE = 10000.0
CACHE_SIZE = 4096


def setup_inputs(seed: int = 0) -> dict:
    key = jax.random.key(seed)
    k1, k2 = jax.random.split(key)
    x = jax.random.normal(k1, (2, 32, 4096, DIM), dtype=jnp.float32)
    position_ids = jax.random.randint(k2, (2, 4096), 0, CACHE_SIZE, dtype=jnp.int32)
    return {"x": x, "position_ids": position_ids}


def reference(x, position_ids):
    # Faithful translation of CachedRotaryEmbedding.forward (cache-hit path).
    # Cache is built as cos/sin of positions 0..cache_size-1, stored in float16
    # (cache_dtype), then gathered by position_ids and expanded over heads.
    inv_freq = 1.0 / (BASE ** (jnp.arange(0, DIM, 2, dtype=jnp.float32) / DIM))
    positions = jnp.arange(CACHE_SIZE, dtype=jnp.float32)
    freqs = positions[:, None] * inv_freq[None, :]           # [cache, dim/2]
    emb = jnp.concatenate([freqs, freqs], axis=-1)           # [cache, dim]
    cached_cos = jnp.cos(emb).astype(jnp.float16)            # fp16 cache quantization
    cached_sin = jnp.sin(emb).astype(jnp.float16)
    cos = jnp.take(cached_cos, position_ids, axis=0)         # [B, S, dim] gather
    sin = jnp.take(cached_sin, position_ids, axis=0)
    B, H, S, _ = x.shape
    cos = jnp.broadcast_to(cos[:, None, :, :], (B, H, S, DIM)).astype(x.dtype)
    sin = jnp.broadcast_to(sin[:, None, :, :], (B, H, S, DIM)).astype(x.dtype)
    return cos, sin

if __name__ == "__main__":
    import jax
    _d = setup_inputs()
    print(jax.jit(kernel)(*tuple(_d.values())))

</pallas_src>

<mosaic_0001>
#map = affine_map<(d0, d1) -> (0, 0)>
#map1 = affine_map<(d0, d1) -> (0)>
#map2 = affine_map<(d0, d1) -> (0, 0, 0, 0)>
module attributes {stable_mosaic.version = 14 : i64} {
  func.func @sc_kernel(%arg0: i32, %arg1: i32, %arg2: memref<4096x128xf32, #tpu.memory_space<hbm>>, %arg3: memref<4096x128xf32, #tpu.memory_space<hbm>>, %arg4: memref<8192xi32, #tpu.memory_space<hbm>>, %arg5: memref<2x32x4096x128xf32, #tpu.memory_space<hbm>>, %arg6: memref<2x32x4096x128xf32, #tpu.memory_space<hbm>>, %arg7: memref<256xi32, #tpu.memory_space<vmem>>, %arg8: memref<256x128xf32, #tpu.memory_space<vmem>>, %arg9: memref<256x128xf32, #tpu.memory_space<vmem>>, %arg10: memref<!tpu.dma_semaphore, #tpu.memory_space<semaphore_mem>>, %arg11: memref<!tpu.dma_semaphore, #tpu.memory_space<semaphore_mem>>) attributes {dimension_semantics = [#tpu.dimension_semantics<core_parallel>, #tpu.dimension_semantics<subcore_parallel>], iteration_bounds = array<i64: 2, 16>, scalar_prefetch = 0 : i64, scratch_operands = 5 : i64, tpu.core_type = #tpu.core_type<sc_vector_subcore>, window_params = [{transform_indices = #map}, {transform_indices = #map}, {transform_indices = #map1}, {transform_indices = #map2}, {transform_indices = #map2}]} {
    %mul3A = arith.constant 2 : i32
    %mul3A_0 = arith.muli %arg1, %mul3A : i32
    %add3A = arith.addi %mul3A_0, %arg0 : i32
    %mul3A_1 = arith.constant 256 : i32
    %mul3A_2 = arith.muli %add3A, %mul3A_1 : i32
    %jit3A = arith.constant 4096 : i32
    %div3A = arith.divsi %mul3A_2, %jit3A : i32
    %sign3A = arith.constant 0 : i32
    %sign3A_3 = arith.cmpi sgt, %mul3A_2, %sign3A : i32
    %sign3A_4 = arith.extui %sign3A_3 : i1 to i32
    %sign3A_5 = arith.constant 0 : i32
    %sign3A_6 = arith.cmpi slt, %mul3A_2, %sign3A_5 : i32
    %sign3A_7 = arith.extui %sign3A_6 : i1 to i32
    %sign3A_8 = arith.subi %sign3A_4, %sign3A_7 : i32
    %sign3A_9 = arith.constant 0 : i32
    %sign3A_10 = arith.cmpi sgt, %jit3A, %sign3A_9 : i32
    %sign3A_11 = arith.extui %sign3A_10 : i1 to i32
    %sign3A_12 = arith.constant 0 : i32
    %sign3A_13 = arith.cmpi slt, %jit3A, %sign3A_12 : i32
    %sign3A_14 = arith.extui %sign3A_13 : i1 to i32
    %sign3A_15 = arith.subi %sign3A_11, %sign3A_14 : i32
    %ne3A = arith.cmpi ne, %sign3A_8, %sign3A_15 : i32
    %rem3A = arith.remsi %mul3A_2, %jit3A : i32
    %ne3A_16 = arith.constant 0 : i32
    %ne3A_17 = arith.cmpi ne, %rem3A, %ne3A_16 : i32
    %and3A = arith.andi %ne3A, %ne3A_17 : i1
    %sub3A = arith.constant 1 : i32
    %sub3A_18 = arith.subi %div3A, %sub3A : i32
    %select_n3A = arith.select %and3A, %sub3A_18, %div3A : i32
    %jit3A_19 = arith.constant 4096 : i32
    %eq3A = arith.constant 0 : i32
    %eq3A_20 = arith.cmpi eq, %jit3A_19, %eq3A : i32
    %jit3A_21 = arith.constant 1 : i32
    %select_n3A_22 = arith.select %eq3A_20, %jit3A_21, %jit3A_19 : i32
    %rem3A_23 = arith.remsi %mul3A_2, %select_n3A_22 : i32
    %ne3A_24 = arith.constant 0 : i32
    %ne3A_25 = arith.cmpi ne, %rem3A_23, %ne3A_24 : i32
    %lt3A = arith.constant 0 : i32
    %lt3A_26 = arith.cmpi slt, %rem3A_23, %lt3A : i32
    %lt3A_27 = arith.constant 0 : i32
    %lt3A_28 = arith.cmpi slt, %select_n3A_22, %lt3A_27 : i32
    %ne3A_29 = arith.xori %lt3A_26, %lt3A_28 : i1
    %and3A_30 = arith.andi %ne3A_29, %ne3A_25 : i1
    %add3A_31 = arith.addi %rem3A_23, %select_n3A_22 : i32
    %select_n3A_32 = arith.select %and3A_30, %add3A_31, %rem3A_23 : i32
    "tpu.region"() ({
      %run_scoped3A = tpu.sem_alloc : memref<!tpu.dma_semaphore, #tpu.memory_space<semaphore_mem>>
      %dma_start3A_939 = tpu.memref_slice %arg4[%mul3A_2] : memref<8192xi32, #tpu.memory_space<hbm>> -> memref<256xi32, #tpu.memory_space<hbm>>
      %dma_start3A_940 = tpu.memref_slice %arg4[%mul3A_2] : memref<8192xi32, #tpu.memory_space<hbm>> -> memref<256xi32, #tpu.memory_space<hbm>>
      tpu.enqueue_dma source(%dma_start3A_940 : memref<256xi32, #tpu.memory_space<hbm>>) target(%arg7 : memref<256xi32, #tpu.memory_space<vmem>>) target_semaphore(%run_scoped3A : memref<!tpu.dma_semaphore, #tpu.memory_space<semaphore_mem>>)
      %dma_wait3A_941 = tpu.memref_slice %arg4[%mul3A_2] : memref<8192xi32, #tpu.memory_space<hbm>> -> memref<256xi32, #tpu.memory_space<hbm>>
      %dma_wait3A_942 = tpu.memref_slice %arg4[%mul3A_2] : memref<8192xi32, #tpu.memory_space<hbm>> -> memref<256xi32, #tpu.memory_space<hbm>>
      tpu.wait_dma2 semaphore(%run_scoped3A : memref<!tpu.dma_semaphore, #tpu.memory_space<semaphore_mem>>) src(%dma_wait3A_942 : memref<256xi32, #tpu.memory_space<hbm>>) dst(%arg7 : memref<256xi32, #tpu.memory_space<vmem>>)
      tpu.yield
    }) : () -> ()
    %dma_start3A = arith.constant 0 : i32
    %dma_start3A_33 = arith.constant 0 : i32
    %dma_start3A_34 = tpu.memref_slice %arg2[%dma_start3A, %dma_start3A_33] : memref<4096x128xf32, #tpu.memory_space<hbm>> -> memref<4096x128xf32, #tpu.memory_space<hbm>>
    tpu.enqueue_indirect_dma source(%dma_start3A_34 : memref<4096x128xf32, #tpu.memory_space<hbm>>) target(%arg8 : memref<256x128xf32, #tpu.memory_space<vmem>>) offsets(%arg7 : memref<256xi32, #tpu.memory_space<vmem>>) semaphore(%arg10 : memref<!tpu.dma_semaphore, #tpu.memory_space<semaphore_mem>>)
    %dma_start3A_35 = arith.constant 0 : i32
    %dma_start3A_36 = arith.constant 0 : i32
    %dma_start3A_37 = tpu.memref_slice %arg3[%dma_start3A_35, %dma_start3A_36] : memref<4096x128xf32, #tpu.memory_space<hbm>> -> memref<4096x128xf32, #tpu.memory_space<hbm>>
    tpu.enqueue_indirect_dma source(%dma_start3A_37 : memref<4096x128xf32, #tpu.memory_space<hbm>>) target(%arg9 : memref<256x128xf32, #tpu.memory_space<vmem>>) offsets(%arg7 : memref<256xi32, #tpu.memory_space<vmem>>) semaphore(%arg10 : memref<!tpu.dma_semaphore, #tpu.memory_space<semaphore_mem>>)
    %dma_wait3A = arith.constant 0 : i32
    %dma_wait3A_38 = arith.constant 0 : i32
    %dma_wait3A_39 = tpu.memref_slice %arg2[%dma_wait3A, %dma_wait3A_38] : memref<4096x128xf32, #tpu.memory_space<hbm>> -> memref<4096x128xf32, #tpu.memory_space<hbm>>
    tpu.wait_indirect_dma semaphore(%arg10 : memref<!tpu.dma_semaphore, #tpu.memory_space<semaphore_mem>>) src(%dma_wait3A_39 : memref<4096x128xf32, #tpu.memory_space<hbm>>) dst(%arg8 : memref<256x128xf32, #tpu.memory_space<vmem>>)
    %dma_start3A_40 = arith.constant 0 : i32
    %dma_start3A_41 = arith.constant 0 : i32
    %dma_start3A_42 = tpu.memref_slice %arg5[%select_n3A, %dma_start3A_40, %select_n3A_32, %dma_start3A_41] : memref<2x32x4096x128xf32, #tpu.memory_space<hbm>> -> memref<1x1x256x128xf32, #tpu.memory_space<hbm>>
    %dma_start3A_43 = tpu.memref_squeeze %dma_start3A_42 : memref<1x1x256x128xf32, #tpu.memory_space<hbm>> -> memref<256x128xf32, #tpu.memory_space<hbm>>
    %dma_start3A_44 = arith.constant 0 : i32
    %dma_start3A_45 = tpu.memref_slice %arg5[%select_n3A, %dma_start3A_40, %select_n3A_32, %dma_start3A_44] : memref<2x32x4096x128xf32, #tpu.memory_space<hbm>> -> memref<1x1x256x128xf32, #tpu.memory_space<hbm>>
    %dma_start3A_46 = tpu.memref_squeeze %dma_start3A_45 : memref<1x1x256x128xf32, #tpu.memory_space<hbm>> -> memref<256x128xf32, #tpu.memory_space<hbm>>
    tpu.enqueue_dma source(%arg8 : memref<256x128xf32, #tpu.memory_space<vmem>>) target(%dma_start3A_46 : memref<256x128xf32, #tpu.memory_space<hbm>>) target_semaphore(%arg11 : memref<!tpu.dma_semaphore, #tpu.memory_space<semaphore_mem>>)
    %dma_start3A_47 = arith.constant 1 : i32
    %dma_start3A_48 = arith.constant 0 : i32
    %dma_start3A_49 = tpu.memref_slice %arg5[%select_n3A, %dma_start3A_47, %select_n3A_32, %dma_start3A_48] : memref<2x32x4096x128xf32, #tpu.memory_space<hbm>> -> memref<1x1x256x128xf32, #tpu.memory_space<hbm>>
    %dma_start3A_50 = tpu.memref_squeeze %dma_start3A_49 : memref<1x1x256x128xf32, #tpu.memory_space<hbm>> -> memref<256x128xf32, #tpu.memory_space<hbm>>
    %dma_start3A_51 = arith.constant 0 : i32
    %dma_start3A_52 = tpu.memref_slice %arg5[%select_n3A, %dma_start3A_47, %select_n3A_32, %dma_start3A_51] : memref<2x32x4096x128xf32, #tpu.memory_space<hbm>> -> memref<1x1x256x128xf32, #tpu.memory_space<hbm>>
    %dma_start3A_53 = tpu.memref_squeeze %dma_start3A_52 : memref<1x1x256x128xf32, #tpu.memory_space<hbm>> -> memref<256x128xf32, #tpu.memory_space<hbm>>
    tpu.enqueue_dma source(%arg8 : memref<256x128xf32, #tpu.memory_space<vmem>>) target(%dma_start3A_53 : memref<256x128xf32, #tpu.memory_space<hbm>>) target_semaphore(%arg11 : memref<!tpu.dma_semaphore, #tpu.memory_space<semaphore_mem>>)
    %dma_start3A_54 = arith.constant 2 : i32
    %dma_start3A_55 = arith.constant 0 : i32
    %dma_start3A_56 = tpu.memref_slice %arg5[%select_n3A, %dma_start3A_54, %select_n3A_32, %dma_start3A_55] : memref<2x32x4096x128xf32, #tpu.memory_space<hbm>> -> memref<1x1x256x128xf32, #tpu.memory_space<hbm>>
    %dma_start3A_57 = tpu.memref_squeeze %dma_start3A_56 : memref<1x1x256x128xf32, #tpu.memory_space<hbm>> -> memref<256x128xf32, #tpu.memory_space<hbm>>
    %dma_start3A_58 = arith.constant 0 : i32
    %dma_start3A_59 = tpu.memref_slice %arg5[%select_n3A, %dma_start3A_54, %select_n3A_32, %dma_start3A_58] : memref<2x32x4096x128xf32, #tpu.memory_space<hbm>> -> memref<1x1x256x128xf32, #tpu.memory_space<hbm>>
    %dma_start3A_60 = tpu.memref_squeeze %dma_start3A_59 : memref<1x1x256x128xf32, #tpu.memory_space<hbm>> -> memref<256x128xf32, #tpu.memory_space<hbm>>
    tpu.enqueue_dma source(%arg8 : memref<256x128xf32, #tpu.memory_space<vmem>>) target(%dma_start3A_60 : memref<256x128xf32, #tpu.memory_space<hbm>>) target_semaphore(%arg11 : memref<!tpu.dma_semaphore, #tpu.memory_space<semaphore_mem>>)
    %dma_start3A_61 = arith.constant 3 : i32
    %dma_start3A_62 = arith.constant 0 : i32
    %dma_start3A_63 = tpu.memref_slice %arg5[%select_n3A, %dma_start3A_61, %select_n3A_32, %dma_start3A_62] : memref<2x32x4096x128xf32, #tpu.memory_space<hbm>> -> memref<1x1x256x128xf32, #tpu.memory_space<hbm>>
    %dma_start3A_64 = tpu.memref_squeeze %dma_start3A_63 : memref<1x1x256x128xf32, #tpu.memory_space<hbm>> -> memref<256x128xf32, #tpu.memory_space<hbm>>
    %dma_start3A_65 = arith.constant 0 : i32
    %dma_start3A_66 = tpu.memref_slice %arg5[%select_n3A, %dma_start3A_61, %select_n3A_32, %dma_start3A_65] : memref<2x32x4096x128xf32, #tpu.memory_space<hbm>> -> memref<1x1x256x128xf32, #tpu.memory_space<hbm>>
    %dma_start3A_67 = tpu.memref_squeeze %dma_start3A_66 : memref<1x1x256x128xf32, #tpu.memory_space<hbm>> -> memref<256x128xf32, #tpu.memory_space<hbm>>
    tpu.enqueue_dma source(%arg8 : memref<256x128xf32, #tpu.memory_space<vmem>>) target(%dma_start3A_67 : memref<256x128xf32, #tpu.memory_space<hbm>>) target_semaphore(%arg11 : memref<!tpu.dma_semaphore, #tpu.memory_space<semaphore_mem>>)
    %dma_start3A_68 = arith.constant 4 : i32
    %dma_start3A_69 = arith.constant 0 : i32
    %dma_start3A_70 = tpu.memref_slice %arg5[%select_n3A, %dma_start3A_68, %select_n3A_32, %dma_start3A_69] : memref<2x32x4096x128xf32, #tpu.memory_space<hbm>> -> memref<1x1x256x128xf32, #tpu.memory_space<hbm>>
    %dma_start3A_71 = tpu.memref_squeeze %dma_start3A_70 : memref<1x1x256x128xf32, #tpu.memory_space<hbm>> -> memref<256x128xf32, #tpu.memory_space<hbm>>
    %dma_start3A_72 = arith.constant 0 : i32
    %dma_start3A_73 = tpu.memref_slice %arg5[%select_n3A, %dma_start3A_68, %select_n3A_32, %dma_start3A_72] : memref<2x32x4096x128xf32, #tpu.memory_space<hbm>> -> memref<1x1x256x128xf32, #tpu.memory_space<hbm>>
    %dma_start3A_74 = tpu.memref_squeeze %dma_start3A_73 : memref<1x1x256x128xf32, #tpu.memory_space<hbm>> -> memref<256x128xf32, #tpu.memory_space<hbm>>
    tpu.enqueue_dma source(%arg8 : memref<256x128xf32, #tpu.memory_space<vmem>>) target(%dma_start3A_74 : memref<256x128xf32, #tpu.memory_space<hbm>>) target_semaphore(%arg11 : memref<!tpu.dma_semaphore, #tpu.memory_space<semaphore_mem>>)
    %dma_start3A_75 = arith.constant 5 : i32
    %dma_start3A_76 = arith.constant 0 : i32
    %dma_start3A_77 = tpu.memref_slice %arg5[%select_n3A, %dma_start3A_75, %select_n3A_32, %dma_start3A_76] : memref<2x32x4096x128xf32, #tpu.memory_space<hbm>> -> memref<1x1x256x128xf32, #tpu.memory_space<hbm>>
    %dma_start3A_78 = tpu.memref_squeeze %dma_start3A_77 : memref<1x1x256x128xf32, #tpu.memory_space<hbm>> -> memref<256x128xf32, #tpu.memory_space<hbm>>
    %dma_start3A_79 = arith.constant 0 : i32
    %dma_start3A_80 = tpu.memref_slice %arg5[%select_n3A, %dma_start3A_75, %select_n3A_32, %dma_start3A_79] : memref<2x32x4096x128xf32, #tpu.memory_space<hbm>> -> memref<1x1x256x128xf32, #tpu.memory_space<hbm>>
    %dma_start3A_81 = tpu.memref_squeeze %dma_start3A_80 : memref<1x1x256x128xf32, #tpu.memory_space<hbm>> -> memref<256x128xf32, #tpu.memory_space<hbm>>
    tpu.enqueue_dma source(%arg8 : memref<256x128xf32, #tpu.memory_space<vmem>>) target(%dma_start3A_81 : memref<256x128xf32, #tpu.memory_space<hbm>>) target_semaphore(%arg11 : memref<!tpu.dma_semaphore, #tpu.memory_space<semaphore_mem>>)
    %dma_start3A_82 = arith.constant 6 : i32
    %dma_start3A_83 = arith.constant 0 : i32
    %dma_start3A_84 = tpu.memref_slice %arg5[%select_n3A, %dma_start3A_82, %select_n3A_32, %dma_start3A_83] : memref<2x32x4096x128xf32, #tpu.memory_space<hbm>> -> memref<1x1x256x128xf32, #tpu.memory_space<hbm>>
    %dma_start3A_85 = tpu.memref_squeeze %dma_start3A_84 : memref<1x1x256x128xf32, #tpu.memory_space<hbm>> -> memref<256x128xf32, #tpu.memory_space<hbm>>
    %dma_start3A_86 = arith.constant 0 : i32
    %dma_start3A_87 = tpu.memref_slice %arg5[%select_n3A, %dma_start3A_82, %select_n3A_32, %dma_start3A_86] : memref<2x32x4096x128xf32, #tpu.memory_space<hbm>> -> memref<1x1x256x128xf32, #tpu.memory_space<hbm>>
    %dma_start3A_88 = tpu.memref_squeeze %dma_start3A_87 : memref<1x1x256x128xf32, #tpu.memory_space<hbm>> -> memref<256x128xf32, #tpu.memory_space<hbm>>
    tpu.enqueue_dma source(%arg8 : memref<256x128xf32, #tpu.memory_space<vmem>>) target(%dma_start3A_88 : memref<256x128xf32, #tpu.memory_space<hbm>>) target_semaphore(%arg11 : memref<!tpu.dma_semaphore, #tpu.memory_space<semaphore_mem>>)
    %dma_start3A_89 = arith.constant 7 : i32
    %dma_start3A_90 = arith.constant 0 : i32
    %dma_start3A_91 = tpu.memref_slice %arg5[%select_n3A, %dma_start3A_89, %select_n3A_32, %dma_start3A_90] : memref<2x32x4096x128xf32, #tpu.memory_space<hbm>> -> memref<1x1x256x128xf32, #tpu.memory_space<hbm>>
    %dma_start3A_92 = tpu.memref_squeeze %dma_start3A_91 : memref<1x1x256x128xf32, #tpu.memory_space<hbm>> -> memref<256x128xf32, #tpu.memory_space<hbm>>
    %dma_start3A_93 = arith.constant 0 : i32
    %dma_start3A_94 = tpu.memref_slice %arg5[%select_n3A, %dma_start3A_89, %select_n3A_32, %dma_start3A_93] : memref<2x32x4096x128xf32, #tpu.memory_space<hbm>> -> memref<1x1x256x128xf32, #tpu.memory_space<hbm>>
    %dma_start3A_95 = tpu.memref_squeeze %dma_start3A_94 : memref<1x1x256x128xf32, #tpu.memory_space<hbm>> -> memref<256x128xf32, #tpu.memory_space<hbm>>
    tpu.enqueue_dma source(%arg8 : memref<256x128xf32, #tpu.memory_space<vmem>>) target(%dma_start3A_95 : memref<256x128xf32, #tpu.memory_space<hbm>>) target_semaphore(%arg11 : memref<!tpu.dma_semaphore, #tpu.memory_space<semaphore_mem>>)
    %dma_start3A_96 = arith.constant 8 : i32
    %dma_start3A_97 = arith.constant 0 : i32
    %dma_start3A_98 = tpu.memref_slice %arg5[%select_n3A, %dma_start3A_96, %select_n3A_32, %dma_start3A_97] : memref<2x32x4096x128xf32, #tpu.memory_space<hbm>> -> memref<1x1x256x128xf32, #tpu.memory_space<hbm>>
    %dma_start3A_99 = tpu.memref_squeeze %dma_start3A_98 : memref<1x1x256x128xf32, #tpu.memory_space<hbm>> -> memref<256x128xf32, #tpu.memory_space<hbm>>
    %dma_start3A_100 = arith.constant 0 : i32
    %dma_start3A_101 = tpu.memref_slice %arg5[%select_n3A, %dma_start3A_96, %select_n3A_32, %dma_start3A_100] : memref<2x32x4096x128xf32, #tpu.memory_space<hbm>> -> memref<1x1x256x128xf32, #tpu.memory_space<hbm>>
    %dma_start3A_102 = tpu.memref_squeeze %dma_start3A_101 : memref<1x1x256x128xf32, #tpu.memory_space<hbm>> -> memref<256x128xf32, #tpu.memory_space<hbm>>
    tpu.enqueue_dma source(%arg8 : memref<256x128xf32, #tpu.memory_space<vmem>>) target(%dma_start3A_102 : memref<256x128xf32, #tpu.memory_space<hbm>>) target_semaphore(%arg11 : memref<!tpu.dma_semaphore, #tpu.memory_space<semaphore_mem>>)
    %dma_start3A_103 = arith.constant 9 : i32
    %dma_start3A_104 = arith.constant 0 : i32
    %dma_start3A_105 = tpu.memref_slice %arg5[%select_n3A, %dma_start3A_103, %select_n3A_32, %dma_start3A_104] : memref<2x32x4096x128xf32, #tpu.memory_space<hbm>> -> memref<1x1x256x128xf32, #tpu.memory_space<hbm>>
    %dma_start3A_106 = tpu.memref_squeeze %dma_start3A_105 : memref<1x1x256x128xf32, #tpu.memory_space<hbm>> -> memref<256x128xf32, #tpu.memory_space<hbm>>
    %dma_start3A_107 = arith.constant 0 : i32
    %dma_start3A_108 = tpu.memref_slice %arg5[%select_n3A, %dma_start3A_103, %select_n3A_32, %dma_start3A_107] : memref<2x32x4096x128xf32, #tpu.memory_space<hbm>> -> memref<1x1x256x128xf32, #tpu.memory_space<hbm>>
    %dma_start3A_109 = tpu.memref_squeeze %dma_start3A_108 : memref<1x1x256x128xf32, #tpu.memory_space<hbm>> -> memref<256x128xf32, #tpu.memory_space<hbm>>
    tpu.enqueue_dma source(%arg8 : memref<256x128xf32, #tpu.memory_space<vmem>>) target(%dma_start3A_109 : memref<256x128xf32, #tpu.memory_space<hbm>>) target_semaphore(%arg11 : memref<!tpu.dma_semaphore, #tpu.memory_space<semaphore_mem>>)
    %dma_start3A_110 = arith.constant 10 : i32
    %dma_start3A_111 = arith.constant 0 : i32
    %dma_start3A_112 = tpu.memref_slice %arg5[%select_n3A, %dma_start3A_110, %select_n3A_32, %dma_start3A_111] : memref<2x32x4096x128xf32, #tpu.memory_space<hbm>> -> memref<1x1x256x128xf32, #tpu.memory_space<hbm>>
    %dma_start3A_113 = tpu.memref_squeeze %dma_start3A_112 : memref<1x1x256x128xf32, #tpu.memory_space<hbm>> -> memref<256x128xf32, #tpu.memory_space<hbm>>
    %dma_start3A_114 = arith.constant 0 : i32
    %dma_start3A_115 = tpu.memref_slice %arg5[%select_n3A, %dma_start3A_110, %select_n3A_32, %dma_start3A_114] : memref<2x32x4096x128xf32, #tpu.memory_space<hbm>> -> memref<1x1x256x128xf32, #tpu.memory_space<hbm>>
    %dma_start3A_116 = tpu.memref_squeeze %dma_start3A_115 : memref<1x1x256x128xf32, #tpu.memory_space<hbm>> -> memref<256x128xf32, #tpu.memory_space<hbm>>
    tpu.enqueue_dma source(%arg8 : memref<256x128xf32, #tpu.memory_space<vmem>>) target(%dma_start3A_116 : memref<256x128xf32, #tpu.memory_space<hbm>>) target_semaphore(%arg11 : memref<!tpu.dma_semaphore, #tpu.memory_space<semaphore_mem>>)
    %dma_start3A_117 = arith.constant 11 : i32
    %dma_start3A_118 = arith.constant 0 : i32
    %dma_start3A_119 = tpu.memref_slice %arg5[%select_n3A, %dma_start3A_117, %select_n3A_32, %dma_start3A_118] : memref<2x32x4096x128xf32, #tpu.memory_space<hbm>> -> memref<1x1x256x128xf32, #tpu.memory_space<hbm>>
    %dma_start3A_120 = tpu.memref_squeeze %dma_start3A_119 : memref<1x1x256x128xf32, #tpu.memory_space<hbm>> -> memref<256x128xf32, #tpu.memory_space<hbm>>
    %dma_start3A_121 = arith.constant 0 : i32
    %dma_start3A_122 = tpu.memref_slice %arg5[%select_n3A, %dma_start3A_117, %select_n3A_32, %dma_start3A_121] : memref<2x32x4096x128xf32, #tpu.memory_space<hbm>> -> memref<1x1x256x128xf32, #tpu.memory_space<hbm>>
    %dma_start3A_123 = tpu.memref_squeeze %dma_start3A_122 : memref<1x1x256x128xf32, #tpu.memory_space<hbm>> -> memref<256x128xf32, #tpu.memory_space<hbm>>
    tpu.enqueue_dma source(%arg8 : memref<256x128xf32, #tpu.memory_space<vmem>>) target(%dma_start3A_123 : memref<256x128xf32, #tpu.memory_space<hbm>>) target_semaphore(%arg11 : memref<!tpu.dma_semaphore, #tpu.memory_space<semaphore_mem>>)
    %dma_start3A_124 = arith.constant 12 : i32
    %dma_start3A_125 = arith.constant 0 : i32
    %dma_start3A_126 = tpu.memref_slice %arg5[%select_n3A, %dma_start3A_124, %select_n3A_32, %dma_start3A_125] : memref<2x32x4096x128xf32, #tpu.memory_space<hbm>> -> memref<1x1x256x128xf32, #tpu.memory_space<hbm>>
    %dma_start3A_127 = tpu.memref_squeeze %dma_start3A_126 : memref<1x1x256x128xf32, #tpu.memory_space<hbm>> -> memref<256x128xf32, #tpu.memory_space<hbm>>
    %dma_start3A_128 = arith.constant 0 : i32
    %dma_start3A_129 = tpu.memref_slice %arg5[%select_n3A, %dma_start3A_124, %select_n3A_32, %dma_start3A_128] : memref<2x32x4096x128xf32, #tpu.memory_space<hbm>> -> memref<1x1x256x128xf32, #tpu.memory_space<hbm>>
    %dma_start3A_130 = tpu.memref_squeeze %dma_start3A_129 : memref<1x1x256x128xf32, #tpu.memory_space<hbm>> -> memref<256x128xf32, #tpu.memory_space<hbm>>
    tpu.enqueue_dma source(%arg8 : memref<256x128xf32, #tpu.memory_space<vmem>>) target(%dma_start3A_130 : memref<256x128xf32, #tpu.memory_space<hbm>>) target_semaphore(%arg11 : memref<!tpu.dma_semaphore, #tpu.memory_space<semaphore_mem>>)
    %dma_start3A_131 = arith.constant 13 : i32
    %dma_start3A_132 = arith.constant 0 : i32
    %dma_start3A_133 = tpu.memref_slice %arg5[%select_n3A, %dma_start3A_131, %select_n3A_32, %dma_start3A_132] : memref<2x32x4096x128xf32, #tpu.memory_space<hbm>> -> memref<1x1x256x128xf32, #tpu.memory_space<hbm>>
    %dma_start3A_134 = tpu.memref_squeeze %dma_start3A_133 : memref<1x1x256x128xf32, #tpu.memory_space<hbm>> -> memref<256x128xf32, #tpu.memory_space<hbm>>
    %dma_start3A_135 = arith.constant 0 : i32
    %dma_start3A_136 = tpu.memref_slice %arg5[%select_n3A, %dma_start3A_131, %select_n3A_32, %dma_start3A_135] : memref<2x32x4096x128xf32, #tpu.memory_space<hbm>> -> memref<1x1x256x128xf32, #tpu.memory_space<hbm>>
    %dma_start3A_137 = tpu.memref_squeeze %dma_start3A_136 : memref<1x1x256x128xf32, #tpu.memory_space<hbm>> -> memref<256x128xf32, #tpu.memory_space<hbm>>
    tpu.enqueue_dma source(%arg8 : memref<256x128xf32, #tpu.memory_space<vmem>>) target(%dma_start3A_137 : memref<256x128xf32, #tpu.memory_space<hbm>>) target_semaphore(%arg11 : memref<!tpu.dma_semaphore, #tpu.memory_space<semaphore_mem>>)
    %dma_start3A_138 = arith.constant 14 : i32
    %dma_start3A_139 = arith.constant 0 : i32
    %dma_start3A_140 = tpu.memref_slice %arg5[%select_n3A, %dma_start3A_138, %select_n3A_32, %dma_start3A_139] : memref<2x32x4096x128xf32, #tpu.memory_space<hbm>> -> memref<1x1x256x128xf32, #tpu.memory_space<hbm>>
    %dma_start3A_141 = tpu.memref_squeeze %dma_start3A_140 : memref<1x1x256x128xf32, #tpu.memory_space<hbm>> -> memref<256x128xf32, #tpu.memory_space<hbm>>
    %dma_start3A_142 = arith.constant 0 : i32
    %dma_start3A_143 = tpu.memref_slice %arg5[%select_n3A, %dma_start3A_138, %select_n3A_32, %dma_start3A_142] : memref<2x32x4096x128xf32, #tpu.memory_space<hbm>> -> memref<1x1x256x128xf32, #tpu.memory_space<hbm>>
    %dma_start3A_144 = tpu.memref_squeeze %dma_start3A_143 : memref<1x1x256x128xf32, #tpu.memory_space<hbm>> -> memref<256x128xf32, #tpu.memory_space<hbm>>
    tpu.enqueue_dma source(%arg8 : memref<256x128xf32, #tpu.memory_space<vmem>>) target(%dma_start3A_144 : memref<256x128xf32, #tpu.memory_space<hbm>>) target_semaphore(%arg11 : memref<!tpu.dma_semaphore, #tpu.memory_space<semaphore_mem>>)
    %dma_start3A_145 = arith.constant 15 : i32
    %dma_start3A_146 = arith.constant 0 : i32
    %dma_start3A_147 = tpu.memref_slice %arg5[%select_n3A, %dma_start3A_145, %select_n3A_32, %dma_start3A_146] : memref<2x32x4096x128xf32, #tpu.memory_space<hbm>> -> memref<1x1x256x128xf32, #tpu.memory_space<hbm>>
    %dma_start3A_148 = tpu.memref_squeeze %dma_start3A_147 : memref<1x1x256x128xf32, #tpu.memory_space<hbm>> -> memref<256x128xf32, #tpu.memory_space<hbm>>
    %dma_start3A_149 = arith.constant 0 : i32
    %dma_start3A_150 = tpu.memref_slice %arg5[%select_n3A, %dma_start3A_145, %select_n3A_32, %dma_start3A_149] : memref<2x32x4096x128xf32, #tpu.memory_space<hbm>> -> memref<1x1x256x128xf32, #tpu.memory_space<hbm>>
    %dma_start3A_151 = tpu.memref_squeeze %dma_start3A_150 : memref<1x1x256x128xf32, #tpu.memory_space<hbm>> -> memref<256x128xf32, #tpu.memory_space<hbm>>
    tpu.enqueue_dma source(%arg8 : memref<256x128xf32, #tpu.memory_space<vmem>>) target(%dma_start3A_151 : memref<256x128xf32, #tpu.memory_space<hbm>>) target_semaphore(%arg11 : memref<!tpu.dma_semaphore, #tpu.memory_space<semaphore_mem>>)
    %dma_start3A_152 = arith.constant 16 : i32
    %dma_start3A_153 = arith.constant 0 : i32
    %dma_start3A_154 = tpu.memref_slice %arg5[%select_n3A, %dma_start3A_152, %select_n3A_32, %dma_start3A_153] : memref<2x32x4096x128xf32, #tpu.memory_space<hbm>> -> memref<1x1x256x128xf32, #tpu.memory_space<hbm>>
    %dma_start3A_155 = tpu.memref_squeeze %dma_start3A_154 : memref<1x1x256x128xf32, #tpu.memory_space<hbm>> -> memref<256x128xf32, #tpu.memory_space<hbm>>
    %dma_start3A_156 = arith.constant 0 : i32
    %dma_start3A_157 = tpu.memref_slice %arg5[%select_n3A, %dma_start3A_152, %select_n3A_32, %dma_start3A_156] : memref<2x32x4096x128xf32, #tpu.memory_space<hbm>> -> memref<1x1x256x128xf32, #tpu.memory_space<hbm>>
    %dma_start3A_158 = tpu.memref_squeeze %dma_start3A_157 : memref<1x1x256x128xf32, #tpu.memory_space<hbm>> -> memref<256x128xf32, #tpu.memory_space<hbm>>
    tpu.enqueue_dma source(%arg8 : memref<256x128xf32, #tpu.memory_space<vmem>>) target(%dma_start3A_158 : memref<256x128xf32, #tpu.memory_space<hbm>>) target_semaphore(%arg11 : memref<!tpu.dma_semaphore, #tpu.memory_space<semaphore_mem>>)
    %dma_start3A_159 = arith.constant 17 : i32
    %dma_start3A_160 = arith.constant 0 : i32
    %dma_start3A_161 = tpu.memref_slice %arg5[%select_n3A, %dma_start3A_159, %select_n3A_32, %dma_start3A_160] : memref<2x32x4096x128xf32, #tpu.memory_space<hbm>> -> memref<1x1x256x128xf32, #tpu.memory_space<hbm>>
    %dma_start3A_162 = tpu.memref_squeeze %dma_start3A_161 : memref<1x1x256x128xf32, #tpu.memory_space<hbm>> -> memref<256x128xf32, #tpu.memory_space<hbm>>
    %dma_start3A_163 = arith.constant 0 : i32
    %dma_start3A_164 = tpu.memref_slice %arg5[%select_n3A, %dma_start3A_159, %select_n3A_32, %dma_start3A_163] : memref<2x32x4096x128xf32, #tpu.memory_space<hbm>> -> memref<1x1x256x128xf32, #tpu.memory_space<hbm>>
    %dma_start3A_165 = tpu.memref_squeeze %dma_start3A_164 : memref<1x1x256x128xf32, #tpu.memory_space<hbm>> -> memref<256x128xf32, #tpu.memory_space<hbm>>
    tpu.enqueue_dma source(%arg8 : memref<256x128xf32, #tpu.memory_space<vmem>>) target(%dma_start3A_165 : memref<256x128xf32, #tpu.memory_space<hbm>>) target_semaphore(%arg11 : memref<!tpu.dma_semaphore, #tpu.memory_space<semaphore_mem>>)
    %dma_start3A_166 = arith.constant 18 : i32
    %dma_start3A_167 = arith.constant 0 : i32
    %dma_start3A_168 = tpu.memref_slice %arg5[%select_n3A, %dma_start3A_166, %select_n3A_32, %dma_start3A_167] : memref<2x32x4096x128xf32, #tpu.memory_space<hbm>> -> memref<1x1x256x128xf32, #tpu.memory_space<hbm>>
    %dma_start3A_169 = tpu.memref_squeeze %dma_start3A_168 : memref<1x1x256x128xf32, #tpu.memory_space<hbm>> -> memref<256x128xf32, #tpu.memory_space<hbm>>
    %dma_start3A_170 = arith.constant 0 : i32
    %dma_start3A_171 = tpu.memref_slice %arg5[%select_n3A, %dma_start3A_166, %select_n3A_32, %dma_start3A_170] : memref<2x32x4096x128xf32, #tpu.memory_space<hbm>> -> memref<1x1x256x128xf32, #tpu.memory_space<hbm>>
    %dma_start3A_172 = tpu.memref_squeeze %dma_start3A_171 : memref<1x1x256x128xf32, #tpu.memory_space<hbm>> -> memref<256x128xf32, #tpu.memory_space<hbm>>
    tpu.enqueue_dma source(%arg8 : memref<256x128xf32, #tpu.memory_space<vmem>>) target(%dma_start3A_172 : memref<256x128xf32, #tpu.memory_space<hbm>>) target_semaphore(%arg11 : memref<!tpu.dma_semaphore, #tpu.memory_space<semaphore_mem>>)
    %dma_start3A_173 = arith.constant 19 : i32
    %dma_start3A_174 = arith.constant 0 : i32
    %dma_start3A_175 = tpu.memref_slice %arg5[%select_n3A, %dma_start3A_173, %select_n3A_32, %dma_start3A_174] : memref<2x32x4096x128xf32, #tpu.memory_space<hbm>> -> memref<1x1x256x128xf32, #tpu.memory_space<hbm>>
    %dma_start3A_176 = tpu.memref_squeeze %dma_start3A_175 : memref<1x1x256x128xf32, #tpu.memory_space<hbm>> -> memref<256x128xf32, #tpu.memory_space<hbm>>
    %dma_start3A_177 = arith.constant 0 : i32
    %dma_start3A_178 = tpu.memref_slice %arg5[%select_n3A, %dma_start3A_173, %select_n3A_32, %dma_start3A_177] : memref<2x32x4096x128xf32, #tpu.memory_space<hbm>> -> memref<1x1x256x128xf32, #tpu.memory_space<hbm>>
    %dma_start3A_179 = tpu.memref_squeeze %dma_start3A_178 : memref<1x1x256x128xf32, #tpu.memory_space<hbm>> -> memref<256x128xf32, #tpu.memory_space<hbm>>
    tpu.enqueue_dma source(%arg8 : memref<256x128xf32, #tpu.memory_space<vmem>>) target(%dma_start3A_179 : memref<256x128xf32, #tpu.memory_space<hbm>>) target_semaphore(%arg11 : memref<!tpu.dma_semaphore, #tpu.memory_space<semaphore_mem>>)
    %dma_start3A_180 = arith.constant 20 : i32
    %dma_start3A_181 = arith.constant 0 : i32
    %dma_start3A_182 = tpu.memref_slice %arg5[%select_n3A, %dma_start3A_180, %select_n3A_32, %dma_start3A_181] : memref<2x32x4096x128xf32, #tpu.memory_space<hbm>> -> memref<1x1x256x128xf32, #tpu.memory_space<hbm>>
    %dma_start3A_183 = tpu.memref_squeeze %dma_start3A_182 : memref<1x1x256x128xf32, #tpu.memory_space<hbm>> -> memref<256x128xf32, #tpu.memory_space<hbm>>
    %dma_start3A_184 = arith.constant 0 : i32
    %dma_start3A_185 = tpu.memref_slice %arg5[%select_n3A, %dma_start3A_180, %select_n3A_32, %dma_start3A_184] : memref<2x32x4096x128xf32, #tpu.memory_space<hbm>> -> memref<1x1x256x128xf32, #tpu.memory_space<hbm>>
    %dma_start3A_186 = tpu.memref_squeeze %dma_start3A_185 : memref<1x1x256x128xf32, #tpu.memory_space<hbm>> -> memref<256x128xf32, #tpu.memory_space<hbm>>
    tpu.enqueue_dma source(%arg8 : memref<256x128xf32, #tpu.memory_space<vmem>>) target(%dma_start3A_186 : memref<256x128xf32, #tpu.memory_space<hbm>>) target_semaphore(%arg11 : memref<!tpu.dma_semaphore, #tpu.memory_space<semaphore_mem>>)
    %dma_start3A_187 = arith.constant 21 : i32
    %dma_start3A_188 = arith.constant 0 : i32
    %dma_start3A_189 = tpu.memref_slice %arg5[%select_n3A, %dma_start3A_187, %select_n3A_32, %dma_start3A_188] : memref<2x32x4096x128xf32, #tpu.memory_space<hbm>> -> memref<1x1x256x128xf32, #tpu.memory_space<hbm>>
    %dma_start3A_190 = tpu.memref_squeeze %dma_start3A_189 : memref<1x1x256x128xf32, #tpu.memory_space<hbm>> -> memref<256x128xf32, #tpu.memory_space<hbm>>
    %dma_start3A_191 = arith.constant 0 : i32
    %dma_start3A_192 = tpu.memref_slice %arg5[%select_n3A, %dma_start3A_187, %select_n3A_32, %dma_start3A_191] : memref<2x32x4096x128xf32, #tpu.memory_space<hbm>> -> memref<1x1x256x128xf32, #tpu.memory_space<hbm>>
    %dma_start3A_193 = tpu.memref_squeeze %dma_start3A_192 : memref<1x1x256x128xf32, #tpu.memory_space<hbm>> -> memref<256x128xf32, #tpu.memory_space<hbm>>
    tpu.enqueue_dma source(%arg8 : memref<256x128xf32, #tpu.memory_space<vmem>>) target(%dma_start3A_193 : memref<256x128xf32, #tpu.memory_space<hbm>>) target_semaphore(%arg11 : memref<!tpu.dma_semaphore, #tpu.memory_space<semaphore_mem>>)
    %dma_start3A_194 = arith.constant 22 : i32
    %dma_start3A_195 = arith.constant 0 : i32
    %dma_start3A_196 = tpu.memref_slice %arg5[%select_n3A, %dma_start3A_194, %select_n3A_32, %dma_start3A_195] : memref<2x32x4096x128xf32, #tpu.memory_space<hbm>> -> memref<1x1x256x128xf32, #tpu.memory_space<hbm>>
    %dma_start3A_197 = tpu.memref_squeeze %dma_start3A_196 : memref<1x1x256x128xf32, #tpu.memory_space<hbm>> -> memref<256x128xf32, #tpu.memory_space<hbm>>
    %dma_start3A_198 = arith.constant 0 : i32
    %dma_start3A_199 = tpu.memref_slice %arg5[%select_n3A, %dma_start3A_194, %select_n3A_32, %dma_start3A_198] : memref<2x32x4096x128xf32, #tpu.memory_space<hbm>> -> memref<1x1x256x128xf32, #tpu.memory_space<hbm>>
    %dma_start3A_200 = tpu.memref_squeeze %dma_start3A_199 : memref<1x1x256x128xf32, #tpu.memory_space<hbm>> -> memref<256x128xf32, #tpu.memory_space<hbm>>
    tpu.enqueue_dma source(%arg8 : memref<256x128xf32, #tpu.memory_space<vmem>>) target(%dma_start3A_200 : memref<256x128xf32, #tpu.memory_space<hbm>>) target_semaphore(%arg11 : memref<!tpu.dma_semaphore, #tpu.memory_space<semaphore_mem>>)
    %dma_start3A_201 = arith.constant 23 : i32
    %dma_start3A_202 = arith.constant 0 : i32
    %dma_start3A_203 = tpu.memref_slice %arg5[%select_n3A, %dma_start3A_201, %select_n3A_32, %dma_start3A_202] : memref<2x32x4096x128xf32, #tpu.memory_space<hbm>> -> memref<1x1x256x128xf32, #tpu.memory_space<hbm>>
    %dma_start3A_204 = tpu.memref_squeeze %dma_start3A_203 : memref<1x1x256x128xf32, #tpu.memory_space<hbm>> -> memref<256x128xf32, #tpu.memory_space<hbm>>
    %dma_start3A_205 = arith.constant 0 : i32
    %dma_start3A_206 = tpu.memref_slice %arg5[%select_n3A, %dma_start3A_201, %select_n3A_32, %dma_start3A_205] : memref<2x32x4096x128xf32, #tpu.memory_space<hbm>> -> memref<1x1x256x128xf32, #tpu.memory_space<hbm>>
    %dma_start3A_207 = tpu.memref_squeeze %dma_start3A_206 : memref<1x1x256x128xf32, #tpu.memory_space<hbm>> -> memref<256x128xf32, #tpu.memory_space<hbm>>
    tpu.enqueue_dma source(%arg8 : memref<256x128xf32, #tpu.memory_space<vmem>>) target(%dma_start3A_207 : memref<256x128xf32, #tpu.memory_space<hbm>>) target_semaphore(%arg11 : memref<!tpu.dma_semaphore, #tpu.memory_space<semaphore_mem>>)
    %dma_start3A_208 = arith.constant 24 : i32
    %dma_start3A_209 = arith.constant 0 : i32
    %dma_start3A_210 = tpu.memref_slice %arg5[%select_n3A, %dma_start3A_208, %select_n3A_32, %dma_start3A_209] : memref<2x32x4096x128xf32, #tpu.memory_space<hbm>> -> memref<1x1x256x128xf32, #tpu.memory_space<hbm>>
    %dma_start3A_211 = tpu.memref_squeeze %dma_start3A_210 : memref<1x1x256x128xf32, #tpu.memory_space<hbm>> -> memref<256x128xf32, #tpu.memory_space<hbm>>
    %dma_start3A_212 = arith.constant 0 : i32
    %dma_start3A_213 = tpu.memref_slice %arg5[%select_n3A, %dma_start3A_208, %select_n3A_32, %dma_start3A_212] : memref<2x32x4096x128xf32, #tpu.memory_space<hbm>> -> memref<1x1x256x128xf32, #tpu.memory_space<hbm>>
    %dma_start3A_214 = tpu.memref_squeeze %dma_start3A_213 : memref<1x1x256x128xf32, #tpu.memory_space<hbm>> -> memref<256x128xf32, #tpu.memory_space<hbm>>
    tpu.enqueue_dma source(%arg8 : memref<256x128xf32, #tpu.memory_space<vmem>>) target(%dma_start3A_214 : memref<256x128xf32, #tpu.memory_space<hbm>>) target_semaphore(%arg11 : memref<!tpu.dma_semaphore, #tpu.memory_space<semaphore_mem>>)
    %dma_start3A_215 = arith.constant 25 : i32
    %dma_start3A_216 = arith.constant 0 : i32
    %dma_start3A_217 = tpu.memref_slice %arg5[%select_n3A, %dma_start3A_215, %select_n3A_32, %dma_start3A_216] : memref<2x32x4096x128xf32, #tpu.memory_space<hbm>> -> memref<1x1x256x128xf32, #tpu.memory_space<hbm>>
    %dma_start3A_218 = tpu.memref_squeeze %dma_start3A_217 : memref<1x1x256x128xf32, #tpu.memory_space<hbm>> -> memref<256x128xf32, #tpu.memory_space<hbm>>
    %dma_start3A_219 = arith.constant 0 : i32
    %dma_start3A_220 = tpu.memref_slice %arg5[%select_n3A, %dma_start3A_215, %select_n3A_32, %dma_start3A_219] : memref<2x32x4096x128xf32, #tpu.memory_space<hbm>> -> memref<1x1x256x128xf32, #tpu.memory_space<hbm>>
    %dma_start3A_221 = tpu.memref_squeeze %dma_start3A_220 : memref<1x1x256x128xf32, #tpu.memory_space<hbm>> -> memref<256x128xf32, #tpu.memory_space<hbm>>
    tpu.enqueue_dma source(%arg8 : memref<256x128xf32, #tpu.memory_space<vmem>>) target(%dma_start3A_221 : memref<256x128xf32, #tpu.memory_space<hbm>>) target_semaphore(%arg11 : memref<!tpu.dma_semaphore, #tpu.memory_space<semaphore_mem>>)
    %dma_start3A_222 = arith.constant 26 : i32
    %dma_start3A_223 = arith.constant 0 : i32
    %dma_start3A_224 = tpu.memref_slice %arg5[%select_n3A, %dma_start3A_222, %select_n3A_32, %dma_start3A_223] : memref<2x32x4096x128xf32, #tpu.memory_space<hbm>> -> memref<1x1x256x128xf32, #tpu.memory_space<hbm>>
    %dma_start3A_225 = tpu.memref_squeeze %dma_start3A_224 : memref<1x1x256x128xf32, #tpu.memory_space<hbm>> -> memref<256x128xf32, #tpu.memory_space<hbm>>
    %dma_start3A_226 = arith.constant 0 : i32
    %dma_start3A_227 = tpu.memref_slice %arg5[%select_n3A, %dma_start3A_222, %select_n3A_32, %dma_start3A_226] : memref<2x32x4096x128xf32, #tpu.memory_space<hbm>> -> memref<1x1x256x128xf32, #tpu.memory_space<hbm>>
    %dma_start3A_228 = tpu.memref_squeeze %dma_start3A_227 : memref<1x1x256x128xf32, #tpu.memory_space<hbm>> -> memref<256x128xf32, #tpu.memory_space<hbm>>
    tpu.enqueue_dma source(%arg8 : memref<256x128xf32, #tpu.memory_space<vmem>>) target(%dma_start3A_228 : memref<256x128xf32, #tpu.memory_space<hbm>>) target_semaphore(%arg11 : memref<!tpu.dma_semaphore, #tpu.memory_space<semaphore_mem>>)
    %dma_start3A_229 = arith.constant 27 : i32
    %dma_start3A_230 = arith.constant 0 : i32
    %dma_start3A_231 = tpu.memref_slice %arg5[%select_n3A, %dma_start3A_229, %select_n3A_32, %dma_start3A_230] : memref<2x32x4096x128xf32, #tpu.memory_space<hbm>> -> memref<1x1x256x128xf32, #tpu.memory_space<hbm>>
    %dma_start3A_232 = tpu.memref_squeeze %dma_start3A_231 : memref<1x1x256x128xf32, #tpu.memory_space<hbm>> -> memref<256x128xf32, #tpu.memory_space<hbm>>
    %dma_start3A_233 = arith.constant 0 : i32
    %dma_start3A_234 = tpu.memref_slice %arg5[%select_n3A, %dma_start3A_229, %select_n3A_32, %dma_start3A_233] : memref<2x32x4096x128xf32, #tpu.memory_space<hbm>> -> memref<1x1x256x128xf32, #tpu.memory_space<hbm>>
    %dma_start3A_235 = tpu.memref_squeeze %dma_start3A_234 : memref<1x1x256x128xf32, #tpu.memory_space<hbm>> -> memref<256x128xf32, #tpu.memory_space<hbm>>
    tpu.enqueue_dma source(%arg8 : memref<256x128xf32, #tpu.memory_space<vmem>>) target(%dma_start3A_235 : memref<256x128xf32, #tpu.memory_space<hbm>>) target_semaphore(%arg11 : memref<!tpu.dma_semaphore, #tpu.memory_space<semaphore_mem>>)
    %dma_start3A_236 = arith.constant 28 : i32
    %dma_start3A_237 = arith.constant 0 : i32
    %dma_start3A_238 = tpu.memref_slice %arg5[%select_n3A, %dma_start3A_236, %select_n3A_32, %dma_start3A_237] : memref<2x32x4096x128xf32, #tpu.memory_space<hbm>> -> memref<1x1x256x128xf32, #tpu.memory_space<hbm>>
    %dma_start3A_239 = tpu.memref_squeeze %dma_start3A_238 : memref<1x1x256x128xf32, #tpu.memory_space<hbm>> -> memref<256x128xf32, #tpu.memory_space<hbm>>
    %dma_start3A_240 = arith.constant 0 : i32
    %dma_start3A_241 = tpu.memref_slice %arg5[%select_n3A, %dma_start3A_236, %select_n3A_32, %dma_start3A_240] : memref<2x32x4096x128xf32, #tpu.memory_space<hbm>> -> memref<1x1x256x128xf32, #tpu.memory_space<hbm>>
    %dma_start3A_242 = tpu.memref_squeeze %dma_start3A_241 : memref<1x1x256x128xf32, #tpu.memory_space<hbm>> -> memref<256x128xf32, #tpu.memory_space<hbm>>
    tpu.enqueue_dma source(%arg8 : memref<256x128xf32, #tpu.memory_space<vmem>>) target(%dma_start3A_242 : memref<256x128xf32, #tpu.memory_space<hbm>>) target_semaphore(%arg11 : memref<!tpu.dma_semaphore, #tpu.memory_space<semaphore_mem>>)
    %dma_start3A_243 = arith.constant 29 : i32
    %dma_start3A_244 = arith.constant 0 : i32
    %dma_start3A_245 = tpu.memref_slice %arg5[%select_n3A, %dma_start3A_243, %select_n3A_32, %dma_start3A_244] : memref<2x32x4096x128xf32, #tpu.memory_space<hbm>> -> memref<1x1x256x128xf32, #tpu.memory_space<hbm>>
    %dma_start3A_246 = tpu.memref_squeeze %dma_start3A_245 : memref<1x1x256x128xf32, #tpu.memory_space<hbm>> -> memref<256x128xf32, #tpu.memory_space<hbm>>
    %dma_start3A_247 = arith.constant 0 : i32
    %dma_start3A_248 = tpu.memref_slice %arg5[%select_n3A, %dma_start3A_243, %select_n3A_32, %dma_start3A_247] : memref<2x32x4096x128xf32, #tpu.memory_space<hbm>> -> memref<1x1x256x128xf32, #tpu.memory_space<hbm>>
    %dma_start3A_249 = tpu.memref_squeeze %dma_start3A_248 : memref<1x1x256x128xf32, #tpu.memory_space<hbm>> -> memref<256x128xf32, #tpu.memory_space<hbm>>
    tpu.enqueue_dma source(%arg8 : memref<256x128xf32, #tpu.memory_space<vmem>>) target(%dma_start3A_249 : memref<256x128xf32, #tpu.memory_space<hbm>>) target_semaphore(%arg11 : memref<!tpu.dma_semaphore, #tpu.memory_space<semaphore_mem>>)
    %dma_start3A_250 = arith.constant 30 : i32
    %dma_start3A_251 = arith.constant 0 : i32
    %dma_start3A_252 = tpu.memref_slice %arg5[%select_n3A, %dma_start3A_250, %select_n3A_32, %dma_start3A_251] : memref<2x32x4096x128xf32, #tpu.memory_space<hbm>> -> memref<1x1x256x128xf32, #tpu.memory_space<hbm>>
    %dma_start3A_253 = tpu.memref_squeeze %dma_start3A_252 : memref<1x1x256x128xf32, #tpu.memory_space<hbm>> -> memref<256x128xf32, #tpu.memory_space<hbm>>
    %dma_start3A_254 = arith.constant 0 : i32
    %dma_start3A_255 = tpu.memref_slice %arg5[%select_n3A, %dma_start3A_250, %select_n3A_32, %dma_start3A_254] : memref<2x32x4096x128xf32, #tpu.memory_space<hbm>> -> memref<1x1x256x128xf32, #tpu.memory_space<hbm>>
    %dma_start3A_256 = tpu.memref_squeeze %dma_start3A_255 : memref<1x1x256x128xf32, #tpu.memory_space<hbm>> -> memref<256x128xf32, #tpu.memory_space<hbm>>
    tpu.enqueue_dma source(%arg8 : memref<256x128xf32, #tpu.memory_space<vmem>>) target(%dma_start3A_256 : memref<256x128xf32, #tpu.memory_space<hbm>>) target_semaphore(%arg11 : memref<!tpu.dma_semaphore, #tpu.memory_space<semaphore_mem>>)
    %dma_start3A_257 = arith.constant 31 : i32
    %dma_start3A_258 = arith.constant 0 : i32
    %dma_start3A_259 = tpu.memref_slice %arg5[%select_n3A, %dma_start3A_257, %select_n3A_32, %dma_start3A_258] : memref<2x32x4096x128xf32, #tpu.memory_space<hbm>> -> memref<1x1x256x128xf32, #tpu.memory_space<hbm>>
    %dma_start3A_260 = tpu.memref_squeeze %dma_start3A_259 : memref<1x1x256x128xf32, #tpu.memory_space<hbm>> -> memref<256x128xf32, #tpu.memory_space<hbm>>
    %dma_start3A_261 = arith.constant 0 : i32
    %dma_start3A_262 = tpu.memref_slice %arg5[%select_n3A, %dma_start3A_257, %select_n3A_32, %dma_start3A_261] : memref<2x32x4096x128xf32, #tpu.memory_space<hbm>> -> memref<1x1x256x128xf32, #tpu.memory_space<hbm>>
    %dma_start3A_263 = tpu.memref_squeeze %dma_start3A_262 : memref<1x1x256x128xf32, #tpu.memory_space<hbm>> -> memref<256x128xf32, #tpu.memory_space<hbm>>
    tpu.enqueue_dma source(%arg8 : memref<256x128xf32, #tpu.memory_space<vmem>>) target(%dma_start3A_263 : memref<256x128xf32, #tpu.memory_space<hbm>>) target_semaphore(%arg11 : memref<!tpu.dma_semaphore, #tpu.memory_space<semaphore_mem>>)
    %dma_wait3A_264 = arith.constant 0 : i32
    %dma_wait3A_265 = arith.constant 0 : i32
    %dma_wait3A_266 = tpu.memref_slice %arg3[%dma_wait3A_264, %dma_wait3A_265] : memref<4096x128xf32, #tpu.memory_space<hbm>> -> memref<4096x128xf32, #tpu.memory_space<hbm>>
    tpu.wait_indirect_dma semaphore(%arg10 : memref<!tpu.dma_semaphore, #tpu.memory_space<semaphore_mem>>) src(%dma_wait3A_266 : memref<4096x128xf32, #tpu.memory_space<hbm>>) dst(%arg9 : memref<256x128xf32, #tpu.memory_space<vmem>>)
    %dma_start3A_267 = arith.constant 0 : i32
    %dma_start3A_268 = arith.constant 0 : i32
    %dma_start3A_269 = tpu.memref_slice %arg6[%select_n3A, %dma_start3A_267, %select_n3A_32, %dma_start3A_268] : memref<2x32x4096x128xf32, #tpu.memory_space<hbm>> -> memref<1x1x256x128xf32, #tpu.memory_space<hbm>>
    %dma_start3A_270 = tpu.memref_squeeze %dma_start3A_269 : memref<1x1x256x128xf32, #tpu.memory_space<hbm>> -> memref<256x128xf32, #tpu.memory_space<hbm>>
    %dma_start3A_271 = arith.constant 0 : i32
    %dma_start3A_272 = tpu.memref_slice %arg6[%select_n3A, %dma_start3A_267, %select_n3A_32, %dma_start3A_271] : memref<2x32x4096x128xf32, #tpu.memory_space<hbm>> -> memref<1x1x256x128xf32, #tpu.memory_space<hbm>>
    %dma_start3A_273 = tpu.memref_squeeze %dma_start3A_272 : memref<1x1x256x128xf32, #tpu.memory_space<hbm>> -> memref<256x128xf32, #tpu.memory_space<hbm>>
    tpu.enqueue_dma source(%arg9 : memref<256x128xf32, #tpu.memory_space<vmem>>) target(%dma_start3A_273 : memref<256x128xf32, #tpu.memory_space<hbm>>) target_semaphore(%arg11 : memref<!tpu.dma_semaphore, #tpu.memory_space<semaphore_mem>>)
    %dma_start3A_274 = arith.constant 1 : i32
    %dma_start3A_275 = arith.constant 0 : i32
    %dma_start3A_276 = tpu.memref_slice %arg6[%select_n3A, %dma_start3A_274, %select_n3A_32, %dma_start3A_275] : memref<2x32x4096x128xf32, #tpu.memory_space<hbm>> -> memref<1x1x256x128xf32, #tpu.memory_space<hbm>>
    %dma_start3A_277 = tpu.memref_squeeze %dma_start3A_276 : memref<1x1x256x128xf32, #tpu.memory_space<hbm>> -> memref<256x128xf32, #tpu.memory_space<hbm>>
    %dma_start3A_278 = arith.constant 0 : i32
    %dma_start3A_279 = tpu.memref_slice %arg6[%select_n3A, %dma_start3A_274, %select_n3A_32, %dma_start3A_278] : memref<2x32x4096x128xf32, #tpu.memory_space<hbm>> -> memref<1x1x256x128xf32, #tpu.memory_space<hbm>>
    %dma_start3A_280 = tpu.memref_squeeze %dma_start3A_279 : memref<1x1x256x128xf32, #tpu.memory_space<hbm>> -> memref<256x128xf32, #tpu.memory_space<hbm>>
    tpu.enqueue_dma source(%arg9 : memref<256x128xf32, #tpu.memory_space<vmem>>) target(%dma_start3A_280 : memref<256x128xf32, #tpu.memory_space<hbm>>) target_semaphore(%arg11 : memref<!tpu.dma_semaphore, #tpu.memory_space<semaphore_mem>>)
    %dma_start3A_281 = arith.constant 2 : i32
    %dma_start3A_282 = arith.constant 0 : i32
    %dma_start3A_283 = tpu.memref_slice %arg6[%select_n3A, %dma_start3A_281, %select_n3A_32, %dma_start3A_282] : memref<2x32x4096x128xf32, #tpu.memory_space<hbm>> -> memref<1x1x256x128xf32, #tpu.memory_space<hbm>>
    %dma_start3A_284 = tpu.memref_squeeze %dma_start3A_283 : memref<1x1x256x128xf32, #tpu.memory_space<hbm>> -> memref<256x128xf32, #tpu.memory_space<hbm>>
    %dma_start3A_285 = arith.constant 0 : i32
    %dma_start3A_286 = tpu.memref_slice %arg6[%select_n3A, %dma_start3A_281, %select_n3A_32, %dma_start3A_285] : memref<2x32x4096x128xf32, #tpu.memory_space<hbm>> -> memref<1x1x256x128xf32, #tpu.memory_space<hbm>>
    %dma_start3A_287 = tpu.memref_squeeze %dma_start3A_286 : memref<1x1x256x128xf32, #tpu.memory_space<hbm>> -> memref<256x128xf32, #tpu.memory_space<hbm>>
    tpu.enqueue_dma source(%arg9 : memref<256x128xf32, #tpu.memory_space<vmem>>) target(%dma_start3A_287 : memref<256x128xf32, #tpu.memory_space<hbm>>) target_semaphore(%arg11 : memref<!tpu.dma_semaphore, #tpu.memory_space<semaphore_mem>>)
    %dma_start3A_288 = arith.constant 3 : i32
    %dma_start3A_289 = arith.constant 0 : i32
    %dma_start3A_290 = tpu.memref_slice %arg6[%select_n3A, %dma_start3A_288, %select_n3A_32, %dma_start3A_289] : memref<2x32x4096x128xf32, #tpu.memory_space<hbm>> -> memref<1x1x256x128xf32, #tpu.memory_space<hbm>>
    %dma_start3A_291 = tpu.memref_squeeze %dma_start3A_290 : memref<1x1x256x128xf32, #tpu.memory_space<hbm>> -> memref<256x128xf32, #tpu.memory_space<hbm>>
    %dma_start3A_292 = arith.constant 0 : i32
    %dma_start3A_293 = tpu.memref_slice %arg6[%select_n3A, %dma_start3A_288, %select_n3A_32, %dma_start3A_292] : memref<2x32x4096x128xf32, #tpu.memory_space<hbm>> -> memref<1x1x256x128xf32, #tpu.memory_space<hbm>>
    %dma_start3A_294 = tpu.memref_squeeze %dma_start3A_293 : memref<1x1x256x128xf32, #tpu.memory_space<hbm>> -> memref<256x128xf32, #tpu.memory_space<hbm>>
    tpu.enqueue_dma source(%arg9 : memref<256x128xf32, #tpu.memory_space<vmem>>) target(%dma_start3A_294 : memref<256x128xf32, #tpu.memory_space<hbm>>) target_semaphore(%arg11 : memref<!tpu.dma_semaphore, #tpu.memory_space<semaphore_mem>>)
    %dma_start3A_295 = arith.constant 4 : i32
    %dma_start3A_296 = arith.constant 0 : i32
    %dma_start3A_297 = tpu.memref_slice %arg6[%select_n3A, %dma_start3A_295, %select_n3A_32, %dma_start3A_296] : memref<2x32x4096x128xf32, #tpu.memory_space<hbm>> -> memref<1x1x256x128xf32, #tpu.memory_space<hbm>>
    %dma_start3A_298 = tpu.memref_squeeze %dma_start3A_297 : memref<1x1x256x128xf32, #tpu.memory_space<hbm>> -> memref<256x128xf32, #tpu.memory_space<hbm>>
    %dma_start3A_299 = arith.constant 0 : i32
    %dma_start3A_300 = tpu.memref_slice %arg6[%select_n3A, %dma_start3A_295, %select_n3A_32, %dma_start3A_299] : memref<2x32x4096x128xf32, #tpu.memory_space<hbm>> -> memref<1x1x256x128xf32, #tpu.memory_space<hbm>>
    %dma_start3A_301 = tpu.memref_squeeze %dma_start3A_300 : memref<1x1x256x128xf32, #tpu.memory_space<hbm>> -> memref<256x128xf32, #tpu.memory_space<hbm>>
    tpu.enqueue_dma source(%arg9 : memref<256x128xf32, #tpu.memory_space<vmem>>) target(%dma_start3A_301 : memref<256x128xf32, #tpu.memory_space<hbm>>) target_semaphore(%arg11 : memref<!tpu.dma_semaphore, #tpu.memory_space<semaphore_mem>>)
    %dma_start3A_302 = arith.constant 5 : i32
    %dma_start3A_303 = arith.constant 0 : i32
    %dma_start3A_304 = tpu.memref_slice %arg6[%select_n3A, %dma_start3A_302, %select_n3A_32, %dma_start3A_303] : memref<2x32x4096x128xf32, #tpu.memory_space<hbm>> -> memref<1x1x256x128xf32, #tpu.memory_space<hbm>>
    %dma_start3A_305 = tpu.memref_squeeze %dma_start3A_304 : memref<1x1x256x128xf32, #tpu.memory_space<hbm>> -> memref<256x128xf32, #tpu.memory_space<hbm>>
    %dma_start3A_306 = arith.constant 0 : i32
    %dma_start3A_307 = tpu.memref_slice %arg6[%select_n3A, %dma_start3A_302, %select_n3A_32, %dma_start3A_306] : memref<2x32x4096x128xf32, #tpu.memory_space<hbm>> -> memref<1x1x256x128xf32, #tpu.memory_space<hbm>>
    %dma_start3A_308 = tpu.memref_squeeze %dma_start3A_307 : memref<1x1x256x128xf32, #tpu.memory_space<hbm>> -> memref<256x128xf32, #tpu.memory_space<hbm>>
    tpu.enqueue_dma source(%arg9 : memref<256x128xf32, #tpu.memory_space<vmem>>) target(%dma_start3A_308 : memref<256x128xf32, #tpu.memory_space<hbm>>) target_semaphore(%arg11 : memref<!tpu.dma_semaphore, #tpu.memory_space<semaphore_mem>>)
    %dma_start3A_309 = arith.constant 6 : i32
    %dma_start3A_310 = arith.constant 0 : i32
    %dma_start3A_311 = tpu.memref_slice %arg6[%select_n3A, %dma_start3A_309, %select_n3A_32, %dma_start3A_310] : memref<2x32x4096x128xf32, #tpu.memory_space<hbm>> -> memref<1x1x256x128xf32, #tpu.memory_space<hbm>>
    %dma_start3A_312 = tpu.memref_squeeze %dma_start3A_311 : memref<1x1x256x128xf32, #tpu.memory_space<hbm>> -> memref<256x128xf32, #tpu.memory_space<hbm>>
    %dma_start3A_313 = arith.constant 0 : i32
    %dma_start3A_314 = tpu.memref_slice %arg6[%select_n3A, %dma_start3A_309, %select_n3A_32, %dma_start3A_313] : memref<2x32x4096x128xf32, #tpu.memory_space<hbm>> -> memref<1x1x256x128xf32, #tpu.memory_space<hbm>>
    %dma_start3A_315 = tpu.memref_squeeze %dma_start3A_314 : memref<1x1x256x128xf32, #tpu.memory_space<hbm>> -> memref<256x128xf32, #tpu.memory_space<hbm>>
    tpu.enqueue_dma source(%arg9 : memref<256x128xf32, #tpu.memory_space<vmem>>) target(%dma_start3A_315 : memref<256x128xf32, #tpu.memory_space<hbm>>) target_semaphore(%arg11 : memref<!tpu.dma_semaphore, #tpu.memory_space<semaphore_mem>>)
    %dma_start3A_316 = arith.constant 7 : i32
    %dma_start3A_317 = arith.constant 0 : i32
    %dma_start3A_318 = tpu.memref_slice %arg6[%select_n3A, %dma_start3A_316, %select_n3A_32, %dma_start3A_317] : memref<2x32x4096x128xf32, #tpu.memory_space<hbm>> -> memref<1x1x256x128xf32, #tpu.memory_space<hbm>>
    %dma_start3A_319 = tpu.memref_squeeze %dma_start3A_318 : memref<1x1x256x128xf32, #tpu.memory_space<hbm>> -> memref<256x128xf32, #tpu.memory_space<hbm>>
    %dma_start3A_320 = arith.constant 0 : i32
    %dma_start3A_321 = tpu.memref_slice %arg6[%select_n3A, %dma_start3A_316, %select_n3A_32, %dma_start3A_320] : memref<2x32x4096x128xf32, #tpu.memory_space<hbm>> -> memref<1x1x256x128xf32, #tpu.memory_space<hbm>>
    %dma_start3A_322 = tpu.memref_squeeze %dma_start3A_321 : memref<1x1x256x128xf32, #tpu.memory_space<hbm>> -> memref<256x128xf32, #tpu.memory_space<hbm>>
    tpu.enqueue_dma source(%arg9 : memref<256x128xf32, #tpu.memory_space<vmem>>) target(%dma_start3A_322 : memref<256x128xf32, #tpu.memory_space<hbm>>) target_semaphore(%arg11 : memref<!tpu.dma_semaphore, #tpu.memory_space<semaphore_mem>>)
    %dma_start3A_323 = arith.constant 8 : i32
    %dma_start3A_324 = arith.constant 0 : i32
    %dma_start3A_325 = tpu.memref_slice %arg6[%select_n3A, %dma_start3A_323, %select_n3A_32, %dma_start3A_324] : memref<2x32x4096x128xf32, #tpu.memory_space<hbm>> -> memref<1x1x256x128xf32, #tpu.memory_space<hbm>>
    %dma_start3A_326 = tpu.memref_squeeze %dma_start3A_325 : memref<1x1x256x128xf32, #tpu.memory_space<hbm>> -> memref<256x128xf32, #tpu.memory_space<hbm>>
    %dma_start3A_327 = arith.constant 0 : i32
    %dma_start3A_328 = tpu.memref_slice %arg6[%select_n3A, %dma_start3A_323, %select_n3A_32, %dma_start3A_327] : memref<2x32x4096x128xf32, #tpu.memory_space<hbm>> -> memref<1x1x256x128xf32, #tpu.memory_space<hbm>>
    %dma_start3A_329 = tpu.memref_squeeze %dma_start3A_328 : memref<1x1x256x128xf32, #tpu.memory_space<hbm>> -> memref<256x128xf32, #tpu.memory_space<hbm>>
    tpu.enqueue_dma source(%arg9 : memref<256x128xf32, #tpu.memory_space<vmem>>) target(%dma_start3A_329 : memref<256x128xf32, #tpu.memory_space<hbm>>) target_semaphore(%arg11 : memref<!tpu.dma_semaphore, #tpu.memory_space<semaphore_mem>>)
    %dma_start3A_330 = arith.constant 9 : i32
    %dma_start3A_331 = arith.constant 0 : i32
    %dma_start3A_332 = tpu.memref_slice %arg6[%select_n3A, %dma_start3A_330, %select_n3A_32, %dma_start3A_331] : memref<2x32x4096x128xf32, #tpu.memory_space<hbm>> -> memref<1x1x256x128xf32, #tpu.memory_space<hbm>>
    %dma_start3A_333 = tpu.memref_squeeze %dma_start3A_332 : memref<1x1x256x128xf32, #tpu.memory_space<hbm>> -> memref<256x128xf32, #tpu.memory_space<hbm>>
    %dma_start3A_334 = arith.constant 0 : i32
    %dma_start3A_335 = tpu.memref_slice %arg6[%select_n3A, %dma_start3A_330, %select_n3A_32, %dma_start3A_334] : memref<2x32x4096x128xf32, #tpu.memory_space<hbm>> -> memref<1x1x256x128xf32, #tpu.memory_space<hbm>>
    %dma_start3A_336 = tpu.memref_squeeze %dma_start3A_335 : memref<1x1x256x128xf32, #tpu.memory_space<hbm>> -> memref<256x128xf32, #tpu.memory_space<hbm>>
    tpu.enqueue_dma source(%arg9 : memref<256x128xf32, #tpu.memory_space<vmem>>) target(%dma_start3A_336 : memref<256x128xf32, #tpu.memory_space<hbm>>) target_semaphore(%arg11 : memref<!tpu.dma_semaphore, #tpu.memory_space<semaphore_mem>>)
    %dma_start3A_337 = arith.constant 10 : i32
    %dma_start3A_338 = arith.constant 0 : i32
    %dma_start3A_339 = tpu.memref_slice %arg6[%select_n3A, %dma_start3A_337, %select_n3A_32, %dma_start3A_338] : memref<2x32x4096x128xf32, #tpu.memory_space<hbm>> -> memref<1x1x256x128xf32, #tpu.memory_space<hbm>>
    %dma_start3A_340 = tpu.memref_squeeze %dma_start3A_339 : memref<1x1x256x128xf32, #tpu.memory_space<hbm>> -> memref<256x128xf32, #tpu.memory_space<hbm>>
    %dma_start3A_341 = arith.constant 0 : i32
    %dma_start3A_342 = tpu.memref_slice %arg6[%select_n3A, %dma_start3A_337, %select_n3A_32, %dma_start3A_341] : memref<2x32x4096x128xf32, #tpu.memory_space<hbm>> -> memref<1x1x256x128xf32, #tpu.memory_space<hbm>>
    %dma_start3A_343 = tpu.memref_squeeze %dma_start3A_342 : memref<1x1x256x128xf32, #tpu.memory_space<hbm>> -> memref<256x128xf32, #tpu.memory_space<hbm>>
    tpu.enqueue_dma source(%arg9 : memref<256x128xf32, #tpu.memory_space<vmem>>) target(%dma_start3A_343 : memref<256x128xf32, #tpu.memory_space<hbm>>) target_semaphore(%arg11 : memref<!tpu.dma_semaphore, #tpu.memory_space<semaphore_mem>>)
    %dma_start3A_344 = arith.constant 11 : i32
    %dma_start3A_345 = arith.constant 0 : i32
    %dma_start3A_346 = tpu.memref_slice %arg6[%select_n3A, %dma_start3A_344, %select_n3A_32, %dma_start3A_345] : memref<2x32x4096x128xf32, #tpu.memory_space<hbm>> -> memref<1x1x256x128xf32, #tpu.memory_space<hbm>>
    %dma_start3A_347 = tpu.memref_squeeze %dma_start3A_346 : memref<1x1x256x128xf32, #tpu.memory_space<hbm>> -> memref<256x128xf32, #tpu.memory_space<hbm>>
    %dma_start3A_348 = arith.constant 0 : i32
    %dma_start3A_349 = tpu.memref_slice %arg6[%select_n3A, %dma_start3A_344, %select_n3A_32, %dma_start3A_348] : memref<2x32x4096x128xf32, #tpu.memory_space<hbm>> -> memref<1x1x256x128xf32, #tpu.memory_space<hbm>>
    %dma_start3A_350 = tpu.memref_squeeze %dma_start3A_349 : memref<1x1x256x128xf32, #tpu.memory_space<hbm>> -> memref<256x128xf32, #tpu.memory_space<hbm>>
    tpu.enqueue_dma source(%arg9 : memref<256x128xf32, #tpu.memory_space<vmem>>) target(%dma_start3A_350 : memref<256x128xf32, #tpu.memory_space<hbm>>) target_semaphore(%arg11 : memref<!tpu.dma_semaphore, #tpu.memory_space<semaphore_mem>>)
    %dma_start3A_351 = arith.constant 12 : i32
    %dma_start3A_352 = arith.constant 0 : i32
    %dma_start3A_353 = tpu.memref_slice %arg6[%select_n3A, %dma_start3A_351, %select_n3A_32, %dma_start3A_352] : memref<2x32x4096x128xf32, #tpu.memory_space<hbm>> -> memref<1x1x256x128xf32, #tpu.memory_space<hbm>>
    %dma_start3A_354 = tpu.memref_squeeze %dma_start3A_353 : memref<1x1x256x128xf32, #tpu.memory_space<hbm>> -> memref<256x128xf32, #tpu.memory_space<hbm>>
    %dma_start3A_355 = arith.constant 0 : i32
    %dma_start3A_356 = tpu.memref_slice %arg6[%select_n3A, %dma_start3A_351, %select_n3A_32, %dma_start3A_355] : memref<2x32x4096x128xf32, #tpu.memory_space<hbm>> -> memref<1x1x256x128xf32, #tpu.memory_space<hbm>>
    %dma_start3A_357 = tpu.memref_squeeze %dma_start3A_356 : memref<1x1x256x128xf32, #tpu.memory_space<hbm>> -> memref<256x128xf32, #tpu.memory_space<hbm>>
    tpu.enqueue_dma source(%arg9 : memref<256x128xf32, #tpu.memory_space<vmem>>) target(%dma_start3A_357 : memref<256x128xf32, #tpu.memory_space<hbm>>) target_semaphore(%arg11 : memref<!tpu.dma_semaphore, #tpu.memory_space<semaphore_mem>>)
    %dma_start3A_358 = arith.constant 13 : i32
    %dma_start3A_359 = arith.constant 0 : i32
    %dma_start3A_360 = tpu.memref_slice %arg6[%select_n3A, %dma_start3A_358, %select_n3A_32, %dma_start3A_359] : memref<2x32x4096x128xf32, #tpu.memory_space<hbm>> -> memref<1x1x256x128xf32, #tpu.memory_space<hbm>>
    %dma_start3A_361 = tpu.memref_squeeze %dma_start3A_360 : memref<1x1x256x128xf32, #tpu.memory_space<hbm>> -> memref<256x128xf32, #tpu.memory_space<hbm>>
    %dma_start3A_362 = arith.constant 0 : i32
    %dma_start3A_363 = tpu.memref_slice %arg6[%select_n3A, %dma_start3A_358, %select_n3A_32, %dma_start3A_362] : memref<2x32x4096x128xf32, #tpu.memory_space<hbm>> -> memref<1x1x256x128xf32, #tpu.memory_space<hbm>>
    %dma_start3A_364 = tpu.memref_squeeze %dma_start3A_363 : memref<1x1x256x128xf32, #tpu.memory_space<hbm>> -> memref<256x128xf32, #tpu.memory_space<hbm>>
    tpu.enqueue_dma source(%arg9 : memref<256x128xf32, #tpu.memory_space<vmem>>) target(%dma_start3A_364 : memref<256x128xf32, #tpu.memory_space<hbm>>) target_semaphore(%arg11 : memref<!tpu.dma_semaphore, #tpu.memory_space<semaphore_mem>>)
    %dma_start3A_365 = arith.constant 14 : i32
    %dma_start3A_366 = arith.constant 0 : i32
    %dma_start3A_367 = tpu.memref_slice %arg6[%select_n3A, %dma_start3A_365, %select_n3A_32, %dma_start3A_366] : memref<2x32x4096x128xf32, #tpu.memory_space<hbm>> -> memref<1x1x256x128xf32, #tpu.memory_space<hbm>>
    %dma_start3A_368 = tpu.memref_squeeze %dma_start3A_367 : memref<1x1x256x128xf32, #tpu.memory_space<hbm>> -> memref<256x128xf32, #tpu.memory_space<hbm>>
    %dma_start3A_369 = arith.constant 0 : i32
    %dma_start3A_370 = tpu.memref_slice %arg6[%select_n3A, %dma_start3A_365, %select_n3A_32, %dma_start3A_369] : memref<2x32x4096x128xf32, #tpu.memory_space<hbm>> -> memref<1x1x256x128xf32, #tpu.memory_space<hbm>>
    %dma_start3A_371 = tpu.memref_squeeze %dma_start3A_370 : memref<1x1x256x128xf32, #tpu.memory_space<hbm>> -> memref<256x128xf32, #tpu.memory_space<hbm>>
    tpu.enqueue_dma source(%arg9 : memref<256x128xf32, #tpu.memory_space<vmem>>) target(%dma_start3A_371 : memref<256x128xf32, #tpu.memory_space<hbm>>) target_semaphore(%arg11 : memref<!tpu.dma_semaphore, #tpu.memory_space<semaphore_mem>>)
    %dma_start3A_372 = arith.constant 15 : i32
    %dma_start3A_373 = arith.constant 0 : i32
    %dma_start3A_374 = tpu.memref_slice %arg6[%select_n3A, %dma_start3A_372, %select_n3A_32, %dma_start3A_373] : memref<2x32x4096x128xf32, #tpu.memory_space<hbm>> -> memref<1x1x256x128xf32, #tpu.memory_space<hbm>>
    %dma_start3A_375 = tpu.memref_squeeze %dma_start3A_374 : memref<1x1x256x128xf32, #tpu.memory_space<hbm>> -> memref<256x128xf32, #tpu.memory_space<hbm>>
    %dma_start3A_376 = arith.constant 0 : i32
    %dma_start3A_377 = tpu.memref_slice %arg6[%select_n3A, %dma_start3A_372, %select_n3A_32, %dma_start3A_376] : memref<2x32x4096x128xf32, #tpu.memory_space<hbm>> -> memref<1x1x256x128xf32, #tpu.memory_space<hbm>>
    %dma_start3A_378 = tpu.memref_squeeze %dma_start3A_377 : memref<1x1x256x128xf32, #tpu.memory_space<hbm>> -> memref<256x128xf32, #tpu.memory_space<hbm>>
    tpu.enqueue_dma source(%arg9 : memref<256x128xf32, #tpu.memory_space<vmem>>) target(%dma_start3A_378 : memref<256x128xf32, #tpu.memory_space<hbm>>) target_semaphore(%arg11 : memref<!tpu.dma_semaphore, #tpu.memory_space<semaphore_mem>>)
    %dma_start3A_379 = arith.constant 16 : i32
    %dma_start3A_380 = arith.constant 0 : i32
    %dma_start3A_381 = tpu.memref_slice %arg6[%select_n3A, %dma_start3A_379, %select_n3A_32, %dma_start3A_380] : memref<2x32x4096x128xf32, #tpu.memory_space<hbm>> -> memref<1x1x256x128xf32, #tpu.memory_space<hbm>>
    %dma_start3A_382 = tpu.memref_squeeze %dma_start3A_381 : memref<1x1x256x128xf32, #tpu.memory_space<hbm>> -> memref<256x128xf32, #tpu.memory_space<hbm>>
    %dma_start3A_383 = arith.constant 0 : i32
    %dma_start3A_384 = tpu.memref_slice %arg6[%select_n3A, %dma_start3A_379, %select_n3A_32, %dma_start3A_383] : memref<2x32x4096x128xf32, #tpu.memory_space<hbm>> -> memref<1x1x256x128xf32, #tpu.memory_space<hbm>>
    %dma_start3A_385 = tpu.memref_squeeze %dma_start3A_384 : memref<1x1x256x128xf32, #tpu.memory_space<hbm>> -> memref<256x128xf32, #tpu.memory_space<hbm>>
    tpu.enqueue_dma source(%arg9 : memref<256x128xf32, #tpu.memory_space<vmem>>) target(%dma_start3A_385 : memref<256x128xf32, #tpu.memory_space<hbm>>) target_semaphore(%arg11 : memref<!tpu.dma_semaphore, #tpu.memory_space<semaphore_mem>>)
    %dma_start3A_386 = arith.constant 17 : i32
    %dma_start3A_387 = arith.constant 0 : i32
    %dma_start3A_388 = tpu.memref_slice %arg6[%select_n3A, %dma_start3A_386, %select_n3A_32, %dma_start3A_387] : memref<2x32x4096x128xf32, #tpu.memory_space<hbm>> -> memref<1x1x256x128xf32, #tpu.memory_space<hbm>>
    %dma_start3A_389 = tpu.memref_squeeze %dma_start3A_388 : memref<1x1x256x128xf32, #tpu.memory_space<hbm>> -> memref<256x128xf32, #tpu.memory_space<hbm>>
    %dma_start3A_390 = arith.constant 0 : i32
    %dma_start3A_391 = tpu.memref_slice %arg6[%select_n3A, %dma_start3A_386, %select_n3A_32, %dma_start3A_390] : memref<2x32x4096x128xf32, #tpu.memory_space<hbm>> -> memref<1x1x256x128xf32, #tpu.memory_space<hbm>>
    %dma_start3A_392 = tpu.memref_squeeze %dma_start3A_391 : memref<1x1x256x128xf32, #tpu.memory_space<hbm>> -> memref<256x128xf32, #tpu.memory_space<hbm>>
    tpu.enqueue_dma source(%arg9 : memref<256x128xf32, #tpu.memory_space<vmem>>) target(%dma_start3A_392 : memref<256x128xf32, #tpu.memory_space<hbm>>) target_semaphore(%arg11 : memref<!tpu.dma_semaphore, #tpu.memory_space<semaphore_mem>>)
    %dma_start3A_393 = arith.constant 18 : i32
    %dma_start3A_394 = arith.constant 0 : i32
    %dma_start3A_395 = tpu.memref_slice %arg6[%select_n3A, %dma_start3A_393, %select_n3A_32, %dma_start3A_394] : memref<2x32x4096x128xf32, #tpu.memory_space<hbm>> -> memref<1x1x256x128xf32, #tpu.memory_space<hbm>>
    %dma_start3A_396 = tpu.memref_squeeze %dma_start3A_395 : memref<1x1x256x128xf32, #tpu.memory_space<hbm>> -> memref<256x128xf32, #tpu.memory_space<hbm>>
    %dma_start3A_397 = arith.constant 0 : i32
    %dma_start3A_398 = tpu.memref_slice %arg6[%select_n3A, %dma_start3A_393, %select_n3A_32, %dma_start3A_397] : memref<2x32x4096x128xf32, #tpu.memory_space<hbm>> -> memref<1x1x256x128xf32, #tpu.memory_space<hbm>>
    %dma_start3A_399 = tpu.memref_squeeze %dma_start3A_398 : memref<1x1x256x128xf32, #tpu.memory_space<hbm>> -> memref<256x128xf32, #tpu.memory_space<hbm>>
    tpu.enqueue_dma source(%arg9 : memref<256x128xf32, #tpu.memory_space<vmem>>) target(%dma_start3A_399 : memref<256x128xf32, #tpu.memory_space<hbm>>) target_semaphore(%arg11 : memref<!tpu.dma_semaphore, #tpu.memory_space<semaphore_mem>>)
    %dma_start3A_400 = arith.constant 19 : i32
    %dma_start3A_401 = arith.constant 0 : i32
    %dma_start3A_402 = tpu.memref_slice %arg6[%select_n3A, %dma_start3A_400, %select_n3A_32, %dma_start3A_401] : memref<2x32x4096x128xf32, #tpu.memory_space<hbm>> -> memref<1x1x256x128xf32, #tpu.memory_space<hbm>>
    %dma_start3A_403 = tpu.memref_squeeze %dma_start3A_402 : memref<1x1x256x128xf32, #tpu.memory_space<hbm>> -> memref<256x128xf32, #tpu.memory_space<hbm>>
    %dma_start3A_404 = arith.constant 0 : i32
    %dma_start3A_405 = tpu.memref_slice %arg6[%select_n3A, %dma_start3A_400, %select_n3A_32, %dma_start3A_404] : memref<2x32x4096x128xf32, #tpu.memory_space<hbm>> -> memref<1x1x256x128xf32, #tpu.memory_space<hbm>>
    %dma_start3A_406 = tpu.memref_squeeze %dma_start3A_405 : memref<1x1x256x128xf32, #tpu.memory_space<hbm>> -> memref<256x128xf32, #tpu.memory_space<hbm>>
    tpu.enqueue_dma source(%arg9 : memref<256x128xf32, #tpu.memory_space<vmem>>) target(%dma_start3A_406 : memref<256x128xf32, #tpu.memory_space<hbm>>) target_semaphore(%arg11 : memref<!tpu.dma_semaphore, #tpu.memory_space<semaphore_mem>>)
    %dma_start3A_407 = arith.constant 20 : i32
    %dma_start3A_408 = arith.constant 0 : i32
    %dma_start3A_409 = tpu.memref_slice %arg6[%select_n3A, %dma_start3A_407, %select_n3A_32, %dma_start3A_408] : memref<2x32x4096x128xf32, #tpu.memory_space<hbm>> -> memref<1x1x256x128xf32, #tpu.memory_space<hbm>>
    %dma_start3A_410 = tpu.memref_squeeze %dma_start3A_409 : memref<1x1x256x128xf32, #tpu.memory_space<hbm>> -> memref<256x128xf32, #tpu.memory_space<hbm>>
    %dma_start3A_411 = arith.constant 0 : i32
    %dma_start3A_412 = tpu.memref_slice %arg6[%select_n3A, %dma_start3A_407, %select_n3A_32, %dma_start3A_411] : memref<2x32x4096x128xf32, #tpu.memory_space<hbm>> -> memref<1x1x256x128xf32, #tpu.memory_space<hbm>>
    %dma_start3A_413 = tpu.memref_squeeze %dma_start3A_412 : memref<1x1x256x128xf32, #tpu.memory_space<hbm>> -> memref<256x128xf32, #tpu.memory_space<hbm>>
    tpu.enqueue_dma source(%arg9 : memref<256x128xf32, #tpu.memory_space<vmem>>) target(%dma_start3A_413 : memref<256x128xf32, #tpu.memory_space<hbm>>) target_semaphore(%arg11 : memref<!tpu.dma_semaphore, #tpu.memory_space<semaphore_mem>>)
    %dma_start3A_414 = arith.constant 21 : i32
    %dma_start3A_415 = arith.constant 0 : i32
    %dma_start3A_416 = tpu.memref_slice %arg6[%select_n3A, %dma_start3A_414, %select_n3A_32, %dma_start3A_415] : memref<2x32x4096x128xf32, #tpu.memory_space<hbm>> -> memref<1x1x256x128xf32, #tpu.memory_space<hbm>>
    %dma_start3A_417 = tpu.memref_squeeze %dma_start3A_416 : memref<1x1x256x128xf32, #tpu.memory_space<hbm>> -> memref<256x128xf32, #tpu.memory_space<hbm>>
    %dma_start3A_418 = arith.constant 0 : i32
    %dma_start3A_419 = tpu.memref_slice %arg6[%select_n3A, %dma_start3A_414, %select_n3A_32, %dma_start3A_418] : memref<2x32x4096x128xf32, #tpu.memory_space<hbm>> -> memref<1x1x256x128xf32, #tpu.memory_space<hbm>>
    %dma_start3A_420 = tpu.memref_squeeze %dma_start3A_419 : memref<1x1x256x128xf32, #tpu.memory_space<hbm>> -> memref<256x128xf32, #tpu.memory_space<hbm>>
    tpu.enqueue_dma source(%arg9 : memref<256x128xf32, #tpu.memory_space<vmem>>) target(%dma_start3A_420 : memref<256x128xf32, #tpu.memory_space<hbm>>) target_semaphore(%arg11 : memref<!tpu.dma_semaphore, #tpu.memory_space<semaphore_mem>>)
    %dma_start3A_421 = arith.constant 22 : i32
    %dma_start3A_422 = arith.constant 0 : i32
    %dma_start3A_423 = tpu.memref_slice %arg6[%select_n3A, %dma_start3A_421, %select_n3A_32, %dma_start3A_422] : memref<2x32x4096x128xf32, #tpu.memory_space<hbm>> -> memref<1x1x256x128xf32, #tpu.memory_space<hbm>>
    %dma_start3A_424 = tpu.memref_squeeze %dma_start3A_423 : memref<1x1x256x128xf32, #tpu.memory_space<hbm>> -> memref<256x128xf32, #tpu.memory_space<hbm>>
    %dma_start3A_425 = arith.constant 0 : i32
    %dma_start3A_426 = tpu.memref_slice %arg6[%select_n3A, %dma_start3A_421, %select_n3A_32, %dma_start3A_425] : memref<2x32x4096x128xf32, #tpu.memory_space<hbm>> -> memref<1x1x256x128xf32, #tpu.memory_space<hbm>>
    %dma_start3A_427 = tpu.memref_squeeze %dma_start3A_426 : memref<1x1x256x128xf32, #tpu.memory_space<hbm>> -> memref<256x128xf32, #tpu.memory_space<hbm>>
    tpu.enqueue_dma source(%arg9 : memref<256x128xf32, #tpu.memory_space<vmem>>) target(%dma_start3A_427 : memref<256x128xf32, #tpu.memory_space<hbm>>) target_semaphore(%arg11 : memref<!tpu.dma_semaphore, #tpu.memory_space<semaphore_mem>>)
    %dma_start3A_428 = arith.constant 23 : i32
    %dma_start3A_429 = arith.constant 0 : i32
    %dma_start3A_430 = tpu.memref_slice %arg6[%select_n3A, %dma_start3A_428, %select_n3A_32, %dma_start3A_429] : memref<2x32x4096x128xf32, #tpu.memory_space<hbm>> -> memref<1x1x256x128xf32, #tpu.memory_space<hbm>>
    %dma_start3A_431 = tpu.memref_squeeze %dma_start3A_430 : memref<1x1x256x128xf32, #tpu.memory_space<hbm>> -> memref<256x128xf32, #tpu.memory_space<hbm>>
    %dma_start3A_432 = arith.constant 0 : i32
    %dma_start3A_433 = tpu.memref_slice %arg6[%select_n3A, %dma_start3A_428, %select_n3A_32, %dma_start3A_432] : memref<2x32x4096x128xf32, #tpu.memory_space<hbm>> -> memref<1x1x256x128xf32, #tpu.memory_space<hbm>>
    %dma_start3A_434 = tpu.memref_squeeze %dma_start3A_433 : memref<1x1x256x128xf32, #tpu.memory_space<hbm>> -> memref<256x128xf32, #tpu.memory_space<hbm>>
    tpu.enqueue_dma source(%arg9 : memref<256x128xf32, #tpu.memory_space<vmem>>) target(%dma_start3A_434 : memref<256x128xf32, #tpu.memory_space<hbm>>) target_semaphore(%arg11 : memref<!tpu.dma_semaphore, #tpu.memory_space<semaphore_mem>>)
    %dma_start3A_435 = arith.constant 24 : i32
    %dma_start3A_436 = arith.constant 0 : i32
    %dma_start3A_437 = tpu.memref_slice %arg6[%select_n3A, %dma_start3A_435, %select_n3A_32, %dma_start3A_436] : memref<2x32x4096x128xf32, #tpu.memory_space<hbm>> -> memref<1x1x256x128xf32, #tpu.memory_space<hbm>>
    %dma_start3A_438 = tpu.memref_squeeze %dma_start3A_437 : memref<1x1x256x128xf32, #tpu.memory_space<hbm>> -> memref<256x128xf32, #tpu.memory_space<hbm>>
    %dma_start3A_439 = arith.constant 0 : i32
    %dma_start3A_440 = tpu.memref_slice %arg6[%select_n3A, %dma_start3A_435, %select_n3A_32, %dma_start3A_439] : memref<2x32x4096x128xf32, #tpu.memory_space<hbm>> -> memref<1x1x256x128xf32, #tpu.memory_space<hbm>>
    %dma_start3A_441 = tpu.memref_squeeze %dma_start3A_440 : memref<1x1x256x128xf32, #tpu.memory_space<hbm>> -> memref<256x128xf32, #tpu.memory_space<hbm>>
    tpu.enqueue_dma source(%arg9 : memref<256x128xf32, #tpu.memory_space<vmem>>) target(%dma_start3A_441 : memref<256x128xf32, #tpu.memory_space<hbm>>) target_semaphore(%arg11 : memref<!tpu.dma_semaphore, #tpu.memory_space<semaphore_mem>>)
    %dma_start3A_442 = arith.constant 25 : i32
    %dma_start3A_443 = arith.constant 0 : i32
    %dma_start3A_444 = tpu.memref_slice %arg6[%select_n3A, %dma_start3A_442, %select_n3A_32, %dma_start3A_443] : memref<2x32x4096x128xf32, #tpu.memory_space<hbm>> -> memref<1x1x256x128xf32, #tpu.memory_space<hbm>>
    %dma_start3A_445 = tpu.memref_squeeze %dma_start3A_444 : memref<1x1x256x128xf32, #tpu.memory_space<hbm>> -> memref<256x128xf32, #tpu.memory_space<hbm>>
    %dma_start3A_446 = arith.constant 0 : i32
    %dma_start3A_447 = tpu.memref_slice %arg6[%select_n3A, %dma_start3A_442, %select_n3A_32, %dma_start3A_446] : memref<2x32x4096x128xf32, #tpu.memory_space<hbm>> -> memref<1x1x256x128xf32, #tpu.memory_space<hbm>>
    %dma_start3A_448 = tpu.memref_squeeze %dma_start3A_447 : memref<1x1x256x128xf32, #tpu.memory_space<hbm>> -> memref<256x128xf32, #tpu.memory_space<hbm>>
    tpu.enqueue_dma source(%arg9 : memref<256x128xf32, #tpu.memory_space<vmem>>) target(%dma_start3A_448 : memref<256x128xf32, #tpu.memory_space<hbm>>) target_semaphore(%arg11 : memref<!tpu.dma_semaphore, #tpu.memory_space<semaphore_mem>>)
    %dma_start3A_449 = arith.constant 26 : i32
    %dma_start3A_450 = arith.constant 0 : i32
    %dma_start3A_451 = tpu.memref_slice %arg6[%select_n3A, %dma_start3A_449, %select_n3A_32, %dma_start3A_450] : memref<2x32x4096x128xf32, #tpu.memory_space<hbm>> -> memref<1x1x256x128xf32, #tpu.memory_space<hbm>>
    %dma_start3A_452 = tpu.memref_squeeze %dma_start3A_451 : memref<1x1x256x128xf32, #tpu.memory_space<hbm>> -> memref<256x128xf32, #tpu.memory_space<hbm>>
    %dma_start3A_453 = arith.constant 0 : i32
    %dma_start3A_454 = tpu.memref_slice %arg6[%select_n3A, %dma_start3A_449, %select_n3A_32, %dma_start3A_453] : memref<2x32x4096x128xf32, #tpu.memory_space<hbm>> -> memref<1x1x256x128xf32, #tpu.memory_space<hbm>>
    %dma_start3A_455 = tpu.memref_squeeze %dma_start3A_454 : memref<1x1x256x128xf32, #tpu.memory_space<hbm>> -> memref<256x128xf32, #tpu.memory_space<hbm>>
    tpu.enqueue_dma source(%arg9 : memref<256x128xf32, #tpu.memory_space<vmem>>) target(%dma_start3A_455 : memref<256x128xf32, #tpu.memory_space<hbm>>) target_semaphore(%arg11 : memref<!tpu.dma_semaphore, #tpu.memory_space<semaphore_mem>>)
    %dma_start3A_456 = arith.constant 27 : i32
    %dma_start3A_457 = arith.constant 0 : i32
    %dma_start3A_458 = tpu.memref_slice %arg6[%select_n3A, %dma_start3A_456, %select_n3A_32, %dma_start3A_457] : memref<2x32x4096x128xf32, #tpu.memory_space<hbm>> -> memref<1x1x256x128xf32, #tpu.memory_space<hbm>>
    %dma_start3A_459 = tpu.memref_squeeze %dma_start3A_458 : memref<1x1x256x128xf32, #tpu.memory_space<hbm>> -> memref<256x128xf32, #tpu.memory_space<hbm>>
    %dma_start3A_460 = arith.constant 0 : i32
    %dma_start3A_461 = tpu.memref_slice %arg6[%select_n3A, %dma_start3A_456, %select_n3A_32, %dma_start3A_460] : memref<2x32x4096x128xf32, #tpu.memory_space<hbm>> -> memref<1x1x256x128xf32, #tpu.memory_space<hbm>>
    %dma_start3A_462 = tpu.memref_squeeze %dma_start3A_461 : memref<1x1x256x128xf32, #tpu.memory_space<hbm>> -> memref<256x128xf32, #tpu.memory_space<hbm>>
    tpu.enqueue_dma source(%arg9 : memref<256x128xf32, #tpu.memory_space<vmem>>) target(%dma_start3A_462 : memref<256x128xf32, #tpu.memory_space<hbm>>) target_semaphore(%arg11 : memref<!tpu.dma_semaphore, #tpu.memory_space<semaphore_mem>>)
    %dma_start3A_463 = arith.constant 28 : i32
    %dma_start3A_464 = arith.constant 0 : i32
    %dma_start3A_465 = tpu.memref_slice %arg6[%select_n3A, %dma_start3A_463, %select_n3A_32, %dma_start3A_464] : memref<2x32x4096x128xf32, #tpu.memory_space<hbm>> -> memref<1x1x256x128xf32, #tpu.memory_space<hbm>>
    %dma_start3A_466 = tpu.memref_squeeze %dma_start3A_465 : memref<1x1x256x128xf32, #tpu.memory_space<hbm>> -> memref<256x128xf32, #tpu.memory_space<hbm>>
    %dma_start3A_467 = arith.constant 0 : i32
    %dma_start3A_468 = tpu.memref_slice %arg6[%select_n3A, %dma_start3A_463, %select_n3A_32, %dma_start3A_467] : memref<2x32x4096x128xf32, #tpu.memory_space<hbm>> -> memref<1x1x256x128xf32, #tpu.memory_space<hbm>>
    %dma_start3A_469 = tpu.memref_squeeze %dma_start3A_468 : memref<1x1x256x128xf32, #tpu.memory_space<hbm>> -> memref<256x128xf32, #tpu.memory_space<hbm>>
    tpu.enqueue_dma source(%arg9 : memref<256x128xf32, #tpu.memory_space<vmem>>) target(%dma_start3A_469 : memref<256x128xf32, #tpu.memory_space<hbm>>) target_semaphore(%arg11 : memref<!tpu.dma_semaphore, #tpu.memory_space<semaphore_mem>>)
    %dma_start3A_470 = arith.constant 29 : i32
    %dma_start3A_471 = arith.constant 0 : i32
    %dma_start3A_472 = tpu.memref_slice %arg6[%select_n3A, %dma_start3A_470, %select_n3A_32, %dma_start3A_471] : memref<2x32x4096x128xf32, #tpu.memory_space<hbm>> -> memref<1x1x256x128xf32, #tpu.memory_space<hbm>>
    %dma_start3A_473 = tpu.memref_squeeze %dma_start3A_472 : memref<1x1x256x128xf32, #tpu.memory_space<hbm>> -> memref<256x128xf32, #tpu.memory_space<hbm>>
    %dma_start3A_474 = arith.constant 0 : i32
    %dma_start3A_475 = tpu.memref_slice %arg6[%select_n3A, %dma_start3A_470, %select_n3A_32, %dma_start3A_474] : memref<2x32x4096x128xf32, #tpu.memory_space<hbm>> -> memref<1x1x256x128xf32, #tpu.memory_space<hbm>>
    %dma_start3A_476 = tpu.memref_squeeze %dma_start3A_475 : memref<1x1x256x128xf32, #tpu.memory_space<hbm>> -> memref<256x128xf32, #tpu.memory_space<hbm>>
    tpu.enqueue_dma source(%arg9 : memref<256x128xf32, #tpu.memory_space<vmem>>) target(%dma_start3A_476 : memref<256x128xf32, #tpu.memory_space<hbm>>) target_semaphore(%arg11 : memref<!tpu.dma_semaphore, #tpu.memory_space<semaphore_mem>>)
    %dma_start3A_477 = arith.constant 30 : i32
    %dma_start3A_478 = arith.constant 0 : i32
    %dma_start3A_479 = tpu.memref_slice %arg6[%select_n3A, %dma_start3A_477, %select_n3A_32, %dma_start3A_478] : memref<2x32x4096x128xf32, #tpu.memory_space<hbm>> -> memref<1x1x256x128xf32, #tpu.memory_space<hbm>>
    %dma_start3A_480 = tpu.memref_squeeze %dma_start3A_479 : memref<1x1x256x128xf32, #tpu.memory_space<hbm>> -> memref<256x128xf32, #tpu.memory_space<hbm>>
    %dma_start3A_481 = arith.constant 0 : i32
    %dma_start3A_482 = tpu.memref_slice %arg6[%select_n3A, %dma_start3A_477, %select_n3A_32, %dma_start3A_481] : memref<2x32x4096x128xf32, #tpu.memory_space<hbm>> -> memref<1x1x256x128xf32, #tpu.memory_space<hbm>>
    %dma_start3A_483 = tpu.memref_squeeze %dma_start3A_482 : memref<1x1x256x128xf32, #tpu.memory_space<hbm>> -> memref<256x128xf32, #tpu.memory_space<hbm>>
    tpu.enqueue_dma source(%arg9 : memref<256x128xf32, #tpu.memory_space<vmem>>) target(%dma_start3A_483 : memref<256x128xf32, #tpu.memory_space<hbm>>) target_semaphore(%arg11 : memref<!tpu.dma_semaphore, #tpu.memory_space<semaphore_mem>>)
    %dma_start3A_484 = arith.constant 31 : i32
    %dma_start3A_485 = arith.constant 0 : i32
    %dma_start3A_486 = tpu.memref_slice %arg6[%select_n3A, %dma_start3A_484, %select_n3A_32, %dma_start3A_485] : memref<2x32x4096x128xf32, #tpu.memory_space<hbm>> -> memref<1x1x256x128xf32, #tpu.memory_space<hbm>>
    %dma_start3A_487 = tpu.memref_squeeze %dma_start3A_486 : memref<1x1x256x128xf32, #tpu.memory_space<hbm>> -> memref<256x128xf32, #tpu.memory_space<hbm>>
    %dma_start3A_488 = arith.constant 0 : i32
    %dma_start3A_489 = tpu.memref_slice %arg6[%select_n3A, %dma_start3A_484, %select_n3A_32, %dma_start3A_488] : memref<2x32x4096x128xf32, #tpu.memory_space<hbm>> -> memref<1x1x256x128xf32, #tpu.memory_space<hbm>>
    %dma_start3A_490 = tpu.memref_squeeze %dma_start3A_489 : memref<1x1x256x128xf32, #tpu.memory_space<hbm>> -> memref<256x128xf32, #tpu.memory_space<hbm>>
    tpu.enqueue_dma source(%arg9 : memref<256x128xf32, #tpu.memory_space<vmem>>) target(%dma_start3A_490 : memref<256x128xf32, #tpu.memory_space<hbm>>) target_semaphore(%arg11 : memref<!tpu.dma_semaphore, #tpu.memory_space<semaphore_mem>>)
    %dma_wait3A_491 = arith.constant 0 : i32
    %dma_wait3A_492 = arith.constant 0 : i32
    %dma_wait3A_493 = tpu.memref_slice %arg5[%select_n3A, %dma_wait3A_491, %select_n3A_32, %dma_wait3A_492] : memref<2x32x4096x128xf32, #tpu.memory_space<hbm>> -> memref<1x1x256x128xf32, #tpu.memory_space<hbm>>
    %dma_wait3A_494 = tpu.memref_squeeze %dma_wait3A_493 : memref<1x1x256x128xf32, #tpu.memory_space<hbm>> -> memref<256x128xf32, #tpu.memory_space<hbm>>
    %dma_wait3A_495 = arith.constant 0 : i32
    %dma_wait3A_496 = tpu.memref_slice %arg5[%select_n3A, %dma_wait3A_491, %select_n3A_32, %dma_wait3A_495] : memref<2x32x4096x128xf32, #tpu.memory_space<hbm>> -> memref<1x1x256x128xf32, #tpu.memory_space<hbm>>
    %dma_wait3A_497 = tpu.memref_squeeze %dma_wait3A_496 : memref<1x1x256x128xf32, #tpu.memory_space<hbm>> -> memref<256x128xf32, #tpu.memory_space<hbm>>
    tpu.wait_dma2 semaphore(%arg11 : memref<!tpu.dma_semaphore, #tpu.memory_space<semaphore_mem>>) src(%arg8 : memref<256x128xf32, #tpu.memory_space<vmem>>) dst(%dma_wait3A_497 : memref<256x128xf32, #tpu.memory_space<hbm>>)
    %dma_wait3A_498 = arith.constant 1 : i32
    %dma_wait3A_499 = arith.constant 0 : i32
    %dma_wait3A_500 = tpu.memref_slice %arg5[%select_n3A, %dma_wait3A_498, %select_n3A_32, %dma_wait3A_499] : memref<2x32x4096x128xf32, #tpu.memory_space<hbm>> -> memref<1x1x256x128xf32, #tpu.memory_space<hbm>>
    %dma_wait3A_501 = tpu.memref_squeeze %dma_wait3A_500 : memref<1x1x256x128xf32, #tpu.memory_space<hbm>> -> memref<256x128xf32, #tpu.memory_space<hbm>>
    %dma_wait3A_502 = arith.constant 0 : i32
    %dma_wait3A_503 = tpu.memref_slice %arg5[%select_n3A, %dma_wait3A_498, %select_n3A_32, %dma_wait3A_502] : memref<2x32x4096x128xf32, #tpu.memory_space<hbm>> -> memref<1x1x256x128xf32, #tpu.memory_space<hbm>>
    %dma_wait3A_504 = tpu.memref_squeeze %dma_wait3A_503 : memref<1x1x256x128xf32, #tpu.memory_space<hbm>> -> memref<256x128xf32, #tpu.memory_space<hbm>>
    tpu.wait_dma2 semaphore(%arg11 : memref<!tpu.dma_semaphore, #tpu.memory_space<semaphore_mem>>) src(%arg8 : memref<256x128xf32, #tpu.memory_space<vmem>>) dst(%dma_wait3A_504 : memref<256x128xf32, #tpu.memory_space<hbm>>)
    %dma_wait3A_505 = arith.constant 2 : i32
    %dma_wait3A_506 = arith.constant 0 : i32
    %dma_wait3A_507 = tpu.memref_slice %arg5[%select_n3A, %dma_wait3A_505, %select_n3A_32, %dma_wait3A_506] : memref<2x32x4096x128xf32, #tpu.memory_space<hbm>> -> memref<1x1x256x128xf32, #tpu.memory_space<hbm>>
    %dma_wait3A_508 = tpu.memref_squeeze %dma_wait3A_507 : memref<1x1x256x128xf32, #tpu.memory_space<hbm>> -> memref<256x128xf32, #tpu.memory_space<hbm>>
    %dma_wait3A_509 = arith.constant 0 : i32
    %dma_wait3A_510 = tpu.memref_slice %arg5[%select_n3A, %dma_wait3A_505, %select_n3A_32, %dma_wait3A_509] : memref<2x32x4096x128xf32, #tpu.memory_space<hbm>> -> memref<1x1x256x128xf32, #tpu.memory_space<hbm>>
    %dma_wait3A_511 = tpu.memref_squeeze %dma_wait3A_510 : memref<1x1x256x128xf32, #tpu.memory_space<hbm>> -> memref<256x128xf32, #tpu.memory_space<hbm>>
    tpu.wait_dma2 semaphore(%arg11 : memref<!tpu.dma_semaphore, #tpu.memory_space<semaphore_mem>>) src(%arg8 : memref<256x128xf32, #tpu.memory_space<vmem>>) dst(%dma_wait3A_511 : memref<256x128xf32, #tpu.memory_space<hbm>>)
    %dma_wait3A_512 = arith.constant 3 : i32
    %dma_wait3A_513 = arith.constant 0 : i32
    %dma_wait3A_514 = tpu.memref_slice %arg5[%select_n3A, %dma_wait3A_512, %select_n3A_32, %dma_wait3A_513] : memref<2x32x4096x128xf32, #tpu.memory_space<hbm>> -> memref<1x1x256x128xf32, #tpu.memory_space<hbm>>
    %dma_wait3A_515 = tpu.memref_squeeze %dma_wait3A_514 : memref<1x1x256x128xf32, #tpu.memory_space<hbm>> -> memref<256x128xf32, #tpu.memory_space<hbm>>
    %dma_wait3A_516 = arith.constant 0 : i32
    %dma_wait3A_517 = tpu.memref_slice %arg5[%select_n3A, %dma_wait3A_512, %select_n3A_32, %dma_wait3A_516] : memref<2x32x4096x128xf32, #tpu.memory_space<hbm>> -> memref<1x1x256x128xf32, #tpu.memory_space<hbm>>
    %dma_wait3A_518 = tpu.memref_squeeze %dma_wait3A_517 : memref<1x1x256x128xf32, #tpu.memory_space<hbm>> -> memref<256x128xf32, #tpu.memory_space<hbm>>
    tpu.wait_dma2 semaphore(%arg11 : memref<!tpu.dma_semaphore, #tpu.memory_space<semaphore_mem>>) src(%arg8 : memref<256x128xf32, #tpu.memory_space<vmem>>) dst(%dma_wait3A_518 : memref<256x128xf32, #tpu.memory_space<hbm>>)
    %dma_wait3A_519 = arith.constant 4 : i32
    %dma_wait3A_520 = arith.constant 0 : i32
    %dma_wait3A_521 = tpu.memref_slice %arg5[%select_n3A, %dma_wait3A_519, %select_n3A_32, %dma_wait3A_520] : memref<2x32x4096x128xf32, #tpu.memory_space<hbm>> -> memref<1x1x256x128xf32, #tpu.memory_space<hbm>>
    %dma_wait3A_522 = tpu.memref_squeeze %dma_wait3A_521 : memref<1x1x256x128xf32, #tpu.memory_space<hbm>> -> memref<256x128xf32, #tpu.memory_space<hbm>>
    %dma_wait3A_523 = arith.constant 0 : i32
    %dma_wait3A_524 = tpu.memref_slice %arg5[%select_n3A, %dma_wait3A_519, %select_n3A_32, %dma_wait3A_523] : memref<2x32x4096x128xf32, #tpu.memory_space<hbm>> -> memref<1x1x256x128xf32, #tpu.memory_space<hbm>>
    %dma_wait3A_525 = tpu.memref_squeeze %dma_wait3A_524 : memref<1x1x256x128xf32, #tpu.memory_space<hbm>> -> memref<256x128xf32, #tpu.memory_space<hbm>>
    tpu.wait_dma2 semaphore(%arg11 : memref<!tpu.dma_semaphore, #tpu.memory_space<semaphore_mem>>) src(%arg8 : memref<256x128xf32, #tpu.memory_space<vmem>>) dst(%dma_wait3A_525 : memref<256x128xf32, #tpu.memory_space<hbm>>)
    %dma_wait3A_526 = arith.constant 5 : i32
    %dma_wait3A_527 = arith.constant 0 : i32
    %dma_wait3A_528 = tpu.memref_slice %arg5[%select_n3A, %dma_wait3A_526, %select_n3A_32, %dma_wait3A_527] : memref<2x32x4096x128xf32, #tpu.memory_space<hbm>> -> memref<1x1x256x128xf32, #tpu.memory_space<hbm>>
    %dma_wait3A_529 = tpu.memref_squeeze %dma_wait3A_528 : memref<1x1x256x128xf32, #tpu.memory_space<hbm>> -> memref<256x128xf32, #tpu.memory_space<hbm>>
    %dma_wait3A_530 = arith.constant 0 : i32
    %dma_wait3A_531 = tpu.memref_slice %arg5[%select_n3A, %dma_wait3A_526, %select_n3A_32, %dma_wait3A_530] : memref<2x32x4096x128xf32, #tpu.memory_space<hbm>> -> memref<1x1x256x128xf32, #tpu.memory_space<hbm>>
    %dma_wait3A_532 = tpu.memref_squeeze %dma_wait3A_531 : memref<1x1x256x128xf32, #tpu.memory_space<hbm>> -> memref<256x128xf32, #tpu.memory_space<hbm>>
    tpu.wait_dma2 semaphore(%arg11 : memref<!tpu.dma_semaphore, #tpu.memory_space<semaphore_mem>>) src(%arg8 : memref<256x128xf32, #tpu.memory_space<vmem>>) dst(%dma_wait3A_532 : memref<256x128xf32, #tpu.memory_space<hbm>>)
    %dma_wait3A_533 = arith.constant 6 : i32
    %dma_wait3A_534 = arith.constant 0 : i32
    %dma_wait3A_535 = tpu.memref_slice %arg5[%select_n3A, %dma_wait3A_533, %select_n3A_32, %dma_wait3A_534] : memref<2x32x4096x128xf32, #tpu.memory_space<hbm>> -> memref<1x1x256x128xf32, #tpu.memory_space<hbm>>
    %dma_wait3A_536 = tpu.memref_squeeze %dma_wait3A_535 : memref<1x1x256x128xf32, #tpu.memory_space<hbm>> -> memref<256x128xf32, #tpu.memory_space<hbm>>
    %dma_wait3A_537 = arith.constant 0 : i32
    %dma_wait3A_538 = tpu.memref_slice %arg5[%select_n3A, %dma_wait3A_533, %select_n3A_32, %dma_wait3A_537] : memref<2x32x4096x128xf32, #tpu.memory_space<hbm>> -> memref<1x1x256x128xf32, #tpu.memory_space<hbm>>
    %dma_wait3A_539 = tpu.memref_squeeze %dma_wait3A_538 : memref<1x1x256x128xf32, #tpu.memory_space<hbm>> -> memref<256x128xf32, #tpu.memory_space<hbm>>
    tpu.wait_dma2 semaphore(%arg11 : memref<!tpu.dma_semaphore, #tpu.memory_space<semaphore_mem>>) src(%arg8 : memref<256x128xf32, #tpu.memory_space<vmem>>) dst(%dma_wait3A_539 : memref<256x128xf32, #tpu.memory_space<hbm>>)
    %dma_wait3A_540 = arith.constant 7 : i32
    %dma_wait3A_541 = arith.constant 0 : i32
    %dma_wait3A_542 = tpu.memref_slice %arg5[%select_n3A, %dma_wait3A_540, %select_n3A_32, %dma_wait3A_541] : memref<2x32x4096x128xf32, #tpu.memory_space<hbm>> -> memref<1x1x256x128xf32, #tpu.memory_space<hbm>>
    %dma_wait3A_543 = tpu.memref_squeeze %dma_wait3A_542 : memref<1x1x256x128xf32, #tpu.memory_space<hbm>> -> memref<256x128xf32, #tpu.memory_space<hbm>>
    %dma_wait3A_544 = arith.constant 0 : i32
    %dma_wait3A_545 = tpu.memref_slice %arg5[%select_n3A, %dma_wait3A_540, %select_n3A_32, %dma_wait3A_544] : memref<2x32x4096x128xf32, #tpu.memory_space<hbm>> -> memref<1x1x256x128xf32, #tpu.memory_space<hbm>>
    %dma_wait3A_546 = tpu.memref_squeeze %dma_wait3A_545 : memref<1x1x256x128xf32, #tpu.memory_space<hbm>> -> memref<256x128xf32, #tpu.memory_space<hbm>>
    tpu.wait_dma2 semaphore(%arg11 : memref<!tpu.dma_semaphore, #tpu.memory_space<semaphore_mem>>) src(%arg8 : memref<256x128xf32, #tpu.memory_space<vmem>>) dst(%dma_wait3A_546 : memref<256x128xf32, #tpu.memory_space<hbm>>)
    %dma_wait3A_547 = arith.constant 8 : i32
    %dma_wait3A_548 = arith.constant 0 : i32
    %dma_wait3A_549 = tpu.memref_slice %arg5[%select_n3A, %dma_wait3A_547, %select_n3A_32, %dma_wait3A_548] : memref<2x32x4096x128xf32, #tpu.memory_space<hbm>> -> memref<1x1x256x128xf32, #tpu.memory_space<hbm>>
    %dma_wait3A_550 = tpu.memref_squeeze %dma_wait3A_549 : memref<1x1x256x128xf32, #tpu.memory_space<hbm>> -> memref<256x128xf32, #tpu.memory_space<hbm>>
    %dma_wait3A_551 = arith.constant 0 : i32
    %dma_wait3A_552 = tpu.memref_slice %arg5[%select_n3A, %dma_wait3A_547, %select_n3A_32, %dma_wait3A_551] : memref<2x32x4096x128xf32, #tpu.memory_space<hbm>> -> memref<1x1x256x128xf32, #tpu.memory_space<hbm>>
    %dma_wait3A_553 = tpu.memref_squeeze %dma_wait3A_552 : memref<1x1x256x128xf32, #tpu.memory_space<hbm>> -> memref<256x128xf32, #tpu.memory_space<hbm>>
    tpu.wait_dma2 semaphore(%arg11 : memref<!tpu.dma_semaphore, #tpu.memory_space<semaphore_mem>>) src(%arg8 : memref<256x128xf32, #tpu.memory_space<vmem>>) dst(%dma_wait3A_553 : memref<256x128xf32, #tpu.memory_space<hbm>>)
    %dma_wait3A_554 = arith.constant 9 : i32
    %dma_wait3A_555 = arith.constant 0 : i32
    %dma_wait3A_556 = tpu.memref_slice %arg5[%select_n3A, %dma_wait3A_554, %select_n3A_32, %dma_wait3A_555] : memref<2x32x4096x128xf32, #tpu.memory_space<hbm>> -> memref<1x1x256x128xf32, #tpu.memory_space<hbm>>
    %dma_wait3A_557 = tpu.memref_squeeze %dma_wait3A_556 : memref<1x1x256x128xf32, #tpu.memory_space<hbm>> -> memref<256x128xf32, #tpu.memory_space<hbm>>
    %dma_wait3A_558 = arith.constant 0 : i32
    %dma_wait3A_559 = tpu.memref_slice %arg5[%select_n3A, %dma_wait3A_554, %select_n3A_32, %dma_wait3A_558] : memref<2x32x4096x128xf32, #tpu.memory_space<hbm>> -> memref<1x1x256x128xf32, #tpu.memory_space<hbm>>
    %dma_wait3A_560 = tpu.memref_squeeze %dma_wait3A_559 : memref<1x1x256x128xf32, #tpu.memory_space<hbm>> -> memref<256x128xf32, #tpu.memory_space<hbm>>
    tpu.wait_dma2 semaphore(%arg11 : memref<!tpu.dma_semaphore, #tpu.memory_space<semaphore_mem>>) src(%arg8 : memref<256x128xf32, #tpu.memory_space<vmem>>) dst(%dma_wait3A_560 : memref<256x128xf32, #tpu.memory_space<hbm>>)
    %dma_wait3A_561 = arith.constant 10 : i32
    %dma_wait3A_562 = arith.constant 0 : i32
    %dma_wait3A_563 = tpu.memref_slice %arg5[%select_n3A, %dma_wait3A_561, %select_n3A_32, %dma_wait3A_562] : memref<2x32x4096x128xf32, #tpu.memory_space<hbm>> -> memref<1x1x256x128xf32, #tpu.memory_space<hbm>>
    %dma_wait3A_564 = tpu.memref_squeeze %dma_wait3A_563 : memref<1x1x256x128xf32, #tpu.memory_space<hbm>> -> memref<256x128xf32, #tpu.memory_space<hbm>>
    %dma_wait3A_565 = arith.constant 0 : i32
    %dma_wait3A_566 = tpu.memref_slice %arg5[%select_n3A, %dma_wait3A_561, %select_n3A_32, %dma_wait3A_565] : memref<2x32x4096x128xf32, #tpu.memory_space<hbm>> -> memref<1x1x256x128xf32, #tpu.memory_space<hbm>>
    %dma_wait3A_567 = tpu.memref_squeeze %dma_wait3A_566 : memref<1x1x256x128xf32, #tpu.memory_space<hbm>> -> memref<256x128xf32, #tpu.memory_space<hbm>>
    tpu.wait_dma2 semaphore(%arg11 : memref<!tpu.dma_semaphore, #tpu.memory_space<semaphore_mem>>) src(%arg8 : memref<256x128xf32, #tpu.memory_space<vmem>>) dst(%dma_wait3A_567 : memref<256x128xf32, #tpu.memory_space<hbm>>)
    %dma_wait3A_568 = arith.constant 11 : i32
    %dma_wait3A_569 = arith.constant 0 : i32
    %dma_wait3A_570 = tpu.memref_slice %arg5[%select_n3A, %dma_wait3A_568, %select_n3A_32, %dma_wait3A_569] : memref<2x32x4096x128xf32, #tpu.memory_space<hbm>> -> memref<1x1x256x128xf32, #tpu.memory_space<hbm>>
    %dma_wait3A_571 = tpu.memref_squeeze %dma_wait3A_570 : memref<1x1x256x128xf32, #tpu.memory_space<hbm>> -> memref<256x128xf32, #tpu.memory_space<hbm>>
    %dma_wait3A_572 = arith.constant 0 : i32
    %dma_wait3A_573 = tpu.memref_slice %arg5[%select_n3A, %dma_wait3A_568, %select_n3A_32, %dma_wait3A_572] : memref<2x32x4096x128xf32, #tpu.memory_space<hbm>> -> memref<1x1x256x128xf32, #tpu.memory_space<hbm>>
    %dma_wait3A_574 = tpu.memref_squeeze %dma_wait3A_573 : memref<1x1x256x128xf32, #tpu.memory_space<hbm>> -> memref<256x128xf32, #tpu.memory_space<hbm>>
    tpu.wait_dma2 semaphore(%arg11 : memref<!tpu.dma_semaphore, #tpu.memory_space<semaphore_mem>>) src(%arg8 : memref<256x128xf32, #tpu.memory_space<vmem>>) dst(%dma_wait3A_574 : memref<256x128xf32, #tpu.memory_space<hbm>>)
    %dma_wait3A_575 = arith.constant 12 : i32
    %dma_wait3A_576 = arith.constant 0 : i32
    %dma_wait3A_577 = tpu.memref_slice %arg5[%select_n3A, %dma_wait3A_575, %select_n3A_32, %dma_wait3A_576] : memref<2x32x4096x128xf32, #tpu.memory_space<hbm>> -> memref<1x1x256x128xf32, #tpu.memory_space<hbm>>
    %dma_wait3A_578 = tpu.memref_squeeze %dma_wait3A_577 : memref<1x1x256x128xf32, #tpu.memory_space<hbm>> -> memref<256x128xf32, #tpu.memory_space<hbm>>
    %dma_wait3A_579 = arith.constant 0 : i32
    %dma_wait3A_580 = tpu.memref_slice %arg5[%select_n3A, %dma_wait3A_575, %select_n3A_32, %dma_wait3A_579] : memref<2x32x4096x128xf32, #tpu.memory_space<hbm>> -> memref<1x1x256x128xf32, #tpu.memory_space<hbm>>
    %dma_wait3A_581 = tpu.memref_squeeze %dma_wait3A_580 : memref<1x1x256x128xf32, #tpu.memory_space<hbm>> -> memref<256x128xf32, #tpu.memory_space<hbm>>
    tpu.wait_dma2 semaphore(%arg11 : memref<!tpu.dma_semaphore, #tpu.memory_space<semaphore_mem>>) src(%arg8 : memref<256x128xf32, #tpu.memory_space<vmem>>) dst(%dma_wait3A_581 : memref<256x128xf32, #tpu.memory_space<hbm>>)
    %dma_wait3A_582 = arith.constant 13 : i32
    %dma_wait3A_583 = arith.constant 0 : i32
    %dma_wait3A_584 = tpu.memref_slice %arg5[%select_n3A, %dma_wait3A_582, %select_n3A_32, %dma_wait3A_583] : memref<2x32x4096x128xf32, #tpu.memory_space<hbm>> -> memref<1x1x256x128xf32, #tpu.memory_space<hbm>>
    %dma_wait3A_585 = tpu.memref_squeeze %dma_wait3A_584 : memref<1x1x256x128xf32, #tpu.memory_space<hbm>> -> memref<256x128xf32, #tpu.memory_space<hbm>>
    %dma_wait3A_586 = arith.constant 0 : i32
    %dma_wait3A_587 = tpu.memref_slice %arg5[%select_n3A, %dma_wait3A_582, %select_n3A_32, %dma_wait3A_586] : memref<2x32x4096x128xf32, #tpu.memory_space<hbm>> -> memref<1x1x256x128xf32, #tpu.memory_space<hbm>>
    %dma_wait3A_588 = tpu.memref_squeeze %dma_wait3A_587 : memref<1x1x256x128xf32, #tpu.memory_space<hbm>> -> memref<256x128xf32, #tpu.memory_space<hbm>>
    tpu.wait_dma2 semaphore(%arg11 : memref<!tpu.dma_semaphore, #tpu.memory_space<semaphore_mem>>) src(%arg8 : memref<256x128xf32, #tpu.memory_space<vmem>>) dst(%dma_wait3A_588 : memref<256x128xf32, #tpu.memory_space<hbm>>)
    %dma_wait3A_589 = arith.constant 14 : i32
    %dma_wait3A_590 = arith.constant 0 : i32
    %dma_wait3A_591 = tpu.memref_slice %arg5[%select_n3A, %dma_wait3A_589, %select_n3A_32, %dma_wait3A_590] : memref<2x32x4096x128xf32, #tpu.memory_space<hbm>> -> memref<1x1x256x128xf32, #tpu.memory_space<hbm>>
    %dma_wait3A_592 = tpu.memref_squeeze %dma_wait3A_591 : memref<1x1x256x128xf32, #tpu.memory_space<hbm>> -> memref<256x128xf32, #tpu.memory_space<hbm>>
    %dma_wait3A_593 = arith.constant 0 : i32
    %dma_wait3A_594 = tpu.memref_slice %arg5[%select_n3A, %dma_wait3A_589, %select_n3A_32, %dma_wait3A_593] : memref<2x32x4096x128xf32, #tpu.memory_space<hbm>> -> memref<1x1x256x128xf32, #tpu.memory_space<hbm>>
    %dma_wait3A_595 = tpu.memref_squeeze %dma_wait3A_594 : memref<1x1x256x128xf32, #tpu.memory_space<hbm>> -> memref<256x128xf32, #tpu.memory_space<hbm>>
    tpu.wait_dma2 semaphore(%arg11 : memref<!tpu.dma_semaphore, #tpu.memory_space<semaphore_mem>>) src(%arg8 : memref<256x128xf32, #tpu.memory_space<vmem>>) dst(%dma_wait3A_595 : memref<256x128xf32, #tpu.memory_space<hbm>>)
    %dma_wait3A_596 = arith.constant 15 : i32
    %dma_wait3A_597 = arith.constant 0 : i32
    %dma_wait3A_598 = tpu.memref_slice %arg5[%select_n3A, %dma_wait3A_596, %select_n3A_32, %dma_wait3A_597] : memref<2x32x4096x128xf32, #tpu.memory_space<hbm>> -> memref<1x1x256x128xf32, #tpu.memory_space<hbm>>
    %dma_wait3A_599 = tpu.memref_squeeze %dma_wait3A_598 : memref<1x1x256x128xf32, #tpu.memory_space<hbm>> -> memref<256x128xf32, #tpu.memory_space<hbm>>
    %dma_wait3A_600 = arith.constant 0 : i32
    %dma_wait3A_601 = tpu.memref_slice %arg5[%select_n3A, %dma_wait3A_596, %select_n3A_32, %dma_wait3A_600] : memref<2x32x4096x128xf32, #tpu.memory_space<hbm>> -> memref<1x1x256x128xf32, #tpu.memory_space<hbm>>
    %dma_wait3A_602 = tpu.memref_squeeze %dma_wait3A_601 : memref<1x1x256x128xf32, #tpu.memory_space<hbm>> -> memref<256x128xf32, #tpu.memory_space<hbm>>
    tpu.wait_dma2 semaphore(%arg11 : memref<!tpu.dma_semaphore, #tpu.memory_space<semaphore_mem>>) src(%arg8 : memref<256x128xf32, #tpu.memory_space<vmem>>) dst(%dma_wait3A_602 : memref<256x128xf32, #tpu.memory_space<hbm>>)
    %dma_wait3A_603 = arith.constant 16 : i32
    %dma_wait3A_604 = arith.constant 0 : i32
    %dma_wait3A_605 = tpu.memref_slice %arg5[%select_n3A, %dma_wait3A_603, %select_n3A_32, %dma_wait3A_604] : memref<2x32x4096x128xf32, #tpu.memory_space<hbm>> -> memref<1x1x256x128xf32, #tpu.memory_space<hbm>>
    %dma_wait3A_606 = tpu.memref_squeeze %dma_wait3A_605 : memref<1x1x256x128xf32, #tpu.memory_space<hbm>> -> memref<256x128xf32, #tpu.memory_space<hbm>>
    %dma_wait3A_607 = arith.constant 0 : i32
    %dma_wait3A_608 = tpu.memref_slice %arg5[%select_n3A, %dma_wait3A_603, %select_n3A_32, %dma_wait3A_607] : memref<2x32x4096x128xf32, #tpu.memory_space<hbm>> -> memref<1x1x256x128xf32, #tpu.memory_space<hbm>>
    %dma_wait3A_609 = tpu.memref_squeeze %dma_wait3A_608 : memref<1x1x256x128xf32, #tpu.memory_space<hbm>> -> memref<256x128xf32, #tpu.memory_space<hbm>>
    tpu.wait_dma2 semaphore(%arg11 : memref<!tpu.dma_semaphore, #tpu.memory_space<semaphore_mem>>) src(%arg8 : memref<256x128xf32, #tpu.memory_space<vmem>>) dst(%dma_wait3A_609 : memref<256x128xf32, #tpu.memory_space<hbm>>)
    %dma_wait3A_610 = arith.constant 17 : i32
    %dma_wait3A_611 = arith.constant 0 : i32
    %dma_wait3A_612 = tpu.memref_slice %arg5[%select_n3A, %dma_wait3A_610, %select_n3A_32, %dma_wait3A_611] : memref<2x32x4096x128xf32, #tpu.memory_space<hbm>> -> memref<1x1x256x128xf32, #tpu.memory_space<hbm>>
    %dma_wait3A_613 = tpu.memref_squeeze %dma_wait3A_612 : memref<1x1x256x128xf32, #tpu.memory_space<hbm>> -> memref<256x128xf32, #tpu.memory_space<hbm>>
    %dma_wait3A_614 = arith.constant 0 : i32
    %dma_wait3A_615 = tpu.memref_slice %arg5[%select_n3A, %dma_wait3A_610, %select_n3A_32, %dma_wait3A_614] : memref<2x32x4096x128xf32, #tpu.memory_space<hbm>> -> memref<1x1x256x128xf32, #tpu.memory_space<hbm>>
    %dma_wait3A_616 = tpu.memref_squeeze %dma_wait3A_615 : memref<1x1x256x128xf32, #tpu.memory_space<hbm>> -> memref<256x128xf32, #tpu.memory_space<hbm>>
    tpu.wait_dma2 semaphore(%arg11 : memref<!tpu.dma_semaphore, #tpu.memory_space<semaphore_mem>>) src(%arg8 : memref<256x128xf32, #tpu.memory_space<vmem>>) dst(%dma_wait3A_616 : memref<256x128xf32, #tpu.memory_space<hbm>>)
    %dma_wait3A_617 = arith.constant 18 : i32
    %dma_wait3A_618 = arith.constant 0 : i32
    %dma_wait3A_619 = tpu.memref_slice %arg5[%select_n3A, %dma_wait3A_617, %select_n3A_32, %dma_wait3A_618] : memref<2x32x4096x128xf32, #tpu.memory_space<hbm>> -> memref<1x1x256x128xf32, #tpu.memory_space<hbm>>
    %dma_wait3A_620 = tpu.memref_squeeze %dma_wait3A_619 : memref<1x1x256x128xf32, #tpu.memory_space<hbm>> -> memref<256x128xf32, #tpu.memory_space<hbm>>
    %dma_wait3A_621 = arith.constant 0 : i32
    %dma_wait3A_622 = tpu.memref_slice %arg5[%select_n3A, %dma_wait3A_617, %select_n3A_32, %dma_wait3A_621] : memref<2x32x4096x128xf32, #tpu.memory_space<hbm>> -> memref<1x1x256x128xf32, #tpu.memory_space<hbm>>
    %dma_wait3A_623 = tpu.memref_squeeze %dma_wait3A_622 : memref<1x1x256x128xf32, #tpu.memory_space<hbm>> -> memref<256x128xf32, #tpu.memory_space<hbm>>
    tpu.wait_dma2 semaphore(%arg11 : memref<!tpu.dma_semaphore, #tpu.memory_space<semaphore_mem>>) src(%arg8 : memref<256x128xf32, #tpu.memory_space<vmem>>) dst(%dma_wait3A_623 : memref<256x128xf32, #tpu.memory_space<hbm>>)
    %dma_wait3A_624 = arith.constant 19 : i32
    %dma_wait3A_625 = arith.constant 0 : i32
    %dma_wait3A_626 = tpu.memref_slice %arg5[%select_n3A, %dma_wait3A_624, %select_n3A_32, %dma_wait3A_625] : memref<2x32x4096x128xf32, #tpu.memory_space<hbm>> -> memref<1x1x256x128xf32, #tpu.memory_space<hbm>>
    %dma_wait3A_627 = tpu.memref_squeeze %dma_wait3A_626 : memref<1x1x256x128xf32, #tpu.memory_space<hbm>> -> memref<256x128xf32, #tpu.memory_space<hbm>>
    %dma_wait3A_628 = arith.constant 0 : i32
    %dma_wait3A_629 = tpu.memref_slice %arg5[%select_n3A, %dma_wait3A_624, %select_n3A_32, %dma_wait3A_628] : memref<2x32x4096x128xf32, #tpu.memory_space<hbm>> -> memref<1x1x256x128xf32, #tpu.memory_space<hbm>>
    %dma_wait3A_630 = tpu.memref_squeeze %dma_wait3A_629 : memref<1x1x256x128xf32, #tpu.memory_space<hbm>> -> memref<256x128xf32, #tpu.memory_space<hbm>>
    tpu.wait_dma2 semaphore(%arg11 : memref<!tpu.dma_semaphore, #tpu.memory_space<semaphore_mem>>) src(%arg8 : memref<256x128xf32, #tpu.memory_space<vmem>>) dst(%dma_wait3A_630 : memref<256x128xf32, #tpu.memory_space<hbm>>)
    %dma_wait3A_631 = arith.constant 20 : i32
    %dma_wait3A_632 = arith.constant 0 : i32
    %dma_wait3A_633 = tpu.memref_slice %arg5[%select_n3A, %dma_wait3A_631, %select_n3A_32, %dma_wait3A_632] : memref<2x32x4096x128xf32, #tpu.memory_space<hbm>> -> memref<1x1x256x128xf32, #tpu.memory_space<hbm>>
    %dma_wait3A_634 = tpu.memref_squeeze %dma_wait3A_633 : memref<1x1x256x128xf32, #tpu.memory_space<hbm>> -> memref<256x128xf32, #tpu.memory_space<hbm>>
    %dma_wait3A_635 = arith.constant 0 : i32
    %dma_wait3A_636 = tpu.memref_slice %arg5[%select_n3A, %dma_wait3A_631, %select_n3A_32, %dma_wait3A_635] : memref<2x32x4096x128xf32, #tpu.memory_space<hbm>> -> memref<1x1x256x128xf32, #tpu.memory_space<hbm>>
    %dma_wait3A_637 = tpu.memref_squeeze %dma_wait3A_636 : memref<1x1x256x128xf32, #tpu.memory_space<hbm>> -> memref<256x128xf32, #tpu.memory_space<hbm>>
    tpu.wait_dma2 semaphore(%arg11 : memref<!tpu.dma_semaphore, #tpu.memory_space<semaphore_mem>>) src(%arg8 : memref<256x128xf32, #tpu.memory_space<vmem>>) dst(%dma_wait3A_637 : memref<256x128xf32, #tpu.memory_space<hbm>>)
    %dma_wait3A_638 = arith.constant 21 : i32
    %dma_wait3A_639 = arith.constant 0 : i32
    %dma_wait3A_640 = tpu.memref_slice %arg5[%select_n3A, %dma_wait3A_638, %select_n3A_32, %dma_wait3A_639] : memref<2x32x4096x128xf32, #tpu.memory_space<hbm>> -> memref<1x1x256x128xf32, #tpu.memory_space<hbm>>
    %dma_wait3A_641 = tpu.memref_squeeze %dma_wait3A_640 : memref<1x1x256x128xf32, #tpu.memory_space<hbm>> -> memref<256x128xf32, #tpu.memory_space<hbm>>
    %dma_wait3A_642 = arith.constant 0 : i32
    %dma_wait3A_643 = tpu.memref_slice %arg5[%select_n3A, %dma_wait3A_638, %select_n3A_32, %dma_wait3A_642] : memref<2x32x4096x128xf32, #tpu.memory_space<hbm>> -> memref<1x1x256x128xf32, #tpu.memory_space<hbm>>
    %dma_wait3A_644 = tpu.memref_squeeze %dma_wait3A_643 : memref<1x1x256x128xf32, #tpu.memory_space<hbm>> -> memref<256x128xf32, #tpu.memory_space<hbm>>
    tpu.wait_dma2 semaphore(%arg11 : memref<!tpu.dma_semaphore, #tpu.memory_space<semaphore_mem>>) src(%arg8 : memref<256x128xf32, #tpu.memory_space<vmem>>) dst(%dma_wait3A_644 : memref<256x128xf32, #tpu.memory_space<hbm>>)
    %dma_wait3A_645 = arith.constant 22 : i32
    %dma_wait3A_646 = arith.constant 0 : i32
    %dma_wait3A_647 = tpu.memref_slice %arg5[%select_n3A, %dma_wait3A_645, %select_n3A_32, %dma_wait3A_646] : memref<2x32x4096x128xf32, #tpu.memory_space<hbm>> -> memref<1x1x256x128xf32, #tpu.memory_space<hbm>>
    %dma_wait3A_648 = tpu.memref_squeeze %dma_wait3A_647 : memref<1x1x256x128xf32, #tpu.memory_space<hbm>> -> memref<256x128xf32, #tpu.memory_space<hbm>>
    %dma_wait3A_649 = arith.constant 0 : i32
    %dma_wait3A_650 = tpu.memref_slice %arg5[%select_n3A, %dma_wait3A_645, %select_n3A_32, %dma_wait3A_649] : memref<2x32x4096x128xf32, #tpu.memory_space<hbm>> -> memref<1x1x256x128xf32, #tpu.memory_space<hbm>>
    %dma_wait3A_651 = tpu.memref_squeeze %dma_wait3A_650 : memref<1x1x256x128xf32, #tpu.memory_space<hbm>> -> memref<256x128xf32, #tpu.memory_space<hbm>>
    tpu.wait_dma2 semaphore(%arg11 : memref<!tpu.dma_semaphore, #tpu.memory_space<semaphore_mem>>) src(%arg8 : memref<256x128xf32, #tpu.memory_space<vmem>>) dst(%dma_wait3A_651 : memref<256x128xf32, #tpu.memory_space<hbm>>)
    %dma_wait3A_652 = arith.constant 23 : i32
    %dma_wait3A_653 = arith.constant 0 : i32
    %dma_wait3A_654 = tpu.memref_slice %arg5[%select_n3A, %dma_wait3A_652, %select_n3A_32, %dma_wait3A_653] : memref<2x32x4096x128xf32, #tpu.memory_space<hbm>> -> memref<1x1x256x128xf32, #tpu.memory_space<hbm>>
    %dma_wait3A_655 = tpu.memref_squeeze %dma_wait3A_654 : memref<1x1x256x128xf32, #tpu.memory_space<hbm>> -> memref<256x128xf32, #tpu.memory_space<hbm>>
    %dma_wait3A_656 = arith.constant 0 : i32
    %dma_wait3A_657 = tpu.memref_slice %arg5[%select_n3A, %dma_wait3A_652, %select_n3A_32, %dma_wait3A_656] : memref<2x32x4096x128xf32, #tpu.memory_space<hbm>> -> memref<1x1x256x128xf32, #tpu.memory_space<hbm>>
    %dma_wait3A_658 = tpu.memref_squeeze %dma_wait3A_657 : memref<1x1x256x128xf32, #tpu.memory_space<hbm>> -> memref<256x128xf32, #tpu.memory_space<hbm>>
    tpu.wait_dma2 semaphore(%arg11 : memref<!tpu.dma_semaphore, #tpu.memory_space<semaphore_mem>>) src(%arg8 : memref<256x128xf32, #tpu.memory_space<vmem>>) dst(%dma_wait3A_658 : memref<256x128xf32, #tpu.memory_space<hbm>>)
    %dma_wait3A_659 = arith.constant 24 : i32
    %dma_wait3A_660 = arith.constant 0 : i32
    %dma_wait3A_661 = tpu.memref_slice %arg5[%select_n3A, %dma_wait3A_659, %select_n3A_32, %dma_wait3A_660] : memref<2x32x4096x128xf32, #tpu.memory_space<hbm>> -> memref<1x1x256x128xf32, #tpu.memory_space<hbm>>
    %dma_wait3A_662 = tpu.memref_squeeze %dma_wait3A_661 : memref<1x1x256x128xf32, #tpu.memory_space<hbm>> -> memref<256x128xf32, #tpu.memory_space<hbm>>
    %dma_wait3A_663 = arith.constant 0 : i32
    %dma_wait3A_664 = tpu.memref_slice %arg5[%select_n3A, %dma_wait3A_659, %select_n3A_32, %dma_wait3A_663] : memref<2x32x4096x128xf32, #tpu.memory_space<hbm>> -> memref<1x1x256x128xf32, #tpu.memory_space<hbm>>
    %dma_wait3A_665 = tpu.memref_squeeze %dma_wait3A_664 : memref<1x1x256x128xf32, #tpu.memory_space<hbm>> -> memref<256x128xf32, #tpu.memory_space<hbm>>
    tpu.wait_dma2 semaphore(%arg11 : memref<!tpu.dma_semaphore, #tpu.memory_space<semaphore_mem>>) src(%arg8 : memref<256x128xf32, #tpu.memory_space<vmem>>) dst(%dma_wait3A_665 : memref<256x128xf32, #tpu.memory_space<hbm>>)
    %dma_wait3A_666 = arith.constant 25 : i32
    %dma_wait3A_667 = arith.constant 0 : i32
    %dma_wait3A_668 = tpu.memref_slice %arg5[%select_n3A, %dma_wait3A_666, %select_n3A_32, %dma_wait3A_667] : memref<2x32x4096x128xf32, #tpu.memory_space<hbm>> -> memref<1x1x256x128xf32, #tpu.memory_space<hbm>>
    %dma_wait3A_669 = tpu.memref_squeeze %dma_wait3A_668 : memref<1x1x256x128xf32, #tpu.memory_space<hbm>> -> memref<256x128xf32, #tpu.memory_space<hbm>>
    %dma_wait3A_670 = arith.constant 0 : i32
    %dma_wait3A_671 = tpu.memref_slice %arg5[%select_n3A, %dma_wait3A_666, %select_n3A_32, %dma_wait3A_670] : memref<2x32x4096x128xf32, #tpu.memory_space<hbm>> -> memref<1x1x256x128xf32, #tpu.memory_space<hbm>>
    %dma_wait3A_672 = tpu.memref_squeeze %dma_wait3A_671 : memref<1x1x256x128xf32, #tpu.memory_space<hbm>> -> memref<256x128xf32, #tpu.memory_space<hbm>>
    tpu.wait_dma2 semaphore(%arg11 : memref<!tpu.dma_semaphore, #tpu.memory_space<semaphore_mem>>) src(%arg8 : memref<256x128xf32, #tpu.memory_space<vmem>>) dst(%dma_wait3A_672 : memref<256x128xf32, #tpu.memory_space<hbm>>)
    %dma_wait3A_673 = arith.constant 26 : i32
    %dma_wait3A_674 = arith.constant 0 : i32
    %dma_wait3A_675 = tpu.memref_slice %arg5[%select_n3A, %dma_wait3A_673, %select_n3A_32, %dma_wait3A_674] : memref<2x32x4096x128xf32, #tpu.memory_space<hbm>> -> memref<1x1x256x128xf32, #tpu.memory_space<hbm>>
    %dma_wait3A_676 = tpu.memref_squeeze %dma_wait3A_675 : memref<1x1x256x128xf32, #tpu.memory_space<hbm>> -> memref<256x128xf32, #tpu.memory_space<hbm>>
    %dma_wait3A_677 = arith.constant 0 : i32
    %dma_wait3A_678 = tpu.memref_slice %arg5[%select_n3A, %dma_wait3A_673, %select_n3A_32, %dma_wait3A_677] : memref<2x32x4096x128xf32, #tpu.memory_space<hbm>> -> memref<1x1x256x128xf32, #tpu.memory_space<hbm>>
    %dma_wait3A_679 = tpu.memref_squeeze %dma_wait3A_678 : memref<1x1x256x128xf32, #tpu.memory_space<hbm>> -> memref<256x128xf32, #tpu.memory_space<hbm>>
    tpu.wait_dma2 semaphore(%arg11 : memref<!tpu.dma_semaphore, #tpu.memory_space<semaphore_mem>>) src(%arg8 : memref<256x128xf32, #tpu.memory_space<vmem>>) dst(%dma_wait3A_679 : memref<256x128xf32, #tpu.memory_space<hbm>>)
    %dma_wait3A_680 = arith.constant 27 : i32
    %dma_wait3A_681 = arith.constant 0 : i32
    %dma_wait3A_682 = tpu.memref_slice %arg5[%select_n3A, %dma_wait3A_680, %select_n3A_32, %dma_wait3A_681] : memref<2x32x4096x128xf32, #tpu.memory_space<hbm>> -> memref<1x1x256x128xf32, #tpu.memory_space<hbm>>
    %dma_wait3A_683 = tpu.memref_squeeze %dma_wait3A_682 : memref<1x1x256x128xf32, #tpu.memory_space<hbm>> -> memref<256x128xf32, #tpu.memory_space<hbm>>
    %dma_wait3A_684 = arith.constant 0 : i32
    %dma_wait3A_685 = tpu.memref_slice %arg5[%select_n3A, %dma_wait3A_680, %select_n3A_32, %dma_wait3A_684] : memref<2x32x4096x128xf32, #tpu.memory_space<hbm>> -> memref<1x1x256x128xf32, #tpu.memory_space<hbm>>
    %dma_wait3A_686 = tpu.memref_squeeze %dma_wait3A_685 : memref<1x1x256x128xf32, #tpu.memory_space<hbm>> -> memref<256x128xf32, #tpu.memory_space<hbm>>
    tpu.wait_dma2 semaphore(%arg11 : memref<!tpu.dma_semaphore, #tpu.memory_space<semaphore_mem>>) src(%arg8 : memref<256x128xf32, #tpu.memory_space<vmem>>) dst(%dma_wait3A_686 : memref<256x128xf32, #tpu.memory_space<hbm>>)
    %dma_wait3A_687 = arith.constant 28 : i32
    %dma_wait3A_688 = arith.constant 0 : i32
    %dma_wait3A_689 = tpu.memref_slice %arg5[%select_n3A, %dma_wait3A_687, %select_n3A_32, %dma_wait3A_688] : memref<2x32x4096x128xf32, #tpu.memory_space<hbm>> -> memref<1x1x256x128xf32, #tpu.memory_space<hbm>>
    %dma_wait3A_690 = tpu.memref_squeeze %dma_wait3A_689 : memref<1x1x256x128xf32, #tpu.memory_space<hbm>> -> memref<256x128xf32, #tpu.memory_space<hbm>>
    %dma_wait3A_691 = arith.constant 0 : i32
    %dma_wait3A_692 = tpu.memref_slice %arg5[%select_n3A, %dma_wait3A_687, %select_n3A_32, %dma_wait3A_691] : memref<2x32x4096x128xf32, #tpu.memory_space<hbm>> -> memref<1x1x256x128xf32, #tpu.memory_space<hbm>>
    %dma_wait3A_693 = tpu.memref_squeeze %dma_wait3A_692 : memref<1x1x256x128xf32, #tpu.memory_space<hbm>> -> memref<256x128xf32, #tpu.memory_space<hbm>>
    tpu.wait_dma2 semaphore(%arg11 : memref<!tpu.dma_semaphore, #tpu.memory_space<semaphore_mem>>) src(%arg8 : memref<256x128xf32, #tpu.memory_space<vmem>>) dst(%dma_wait3A_693 : memref<256x128xf32, #tpu.memory_space<hbm>>)
    %dma_wait3A_694 = arith.constant 29 : i32
    %dma_wait3A_695 = arith.constant 0 : i32
    %dma_wait3A_696 = tpu.memref_slice %arg5[%select_n3A, %dma_wait3A_694, %select_n3A_32, %dma_wait3A_695] : memref<2x32x4096x128xf32, #tpu.memory_space<hbm>> -> memref<1x1x256x128xf32, #tpu.memory_space<hbm>>
    %dma_wait3A_697 = tpu.memref_squeeze %dma_wait3A_696 : memref<1x1x256x128xf32, #tpu.memory_space<hbm>> -> memref<256x128xf32, #tpu.memory_space<hbm>>
    %dma_wait3A_698 = arith.constant 0 : i32
    %dma_wait3A_699 = tpu.memref_slice %arg5[%select_n3A, %dma_wait3A_694, %select_n3A_32, %dma_wait3A_698] : memref<2x32x4096x128xf32, #tpu.memory_space<hbm>> -> memref<1x1x256x128xf32, #tpu.memory_space<hbm>>
    %dma_wait3A_700 = tpu.memref_squeeze %dma_wait3A_699 : memref<1x1x256x128xf32, #tpu.memory_space<hbm>> -> memref<256x128xf32, #tpu.memory_space<hbm>>
    tpu.wait_dma2 semaphore(%arg11 : memref<!tpu.dma_semaphore, #tpu.memory_space<semaphore_mem>>) src(%arg8 : memref<256x128xf32, #tpu.memory_space<vmem>>) dst(%dma_wait3A_700 : memref<256x128xf32, #tpu.memory_space<hbm>>)
    %dma_wait3A_701 = arith.constant 30 : i32
    %dma_wait3A_702 = arith.constant 0 : i32
    %dma_wait3A_703 = tpu.memref_slice %arg5[%select_n3A, %dma_wait3A_701, %select_n3A_32, %dma_wait3A_702] : memref<2x32x4096x128xf32, #tpu.memory_space<hbm>> -> memref<1x1x256x128xf32, #tpu.memory_space<hbm>>
    %dma_wait3A_704 = tpu.memref_squeeze %dma_wait3A_703 : memref<1x1x256x128xf32, #tpu.memory_space<hbm>> -> memref<256x128xf32, #tpu.memory_space<hbm>>
    %dma_wait3A_705 = arith.constant 0 : i32
    %dma_wait3A_706 = tpu.memref_slice %arg5[%select_n3A, %dma_wait3A_701, %select_n3A_32, %dma_wait3A_705] : memref<2x32x4096x128xf32, #tpu.memory_space<hbm>> -> memref<1x1x256x128xf32, #tpu.memory_space<hbm>>
    %dma_wait3A_707 = tpu.memref_squeeze %dma_wait3A_706 : memref<1x1x256x128xf32, #tpu.memory_space<hbm>> -> memref<256x128xf32, #tpu.memory_space<hbm>>
    tpu.wait_dma2 semaphore(%arg11 : memref<!tpu.dma_semaphore, #tpu.memory_space<semaphore_mem>>) src(%arg8 : memref<256x128xf32, #tpu.memory_space<vmem>>) dst(%dma_wait3A_707 : memref<256x128xf32, #tpu.memory_space<hbm>>)
    %dma_wait3A_708 = arith.constant 31 : i32
    %dma_wait3A_709 = arith.constant 0 : i32
    %dma_wait3A_710 = tpu.memref_slice %arg5[%select_n3A, %dma_wait3A_708, %select_n3A_32, %dma_wait3A_709] : memref<2x32x4096x128xf32, #tpu.memory_space<hbm>> -> memref<1x1x256x128xf32, #tpu.memory_space<hbm>>
    %dma_wait3A_711 = tpu.memref_squeeze %dma_wait3A_710 : memref<1x1x256x128xf32, #tpu.memory_space<hbm>> -> memref<256x128xf32, #tpu.memory_space<hbm>>
    %dma_wait3A_712 = arith.constant 0 : i32
    %dma_wait3A_713 = tpu.memref_slice %arg5[%select_n3A, %dma_wait3A_708, %select_n3A_32, %dma_wait3A_712] : memref<2x32x4096x128xf32, #tpu.memory_space<hbm>> -> memref<1x1x256x128xf32, #tpu.memory_space<hbm>>
    %dma_wait3A_714 = tpu.memref_squeeze %dma_wait3A_713 : memref<1x1x256x128xf32, #tpu.memory_space<hbm>> -> memref<256x128xf32, #tpu.memory_space<hbm>>
    tpu.wait_dma2 semaphore(%arg11 : memref<!tpu.dma_semaphore, #tpu.memory_space<semaphore_mem>>) src(%arg8 : memref<256x128xf32, #tpu.memory_space<vmem>>) dst(%dma_wait3A_714 : memref<256x128xf32, #tpu.memory_space<hbm>>)
    %dma_wait3A_715 = arith.constant 0 : i32
    %dma_wait3A_716 = arith.constant 0 : i32
    %dma_wait3A_717 = tpu.memref_slice %arg6[%select_n3A, %dma_wait3A_715, %select_n3A_32, %dma_wait3A_716] : memref<2x32x4096x128xf32, #tpu.memory_space<hbm>> -> memref<1x1x256x128xf32, #tpu.memory_space<hbm>>
    %dma_wait3A_718 = tpu.memref_squeeze %dma_wait3A_717 : memref<1x1x256x128xf32, #tpu.memory_space<hbm>> -> memref<256x128xf32, #tpu.memory_space<hbm>>
    %dma_wait3A_719 = arith.constant 0 : i32
    %dma_wait3A_720 = tpu.memref_slice %arg6[%select_n3A, %dma_wait3A_715, %select_n3A_32, %dma_wait3A_719] : memref<2x32x4096x128xf32, #tpu.memory_space<hbm>> -> memref<1x1x256x128xf32, #tpu.memory_space<hbm>>
    %dma_wait3A_721 = tpu.memref_squeeze %dma_wait3A_720 : memref<1x1x256x128xf32, #tpu.memory_space<hbm>> -> memref<256x128xf32, #tpu.memory_space<hbm>>
    tpu.wait_dma2 semaphore(%arg11 : memref<!tpu.dma_semaphore, #tpu.memory_space<semaphore_mem>>) src(%arg9 : memref<256x128xf32, #tpu.memory_space<vmem>>) dst(%dma_wait3A_721 : memref<256x128xf32, #tpu.memory_space<hbm>>)
    %dma_wait3A_722 = arith.constant 1 : i32
    %dma_wait3A_723 = arith.constant 0 : i32
    %dma_wait3A_724 = tpu.memref_slice %arg6[%select_n3A, %dma_wait3A_722, %select_n3A_32, %dma_wait3A_723] : memref<2x32x4096x128xf32, #tpu.memory_space<hbm>> -> memref<1x1x256x128xf32, #tpu.memory_space<hbm>>
    %dma_wait3A_725 = tpu.memref_squeeze %dma_wait3A_724 : memref<1x1x256x128xf32, #tpu.memory_space<hbm>> -> memref<256x128xf32, #tpu.memory_space<hbm>>
    %dma_wait3A_726 = arith.constant 0 : i32
    %dma_wait3A_727 = tpu.memref_slice %arg6[%select_n3A, %dma_wait3A_722, %select_n3A_32, %dma_wait3A_726] : memref<2x32x4096x128xf32, #tpu.memory_space<hbm>> -> memref<1x1x256x128xf32, #tpu.memory_space<hbm>>
    %dma_wait3A_728 = tpu.memref_squeeze %dma_wait3A_727 : memref<1x1x256x128xf32, #tpu.memory_space<hbm>> -> memref<256x128xf32, #tpu.memory_space<hbm>>
    tpu.wait_dma2 semaphore(%arg11 : memref<!tpu.dma_semaphore, #tpu.memory_space<semaphore_mem>>) src(%arg9 : memref<256x128xf32, #tpu.memory_space<vmem>>) dst(%dma_wait3A_728 : memref<256x128xf32, #tpu.memory_space<hbm>>)
    %dma_wait3A_729 = arith.constant 2 : i32
    %dma_wait3A_730 = arith.constant 0 : i32
    %dma_wait3A_731 = tpu.memref_slice %arg6[%select_n3A, %dma_wait3A_729, %select_n3A_32, %dma_wait3A_730] : memref<2x32x4096x128xf32, #tpu.memory_space<hbm>> -> memref<1x1x256x128xf32, #tpu.memory_space<hbm>>
    %dma_wait3A_732 = tpu.memref_squeeze %dma_wait3A_731 : memref<1x1x256x128xf32, #tpu.memory_space<hbm>> -> memref<256x128xf32, #tpu.memory_space<hbm>>
    %dma_wait3A_733 = arith.constant 0 : i32
    %dma_wait3A_734 = tpu.memref_slice %arg6[%select_n3A, %dma_wait3A_729, %select_n3A_32, %dma_wait3A_733] : memref<2x32x4096x128xf32, #tpu.memory_space<hbm>> -> memref<1x1x256x128xf32, #tpu.memory_space<hbm>>
    %dma_wait3A_735 = tpu.memref_squeeze %dma_wait3A_734 : memref<1x1x256x128xf32, #tpu.memory_space<hbm>> -> memref<256x128xf32, #tpu.memory_space<hbm>>
    tpu.wait_dma2 semaphore(%arg11 : memref<!tpu.dma_semaphore, #tpu.memory_space<semaphore_mem>>) src(%arg9 : memref<256x128xf32, #tpu.memory_space<vmem>>) dst(%dma_wait3A_735 : memref<256x128xf32, #tpu.memory_space<hbm>>)
    %dma_wait3A_736 = arith.constant 3 : i32
    %dma_wait3A_737 = arith.constant 0 : i32
    %dma_wait3A_738 = tpu.memref_slice %arg6[%select_n3A, %dma_wait3A_736, %select_n3A_32, %dma_wait3A_737] : memref<2x32x4096x128xf32, #tpu.memory_space<hbm>> -> memref<1x1x256x128xf32, #tpu.memory_space<hbm>>
    %dma_wait3A_739 = tpu.memref_squeeze %dma_wait3A_738 : memref<1x1x256x128xf32, #tpu.memory_space<hbm>> -> memref<256x128xf32, #tpu.memory_space<hbm>>
    %dma_wait3A_740 = arith.constant 0 : i32
    %dma_wait3A_741 = tpu.memref_slice %arg6[%select_n3A, %dma_wait3A_736, %select_n3A_32, %dma_wait3A_740] : memref<2x32x4096x128xf32, #tpu.memory_space<hbm>> -> memref<1x1x256x128xf32, #tpu.memory_space<hbm>>
    %dma_wait3A_742 = tpu.memref_squeeze %dma_wait3A_741 : memref<1x1x256x128xf32, #tpu.memory_space<hbm>> -> memref<256x128xf32, #tpu.memory_space<hbm>>
    tpu.wait_dma2 semaphore(%arg11 : memref<!tpu.dma_semaphore, #tpu.memory_space<semaphore_mem>>) src(%arg9 : memref<256x128xf32, #tpu.memory_space<vmem>>) dst(%dma_wait3A_742 : memref<256x128xf32, #tpu.memory_space<hbm>>)
    %dma_wait3A_743 = arith.constant 4 : i32
    %dma_wait3A_744 = arith.constant 0 : i32
    %dma_wait3A_745 = tpu.memref_slice %arg6[%select_n3A, %dma_wait3A_743, %select_n3A_32, %dma_wait3A_744] : memref<2x32x4096x128xf32, #tpu.memory_space<hbm>> -> memref<1x1x256x128xf32, #tpu.memory_space<hbm>>
    %dma_wait3A_746 = tpu.memref_squeeze %dma_wait3A_745 : memref<1x1x256x128xf32, #tpu.memory_space<hbm>> -> memref<256x128xf32, #tpu.memory_space<hbm>>
    %dma_wait3A_747 = arith.constant 0 : i32
    %dma_wait3A_748 = tpu.memref_slice %arg6[%select_n3A, %dma_wait3A_743, %select_n3A_32, %dma_wait3A_747] : memref<2x32x4096x128xf32, #tpu.memory_space<hbm>> -> memref<1x1x256x128xf32, #tpu.memory_space<hbm>>
    %dma_wait3A_749 = tpu.memref_squeeze %dma_wait3A_748 : memref<1x1x256x128xf32, #tpu.memory_space<hbm>> -> memref<256x128xf32, #tpu.memory_space<hbm>>
    tpu.wait_dma2 semaphore(%arg11 : memref<!tpu.dma_semaphore, #tpu.memory_space<semaphore_mem>>) src(%arg9 : memref<256x128xf32, #tpu.memory_space<vmem>>) dst(%dma_wait3A_749 : memref<256x128xf32, #tpu.memory_space<hbm>>)
    %dma_wait3A_750 = arith.constant 5 : i32
    %dma_wait3A_751 = arith.constant 0 : i32
    %dma_wait3A_752 = tpu.memref_slice %arg6[%select_n3A, %dma_wait3A_750, %select_n3A_32, %dma_wait3A_751] : memref<2x32x4096x128xf32, #tpu.memory_space<hbm>> -> memref<1x1x256x128xf32, #tpu.memory_space<hbm>>
    %dma_wait3A_753 = tpu.memref_squeeze %dma_wait3A_752 : memref<1x1x256x128xf32, #tpu.memory_space<hbm>> -> memref<256x128xf32, #tpu.memory_space<hbm>>
    %dma_wait3A_754 = arith.constant 0 : i32
    %dma_wait3A_755 = tpu.memref_slice %arg6[%select_n3A, %dma_wait3A_750, %select_n3A_32, %dma_wait3A_754] : memref<2x32x4096x128xf32, #tpu.memory_space<hbm>> -> memref<1x1x256x128xf32, #tpu.memory_space<hbm>>
    %dma_wait3A_756 = tpu.memref_squeeze %dma_wait3A_755 : memref<1x1x256x128xf32, #tpu.memory_space<hbm>> -> memref<256x128xf32, #tpu.memory_space<hbm>>
    tpu.wait_dma2 semaphore(%arg11 : memref<!tpu.dma_semaphore, #tpu.memory_space<semaphore_mem>>) src(%arg9 : memref<256x128xf32, #tpu.memory_space<vmem>>) dst(%dma_wait3A_756 : memref<256x128xf32, #tpu.memory_space<hbm>>)
    %dma_wait3A_757 = arith.constant 6 : i32
    %dma_wait3A_758 = arith.constant 0 : i32
    %dma_wait3A_759 = tpu.memref_slice %arg6[%select_n3A, %dma_wait3A_757, %select_n3A_32, %dma_wait3A_758] : memref<2x32x4096x128xf32, #tpu.memory_space<hbm>> -> memref<1x1x256x128xf32, #tpu.memory_space<hbm>>
    %dma_wait3A_760 = tpu.memref_squeeze %dma_wait3A_759 : memref<1x1x256x128xf32, #tpu.memory_space<hbm>> -> memref<256x128xf32, #tpu.memory_space<hbm>>
    %dma_wait3A_761 = arith.constant 0 : i32
    %dma_wait3A_762 = tpu.memref_slice %arg6[%select_n3A, %dma_wait3A_757, %select_n3A_32, %dma_wait3A_761] : memref<2x32x4096x128xf32, #tpu.memory_space<hbm>> -> memref<1x1x256x128xf32, #tpu.memory_space<hbm>>
    %dma_wait3A_763 = tpu.memref_squeeze %dma_wait3A_762 : memref<1x1x256x128xf32, #tpu.memory_space<hbm>> -> memref<256x128xf32, #tpu.memory_space<hbm>>
    tpu.wait_dma2 semaphore(%arg11 : memref<!tpu.dma_semaphore, #tpu.memory_space<semaphore_mem>>) src(%arg9 : memref<256x128xf32, #tpu.memory_space<vmem>>) dst(%dma_wait3A_763 : memref<256x128xf32, #tpu.memory_space<hbm>>)
    %dma_wait3A_764 = arith.constant 7 : i32
    %dma_wait3A_765 = arith.constant 0 : i32
    %dma_wait3A_766 = tpu.memref_slice %arg6[%select_n3A, %dma_wait3A_764, %select_n3A_32, %dma_wait3A_765] : memref<2x32x4096x128xf32, #tpu.memory_space<hbm>> -> memref<1x1x256x128xf32, #tpu.memory_space<hbm>>
    %dma_wait3A_767 = tpu.memref_squeeze %dma_wait3A_766 : memref<1x1x256x128xf32, #tpu.memory_space<hbm>> -> memref<256x128xf32, #tpu.memory_space<hbm>>
    %dma_wait3A_768 = arith.constant 0 : i32
    %dma_wait3A_769 = tpu.memref_slice %arg6[%select_n3A, %dma_wait3A_764, %select_n3A_32, %dma_wait3A_768] : memref<2x32x4096x128xf32, #tpu.memory_space<hbm>> -> memref<1x1x256x128xf32, #tpu.memory_space<hbm>>
    %dma_wait3A_770 = tpu.memref_squeeze %dma_wait3A_769 : memref<1x1x256x128xf32, #tpu.memory_space<hbm>> -> memref<256x128xf32, #tpu.memory_space<hbm>>
    tpu.wait_dma2 semaphore(%arg11 : memref<!tpu.dma_semaphore, #tpu.memory_space<semaphore_mem>>) src(%arg9 : memref<256x128xf32, #tpu.memory_space<vmem>>) dst(%dma_wait3A_770 : memref<256x128xf32, #tpu.memory_space<hbm>>)
    %dma_wait3A_771 = arith.constant 8 : i32
    %dma_wait3A_772 = arith.constant 0 : i32
    %dma_wait3A_773 = tpu.memref_slice %arg6[%select_n3A, %dma_wait3A_771, %select_n3A_32, %dma_wait3A_772] : memref<2x32x4096x128xf32, #tpu.memory_space<hbm>> -> memref<1x1x256x128xf32, #tpu.memory_space<hbm>>
    %dma_wait3A_774 = tpu.memref_squeeze %dma_wait3A_773 : memref<1x1x256x128xf32, #tpu.memory_space<hbm>> -> memref<256x128xf32, #tpu.memory_space<hbm>>
    %dma_wait3A_775 = arith.constant 0 : i32
    %dma_wait3A_776 = tpu.memref_slice %arg6[%select_n3A, %dma_wait3A_771, %select_n3A_32, %dma_wait3A_775] : memref<2x32x4096x128xf32, #tpu.memory_space<hbm>> -> memref<1x1x256x128xf32, #tpu.memory_space<hbm>>
    %dma_wait3A_777 = tpu.memref_squeeze %dma_wait3A_776 : memref<1x1x256x128xf32, #tpu.memory_space<hbm>> -> memref<256x128xf32, #tpu.memory_space<hbm>>
    tpu.wait_dma2 semaphore(%arg11 : memref<!tpu.dma_semaphore, #tpu.memory_space<semaphore_mem>>) src(%arg9 : memref<256x128xf32, #tpu.memory_space<vmem>>) dst(%dma_wait3A_777 : memref<256x128xf32, #tpu.memory_space<hbm>>)
    %dma_wait3A_778 = arith.constant 9 : i32
    %dma_wait3A_779 = arith.constant 0 : i32
    %dma_wait3A_780 = tpu.memref_slice %arg6[%select_n3A, %dma_wait3A_778, %select_n3A_32, %dma_wait3A_779] : memref<2x32x4096x128xf32, #tpu.memory_space<hbm>> -> memref<1x1x256x128xf32, #tpu.memory_space<hbm>>
    %dma_wait3A_781 = tpu.memref_squeeze %dma_wait3A_780 : memref<1x1x256x128xf32, #tpu.memory_space<hbm>> -> memref<256x128xf32, #tpu.memory_space<hbm>>
    %dma_wait3A_782 = arith.constant 0 : i32
    %dma_wait3A_783 = tpu.memref_slice %arg6[%select_n3A, %dma_wait3A_778, %select_n3A_32, %dma_wait3A_782] : memref<2x32x4096x128xf32, #tpu.memory_space<hbm>> -> memref<1x1x256x128xf32, #tpu.memory_space<hbm>>
    %dma_wait3A_784 = tpu.memref_squeeze %dma_wait3A_783 : memref<1x1x256x128xf32, #tpu.memory_space<hbm>> -> memref<256x128xf32, #tpu.memory_space<hbm>>
    tpu.wait_dma2 semaphore(%arg11 : memref<!tpu.dma_semaphore, #tpu.memory_space<semaphore_mem>>) src(%arg9 : memref<256x128xf32, #tpu.memory_space<vmem>>) dst(%dma_wait3A_784 : memref<256x128xf32, #tpu.memory_space<hbm>>)
    %dma_wait3A_785 = arith.constant 10 : i32
    %dma_wait3A_786 = arith.constant 0 : i32
    %dma_wait3A_787 = tpu.memref_slice %arg6[%select_n3A, %dma_wait3A_785, %select_n3A_32, %dma_wait3A_786] : memref<2x32x4096x128xf32, #tpu.memory_space<hbm>> -> memref<1x1x256x128xf32, #tpu.memory_space<hbm>>
    %dma_wait3A_788 = tpu.memref_squeeze %dma_wait3A_787 : memref<1x1x256x128xf32, #tpu.memory_space<hbm>> -> memref<256x128xf32, #tpu.memory_space<hbm>>
    %dma_wait3A_789 = arith.constant 0 : i32
    %dma_wait3A_790 = tpu.memref_slice %arg6[%select_n3A, %dma_wait3A_785, %select_n3A_32, %dma_wait3A_789] : memref<2x32x4096x128xf32, #tpu.memory_space<hbm>> -> memref<1x1x256x128xf32, #tpu.memory_space<hbm>>
    %dma_wait3A_791 = tpu.memref_squeeze %dma_wait3A_790 : memref<1x1x256x128xf32, #tpu.memory_space<hbm>> -> memref<256x128xf32, #tpu.memory_space<hbm>>
    tpu.wait_dma2 semaphore(%arg11 : memref<!tpu.dma_semaphore, #tpu.memory_space<semaphore_mem>>) src(%arg9 : memref<256x128xf32, #tpu.memory_space<vmem>>) dst(%dma_wait3A_791 : memref<256x128xf32, #tpu.memory_space<hbm>>)
    %dma_wait3A_792 = arith.constant 11 : i32
    %dma_wait3A_793 = arith.constant 0 : i32
    %dma_wait3A_794 = tpu.memref_slice %arg6[%select_n3A, %dma_wait3A_792, %select_n3A_32, %dma_wait3A_793] : memref<2x32x4096x128xf32, #tpu.memory_space<hbm>> -> memref<1x1x256x128xf32, #tpu.memory_space<hbm>>
    %dma_wait3A_795 = tpu.memref_squeeze %dma_wait3A_794 : memref<1x1x256x128xf32, #tpu.memory_space<hbm>> -> memref<256x128xf32, #tpu.memory_space<hbm>>
    %dma_wait3A_796 = arith.constant 0 : i32
    %dma_wait3A_797 = tpu.memref_slice %arg6[%select_n3A, %dma_wait3A_792, %select_n3A_32, %dma_wait3A_796] : memref<2x32x4096x128xf32, #tpu.memory_space<hbm>> -> memref<1x1x256x128xf32, #tpu.memory_space<hbm>>
    %dma_wait3A_798 = tpu.memref_squeeze %dma_wait3A_797 : memref<1x1x256x128xf32, #tpu.memory_space<hbm>> -> memref<256x128xf32, #tpu.memory_space<hbm>>
    tpu.wait_dma2 semaphore(%arg11 : memref<!tpu.dma_semaphore, #tpu.memory_space<semaphore_mem>>) src(%arg9 : memref<256x128xf32, #tpu.memory_space<vmem>>) dst(%dma_wait3A_798 : memref<256x128xf32, #tpu.memory_space<hbm>>)
    %dma_wait3A_799 = arith.constant 12 : i32
    %dma_wait3A_800 = arith.constant 0 : i32
    %dma_wait3A_801 = tpu.memref_slice %arg6[%select_n3A, %dma_wait3A_799, %select_n3A_32, %dma_wait3A_800] : memref<2x32x4096x128xf32, #tpu.memory_space<hbm>> -> memref<1x1x256x128xf32, #tpu.memory_space<hbm>>
    %dma_wait3A_802 = tpu.memref_squeeze %dma_wait3A_801 : memref<1x1x256x128xf32, #tpu.memory_space<hbm>> -> memref<256x128xf32, #tpu.memory_space<hbm>>
    %dma_wait3A_803 = arith.constant 0 : i32
    %dma_wait3A_804 = tpu.memref_slice %arg6[%select_n3A, %dma_wait3A_799, %select_n3A_32, %dma_wait3A_803] : memref<2x32x4096x128xf32, #tpu.memory_space<hbm>> -> memref<1x1x256x128xf32, #tpu.memory_space<hbm>>
    %dma_wait3A_805 = tpu.memref_squeeze %dma_wait3A_804 : memref<1x1x256x128xf32, #tpu.memory_space<hbm>> -> memref<256x128xf32, #tpu.memory_space<hbm>>
    tpu.wait_dma2 semaphore(%arg11 : memref<!tpu.dma_semaphore, #tpu.memory_space<semaphore_mem>>) src(%arg9 : memref<256x128xf32, #tpu.memory_space<vmem>>) dst(%dma_wait3A_805 : memref<256x128xf32, #tpu.memory_space<hbm>>)
    %dma_wait3A_806 = arith.constant 13 : i32
    %dma_wait3A_807 = arith.constant 0 : i32
    %dma_wait3A_808 = tpu.memref_slice %arg6[%select_n3A, %dma_wait3A_806, %select_n3A_32, %dma_wait3A_807] : memref<2x32x4096x128xf32, #tpu.memory_space<hbm>> -> memref<1x1x256x128xf32, #tpu.memory_space<hbm>>
    %dma_wait3A_809 = tpu.memref_squeeze %dma_wait3A_808 : memref<1x1x256x128xf32, #tpu.memory_space<hbm>> -> memref<256x128xf32, #tpu.memory_space<hbm>>
    %dma_wait3A_810 = arith.constant 0 : i32
    %dma_wait3A_811 = tpu.memref_slice %arg6[%select_n3A, %dma_wait3A_806, %select_n3A_32, %dma_wait3A_810] : memref<2x32x4096x128xf32, #tpu.memory_space<hbm>> -> memref<1x1x256x128xf32, #tpu.memory_space<hbm>>
    %dma_wait3A_812 = tpu.memref_squeeze %dma_wait3A_811 : memref<1x1x256x128xf32, #tpu.memory_space<hbm>> -> memref<256x128xf32, #tpu.memory_space<hbm>>
    tpu.wait_dma2 semaphore(%arg11 : memref<!tpu.dma_semaphore, #tpu.memory_space<semaphore_mem>>) src(%arg9 : memref<256x128xf32, #tpu.memory_space<vmem>>) dst(%dma_wait3A_812 : memref<256x128xf32, #tpu.memory_space<hbm>>)
    %dma_wait3A_813 = arith.constant 14 : i32
    %dma_wait3A_814 = arith.constant 0 : i32
    %dma_wait3A_815 = tpu.memref_slice %arg6[%select_n3A, %dma_wait3A_813, %select_n3A_32, %dma_wait3A_814] : memref<2x32x4096x128xf32, #tpu.memory_space<hbm>> -> memref<1x1x256x128xf32, #tpu.memory_space<hbm>>
    %dma_wait3A_816 = tpu.memref_squeeze %dma_wait3A_815 : memref<1x1x256x128xf32, #tpu.memory_space<hbm>> -> memref<256x128xf32, #tpu.memory_space<hbm>>
    %dma_wait3A_817 = arith.constant 0 : i32
    %dma_wait3A_818 = tpu.memref_slice %arg6[%select_n3A, %dma_wait3A_813, %select_n3A_32, %dma_wait3A_817] : memref<2x32x4096x128xf32, #tpu.memory_space<hbm>> -> memref<1x1x256x128xf32, #tpu.memory_space<hbm>>
    %dma_wait3A_819 = tpu.memref_squeeze %dma_wait3A_818 : memref<1x1x256x128xf32, #tpu.memory_space<hbm>> -> memref<256x128xf32, #tpu.memory_space<hbm>>
    tpu.wait_dma2 semaphore(%arg11 : memref<!tpu.dma_semaphore, #tpu.memory_space<semaphore_mem>>) src(%arg9 : memref<256x128xf32, #tpu.memory_space<vmem>>) dst(%dma_wait3A_819 : memref<256x128xf32, #tpu.memory_space<hbm>>)
    %dma_wait3A_820 = arith.constant 15 : i32
    %dma_wait3A_821 = arith.constant 0 : i32
    %dma_wait3A_822 = tpu.memref_slice %arg6[%select_n3A, %dma_wait3A_820, %select_n3A_32, %dma_wait3A_821] : memref<2x32x4096x128xf32, #tpu.memory_space<hbm>> -> memref<1x1x256x128xf32, #tpu.memory_space<hbm>>
    %dma_wait3A_823 = tpu.memref_squeeze %dma_wait3A_822 : memref<1x1x256x128xf32, #tpu.memory_space<hbm>> -> memref<256x128xf32, #tpu.memory_space<hbm>>
    %dma_wait3A_824 = arith.constant 0 : i32
    %dma_wait3A_825 = tpu.memref_slice %arg6[%select_n3A, %dma_wait3A_820, %select_n3A_32, %dma_wait3A_824] : memref<2x32x4096x128xf32, #tpu.memory_space<hbm>> -> memref<1x1x256x128xf32, #tpu.memory_space<hbm>>
    %dma_wait3A_826 = tpu.memref_squeeze %dma_wait3A_825 : memref<1x1x256x128xf32, #tpu.memory_space<hbm>> -> memref<256x128xf32, #tpu.memory_space<hbm>>
    tpu.wait_dma2 semaphore(%arg11 : memref<!tpu.dma_semaphore, #tpu.memory_space<semaphore_mem>>) src(%arg9 : memref<256x128xf32, #tpu.memory_space<vmem>>) dst(%dma_wait3A_826 : memref<256x128xf32, #tpu.memory_space<hbm>>)
    %dma_wait3A_827 = arith.constant 16 : i32
    %dma_wait3A_828 = arith.constant 0 : i32
    %dma_wait3A_829 = tpu.memref_slice %arg6[%select_n3A, %dma_wait3A_827, %select_n3A_32, %dma_wait3A_828] : memref<2x32x4096x128xf32, #tpu.memory_space<hbm>> -> memref<1x1x256x128xf32, #tpu.memory_space<hbm>>
    %dma_wait3A_830 = tpu.memref_squeeze %dma_wait3A_829 : memref<1x1x256x128xf32, #tpu.memory_space<hbm>> -> memref<256x128xf32, #tpu.memory_space<hbm>>
    %dma_wait3A_831 = arith.constant 0 : i32
    %dma_wait3A_832 = tpu.memref_slice %arg6[%select_n3A, %dma_wait3A_827, %select_n3A_32, %dma_wait3A_831] : memref<2x32x4096x128xf32, #tpu.memory_space<hbm>> -> memref<1x1x256x128xf32, #tpu.memory_space<hbm>>
    %dma_wait3A_833 = tpu.memref_squeeze %dma_wait3A_832 : memref<1x1x256x128xf32, #tpu.memory_space<hbm>> -> memref<256x128xf32, #tpu.memory_space<hbm>>
    tpu.wait_dma2 semaphore(%arg11 : memref<!tpu.dma_semaphore, #tpu.memory_space<semaphore_mem>>) src(%arg9 : memref<256x128xf32, #tpu.memory_space<vmem>>) dst(%dma_wait3A_833 : memref<256x128xf32, #tpu.memory_space<hbm>>)
    %dma_wait3A_834 = arith.constant 17 : i32
    %dma_wait3A_835 = arith.constant 0 : i32
    %dma_wait3A_836 = tpu.memref_slice %arg6[%select_n3A, %dma_wait3A_834, %select_n3A_32, %dma_wait3A_835] : memref<2x32x4096x128xf32, #tpu.memory_space<hbm>> -> memref<1x1x256x128xf32, #tpu.memory_space<hbm>>
    %dma_wait3A_837 = tpu.memref_squeeze %dma_wait3A_836 : memref<1x1x256x128xf32, #tpu.memory_space<hbm>> -> memref<256x128xf32, #tpu.memory_space<hbm>>
    %dma_wait3A_838 = arith.constant 0 : i32
    %dma_wait3A_839 = tpu.memref_slice %arg6[%select_n3A, %dma_wait3A_834, %select_n3A_32, %dma_wait3A_838] : memref<2x32x4096x128xf32, #tpu.memory_space<hbm>> -> memref<1x1x256x128xf32, #tpu.memory_space<hbm>>
    %dma_wait3A_840 = tpu.memref_squeeze %dma_wait3A_839 : memref<1x1x256x128xf32, #tpu.memory_space<hbm>> -> memref<256x128xf32, #tpu.memory_space<hbm>>
    tpu.wait_dma2 semaphore(%arg11 : memref<!tpu.dma_semaphore, #tpu.memory_space<semaphore_mem>>) src(%arg9 : memref<256x128xf32, #tpu.memory_space<vmem>>) dst(%dma_wait3A_840 : memref<256x128xf32, #tpu.memory_space<hbm>>)
    %dma_wait3A_841 = arith.constant 18 : i32
    %dma_wait3A_842 = arith.constant 0 : i32
    %dma_wait3A_843 = tpu.memref_slice %arg6[%select_n3A, %dma_wait3A_841, %select_n3A_32, %dma_wait3A_842] : memref<2x32x4096x128xf32, #tpu.memory_space<hbm>> -> memref<1x1x256x128xf32, #tpu.memory_space<hbm>>
    %dma_wait3A_844 = tpu.memref_squeeze %dma_wait3A_843 : memref<1x1x256x128xf32, #tpu.memory_space<hbm>> -> memref<256x128xf32, #tpu.memory_space<hbm>>
    %dma_wait3A_845 = arith.constant 0 : i32
    %dma_wait3A_846 = tpu.memref_slice %arg6[%select_n3A, %dma_wait3A_841, %select_n3A_32, %dma_wait3A_845] : memref<2x32x4096x128xf32, #tpu.memory_space<hbm>> -> memref<1x1x256x128xf32, #tpu.memory_space<hbm>>
    %dma_wait3A_847 = tpu.memref_squeeze %dma_wait3A_846 : memref<1x1x256x128xf32, #tpu.memory_space<hbm>> -> memref<256x128xf32, #tpu.memory_space<hbm>>
    tpu.wait_dma2 semaphore(%arg11 : memref<!tpu.dma_semaphore, #tpu.memory_space<semaphore_mem>>) src(%arg9 : memref<256x128xf32, #tpu.memory_space<vmem>>) dst(%dma_wait3A_847 : memref<256x128xf32, #tpu.memory_space<hbm>>)
    %dma_wait3A_848 = arith.constant 19 : i32
    %dma_wait3A_849 = arith.constant 0 : i32
    %dma_wait3A_850 = tpu.memref_slice %arg6[%select_n3A, %dma_wait3A_848, %select_n3A_32, %dma_wait3A_849] : memref<2x32x4096x128xf32, #tpu.memory_space<hbm>> -> memref<1x1x256x128xf32, #tpu.memory_space<hbm>>
    %dma_wait3A_851 = tpu.memref_squeeze %dma_wait3A_850 : memref<1x1x256x128xf32, #tpu.memory_space<hbm>> -> memref<256x128xf32, #tpu.memory_space<hbm>>
    %dma_wait3A_852 = arith.constant 0 : i32
    %dma_wait3A_853 = tpu.memref_slice %arg6[%select_n3A, %dma_wait3A_848, %select_n3A_32, %dma_wait3A_852] : memref<2x32x4096x128xf32, #tpu.memory_space<hbm>> -> memref<1x1x256x128xf32, #tpu.memory_space<hbm>>
    %dma_wait3A_854 = tpu.memref_squeeze %dma_wait3A_853 : memref<1x1x256x128xf32, #tpu.memory_space<hbm>> -> memref<256x128xf32, #tpu.memory_space<hbm>>
    tpu.wait_dma2 semaphore(%arg11 : memref<!tpu.dma_semaphore, #tpu.memory_space<semaphore_mem>>) src(%arg9 : memref<256x128xf32, #tpu.memory_space<vmem>>) dst(%dma_wait3A_854 : memref<256x128xf32, #tpu.memory_space<hbm>>)
    %dma_wait3A_855 = arith.constant 20 : i32
    %dma_wait3A_856 = arith.constant 0 : i32
    %dma_wait3A_857 = tpu.memref_slice %arg6[%select_n3A, %dma_wait3A_855, %select_n3A_32, %dma_wait3A_856] : memref<2x32x4096x128xf32, #tpu.memory_space<hbm>> -> memref<1x1x256x128xf32, #tpu.memory_space<hbm>>
    %dma_wait3A_858 = tpu.memref_squeeze %dma_wait3A_857 : memref<1x1x256x128xf32, #tpu.memory_space<hbm>> -> memref<256x128xf32, #tpu.memory_space<hbm>>
    %dma_wait3A_859 = arith.constant 0 : i32
    %dma_wait3A_860 = tpu.memref_slice %arg6[%select_n3A, %dma_wait3A_855, %select_n3A_32, %dma_wait3A_859] : memref<2x32x4096x128xf32, #tpu.memory_space<hbm>> -> memref<1x1x256x128xf32, #tpu.memory_space<hbm>>
    %dma_wait3A_861 = tpu.memref_squeeze %dma_wait3A_860 : memref<1x1x256x128xf32, #tpu.memory_space<hbm>> -> memref<256x128xf32, #tpu.memory_space<hbm>>
    tpu.wait_dma2 semaphore(%arg11 : memref<!tpu.dma_semaphore, #tpu.memory_space<semaphore_mem>>) src(%arg9 : memref<256x128xf32, #tpu.memory_space<vmem>>) dst(%dma_wait3A_861 : memref<256x128xf32, #tpu.memory_space<hbm>>)
    %dma_wait3A_862 = arith.constant 21 : i32
    %dma_wait3A_863 = arith.constant 0 : i32
    %dma_wait3A_864 = tpu.memref_slice %arg6[%select_n3A, %dma_wait3A_862, %select_n3A_32, %dma_wait3A_863] : memref<2x32x4096x128xf32, #tpu.memory_space<hbm>> -> memref<1x1x256x128xf32, #tpu.memory_space<hbm>>
    %dma_wait3A_865 = tpu.memref_squeeze %dma_wait3A_864 : memref<1x1x256x128xf32, #tpu.memory_space<hbm>> -> memref<256x128xf32, #tpu.memory_space<hbm>>
    %dma_wait3A_866 = arith.constant 0 : i32
    %dma_wait3A_867 = tpu.memref_slice %arg6[%select_n3A, %dma_wait3A_862, %select_n3A_32, %dma_wait3A_866] : memref<2x32x4096x128xf32, #tpu.memory_space<hbm>> -> memref<1x1x256x128xf32, #tpu.memory_space<hbm>>
    %dma_wait3A_868 = tpu.memref_squeeze %dma_wait3A_867 : memref<1x1x256x128xf32, #tpu.memory_space<hbm>> -> memref<256x128xf32, #tpu.memory_space<hbm>>
    tpu.wait_dma2 semaphore(%arg11 : memref<!tpu.dma_semaphore, #tpu.memory_space<semaphore_mem>>) src(%arg9 : memref<256x128xf32, #tpu.memory_space<vmem>>) dst(%dma_wait3A_868 : memref<256x128xf32, #tpu.memory_space<hbm>>)
    %dma_wait3A_869 = arith.constant 22 : i32
    %dma_wait3A_870 = arith.constant 0 : i32
    %dma_wait3A_871 = tpu.memref_slice %arg6[%select_n3A, %dma_wait3A_869, %select_n3A_32, %dma_wait3A_870] : memref<2x32x4096x128xf32, #tpu.memory_space<hbm>> -> memref<1x1x256x128xf32, #tpu.memory_space<hbm>>
    %dma_wait3A_872 = tpu.memref_squeeze %dma_wait3A_871 : memref<1x1x256x128xf32, #tpu.memory_space<hbm>> -> memref<256x128xf32, #tpu.memory_space<hbm>>
    %dma_wait3A_873 = arith.constant 0 : i32
    %dma_wait3A_874 = tpu.memref_slice %arg6[%select_n3A, %dma_wait3A_869, %select_n3A_32, %dma_wait3A_873] : memref<2x32x4096x128xf32, #tpu.memory_space<hbm>> -> memref<1x1x256x128xf32, #tpu.memory_space<hbm>>
    %dma_wait3A_875 = tpu.memref_squeeze %dma_wait3A_874 : memref<1x1x256x128xf32, #tpu.memory_space<hbm>> -> memref<256x128xf32, #tpu.memory_space<hbm>>
    tpu.wait_dma2 semaphore(%arg11 : memref<!tpu.dma_semaphore, #tpu.memory_space<semaphore_mem>>) src(%arg9 : memref<256x128xf32, #tpu.memory_space<vmem>>) dst(%dma_wait3A_875 : memref<256x128xf32, #tpu.memory_space<hbm>>)
    %dma_wait3A_876 = arith.constant 23 : i32
    %dma_wait3A_877 = arith.constant 0 : i32
    %dma_wait3A_878 = tpu.memref_slice %arg6[%select_n3A, %dma_wait3A_876, %select_n3A_32, %dma_wait3A_877] : memref<2x32x4096x128xf32, #tpu.memory_space<hbm>> -> memref<1x1x256x128xf32, #tpu.memory_space<hbm>>
    %dma_wait3A_879 = tpu.memref_squeeze %dma_wait3A_878 : memref<1x1x256x128xf32, #tpu.memory_space<hbm>> -> memref<256x128xf32, #tpu.memory_space<hbm>>
    %dma_wait3A_880 = arith.constant 0 : i32
    %dma_wait3A_881 = tpu.memref_slice %arg6[%select_n3A, %dma_wait3A_876, %select_n3A_32, %dma_wait3A_880] : memref<2x32x4096x128xf32, #tpu.memory_space<hbm>> -> memref<1x1x256x128xf32, #tpu.memory_space<hbm>>
    %dma_wait3A_882 = tpu.memref_squeeze %dma_wait3A_881 : memref<1x1x256x128xf32, #tpu.memory_space<hbm>> -> memref<256x128xf32, #tpu.memory_space<hbm>>
    tpu.wait_dma2 semaphore(%arg11 : memref<!tpu.dma_semaphore, #tpu.memory_space<semaphore_mem>>) src(%arg9 : memref<256x128xf32, #tpu.memory_space<vmem>>) dst(%dma_wait3A_882 : memref<256x128xf32, #tpu.memory_space<hbm>>)
    %dma_wait3A_883 = arith.constant 24 : i32
    %dma_wait3A_884 = arith.constant 0 : i32
    %dma_wait3A_885 = tpu.memref_slice %arg6[%select_n3A, %dma_wait3A_883, %select_n3A_32, %dma_wait3A_884] : memref<2x32x4096x128xf32, #tpu.memory_space<hbm>> -> memref<1x1x256x128xf32, #tpu.memory_space<hbm>>
    %dma_wait3A_886 = tpu.memref_squeeze %dma_wait3A_885 : memref<1x1x256x128xf32, #tpu.memory_space<hbm>> -> memref<256x128xf32, #tpu.memory_space<hbm>>
    %dma_wait3A_887 = arith.constant 0 : i32
    %dma_wait3A_888 = tpu.memref_slice %arg6[%select_n3A, %dma_wait3A_883, %select_n3A_32, %dma_wait3A_887] : memref<2x32x4096x128xf32, #tpu.memory_space<hbm>> -> memref<1x1x256x128xf32, #tpu.memory_space<hbm>>
    %dma_wait3A_889 = tpu.memref_squeeze %dma_wait3A_888 : memref<1x1x256x128xf32, #tpu.memory_space<hbm>> -> memref<256x128xf32, #tpu.memory_space<hbm>>
    tpu.wait_dma2 semaphore(%arg11 : memref<!tpu.dma_semaphore, #tpu.memory_space<semaphore_mem>>) src(%arg9 : memref<256x128xf32, #tpu.memory_space<vmem>>) dst(%dma_wait3A_889 : memref<256x128xf32, #tpu.memory_space<hbm>>)
    %dma_wait3A_890 = arith.constant 25 : i32
    %dma_wait3A_891 = arith.constant 0 : i32
    %dma_wait3A_892 = tpu.memref_slice %arg6[%select_n3A, %dma_wait3A_890, %select_n3A_32, %dma_wait3A_891] : memref<2x32x4096x128xf32, #tpu.memory_space<hbm>> -> memref<1x1x256x128xf32, #tpu.memory_space<hbm>>
    %dma_wait3A_893 = tpu.memref_squeeze %dma_wait3A_892 : memref<1x1x256x128xf32, #tpu.memory_space<hbm>> -> memref<256x128xf32, #tpu.memory_space<hbm>>
    %dma_wait3A_894 = arith.constant 0 : i32
    %dma_wait3A_895 = tpu.memref_slice %arg6[%select_n3A, %dma_wait3A_890, %select_n3A_32, %dma_wait3A_894] : memref<2x32x4096x128xf32, #tpu.memory_space<hbm>> -> memref<1x1x256x128xf32, #tpu.memory_space<hbm>>
    %dma_wait3A_896 = tpu.memref_squeeze %dma_wait3A_895 : memref<1x1x256x128xf32, #tpu.memory_space<hbm>> -> memref<256x128xf32, #tpu.memory_space<hbm>>
    tpu.wait_dma2 semaphore(%arg11 : memref<!tpu.dma_semaphore, #tpu.memory_space<semaphore_mem>>) src(%arg9 : memref<256x128xf32, #tpu.memory_space<vmem>>) dst(%dma_wait3A_896 : memref<256x128xf32, #tpu.memory_space<hbm>>)
    %dma_wait3A_897 = arith.constant 26 : i32
    %dma_wait3A_898 = arith.constant 0 : i32
    %dma_wait3A_899 = tpu.memref_slice %arg6[%select_n3A, %dma_wait3A_897, %select_n3A_32, %dma_wait3A_898] : memref<2x32x4096x128xf32, #tpu.memory_space<hbm>> -> memref<1x1x256x128xf32, #tpu.memory_space<hbm>>
    %dma_wait3A_900 = tpu.memref_squeeze %dma_wait3A_899 : memref<1x1x256x128xf32, #tpu.memory_space<hbm>> -> memref<256x128xf32, #tpu.memory_space<hbm>>
    %dma_wait3A_901 = arith.constant 0 : i32
    %dma_wait3A_902 = tpu.memref_slice %arg6[%select_n3A, %dma_wait3A_897, %select_n3A_32, %dma_wait3A_901] : memref<2x32x4096x128xf32, #tpu.memory_space<hbm>> -> memref<1x1x256x128xf32, #tpu.memory_space<hbm>>
    %dma_wait3A_903 = tpu.memref_squeeze %dma_wait3A_902 : memref<1x1x256x128xf32, #tpu.memory_space<hbm>> -> memref<256x128xf32, #tpu.memory_space<hbm>>
    tpu.wait_dma2 semaphore(%arg11 : memref<!tpu.dma_semaphore, #tpu.memory_space<semaphore_mem>>) src(%arg9 : memref<256x128xf32, #tpu.memory_space<vmem>>) dst(%dma_wait3A_903 : memref<256x128xf32, #tpu.memory_space<hbm>>)
    %dma_wait3A_904 = arith.constant 27 : i32
    %dma_wait3A_905 = arith.constant 0 : i32
    %dma_wait3A_906 = tpu.memref_slice %arg6[%select_n3A, %dma_wait3A_904, %select_n3A_32, %dma_wait3A_905] : memref<2x32x4096x128xf32, #tpu.memory_space<hbm>> -> memref<1x1x256x128xf32, #tpu.memory_space<hbm>>
    %dma_wait3A_907 = tpu.memref_squeeze %dma_wait3A_906 : memref<1x1x256x128xf32, #tpu.memory_space<hbm>> -> memref<256x128xf32, #tpu.memory_space<hbm>>
    %dma_wait3A_908 = arith.constant 0 : i32
    %dma_wait3A_909 = tpu.memref_slice %arg6[%select_n3A, %dma_wait3A_904, %select_n3A_32, %dma_wait3A_908] : memref<2x32x4096x128xf32, #tpu.memory_space<hbm>> -> memref<1x1x256x128xf32, #tpu.memory_space<hbm>>
    %dma_wait3A_910 = tpu.memref_squeeze %dma_wait3A_909 : memref<1x1x256x128xf32, #tpu.memory_space<hbm>> -> memref<256x128xf32, #tpu.memory_space<hbm>>
    tpu.wait_dma2 semaphore(%arg11 : memref<!tpu.dma_semaphore, #tpu.memory_space<semaphore_mem>>) src(%arg9 : memref<256x128xf32, #tpu.memory_space<vmem>>) dst(%dma_wait3A_910 : memref<256x128xf32, #tpu.memory_space<hbm>>)
    %dma_wait3A_911 = arith.constant 28 : i32
    %dma_wait3A_912 = arith.constant 0 : i32
    %dma_wait3A_913 = tpu.memref_slice %arg6[%select_n3A, %dma_wait3A_911, %select_n3A_32, %dma_wait3A_912] : memref<2x32x4096x128xf32, #tpu.memory_space<hbm>> -> memref<1x1x256x128xf32, #tpu.memory_space<hbm>>
    %dma_wait3A_914 = tpu.memref_squeeze %dma_wait3A_913 : memref<1x1x256x128xf32, #tpu.memory_space<hbm>> -> memref<256x128xf32, #tpu.memory_space<hbm>>
    %dma_wait3A_915 = arith.constant 0 : i32
    %dma_wait3A_916 = tpu.memref_slice %arg6[%select_n3A, %dma_wait3A_911, %select_n3A_32, %dma_wait3A_915] : memref<2x32x4096x128xf32, #tpu.memory_space<hbm>> -> memref<1x1x256x128xf32, #tpu.memory_space<hbm>>
    %dma_wait3A_917 = tpu.memref_squeeze %dma_wait3A_916 : memref<1x1x256x128xf32, #tpu.memory_space<hbm>> -> memref<256x128xf32, #tpu.memory_space<hbm>>
    tpu.wait_dma2 semaphore(%arg11 : memref<!tpu.dma_semaphore, #tpu.memory_space<semaphore_mem>>) src(%arg9 : memref<256x128xf32, #tpu.memory_space<vmem>>) dst(%dma_wait3A_917 : memref<256x128xf32, #tpu.memory_space<hbm>>)
    %dma_wait3A_918 = arith.constant 29 : i32
    %dma_wait3A_919 = arith.constant 0 : i32
    %dma_wait3A_920 = tpu.memref_slice %arg6[%select_n3A, %dma_wait3A_918, %select_n3A_32, %dma_wait3A_919] : memref<2x32x4096x128xf32, #tpu.memory_space<hbm>> -> memref<1x1x256x128xf32, #tpu.memory_space<hbm>>
    %dma_wait3A_921 = tpu.memref_squeeze %dma_wait3A_920 : memref<1x1x256x128xf32, #tpu.memory_space<hbm>> -> memref<256x128xf32, #tpu.memory_space<hbm>>
    %dma_wait3A_922 = arith.constant 0 : i32
    %dma_wait3A_923 = tpu.memref_slice %arg6[%select_n3A, %dma_wait3A_918, %select_n3A_32, %dma_wait3A_922] : memref<2x32x4096x128xf32, #tpu.memory_space<hbm>> -> memref<1x1x256x128xf32, #tpu.memory_space<hbm>>
    %dma_wait3A_924 = tpu.memref_squeeze %dma_wait3A_923 : memref<1x1x256x128xf32, #tpu.memory_space<hbm>> -> memref<256x128xf32, #tpu.memory_space<hbm>>
    tpu.wait_dma2 semaphore(%arg11 : memref<!tpu.dma_semaphore, #tpu.memory_space<semaphore_mem>>) src(%arg9 : memref<256x128xf32, #tpu.memory_space<vmem>>) dst(%dma_wait3A_924 : memref<256x128xf32, #tpu.memory_space<hbm>>)
    %dma_wait3A_925 = arith.constant 30 : i32
    %dma_wait3A_926 = arith.constant 0 : i32
    %dma_wait3A_927 = tpu.memref_slice %arg6[%select_n3A, %dma_wait3A_925, %select_n3A_32, %dma_wait3A_926] : memref<2x32x4096x128xf32, #tpu.memory_space<hbm>> -> memref<1x1x256x128xf32, #tpu.memory_space<hbm>>
    %dma_wait3A_928 = tpu.memref_squeeze %dma_wait3A_927 : memref<1x1x256x128xf32, #tpu.memory_space<hbm>> -> memref<256x128xf32, #tpu.memory_space<hbm>>
    %dma_wait3A_929 = arith.constant 0 : i32
    %dma_wait3A_930 = tpu.memref_slice %arg6[%select_n3A, %dma_wait3A_925, %select_n3A_32, %dma_wait3A_929] : memref<2x32x4096x128xf32, #tpu.memory_space<hbm>> -> memref<1x1x256x128xf32, #tpu.memory_space<hbm>>
    %dma_wait3A_931 = tpu.memref_squeeze %dma_wait3A_930 : memref<1x1x256x128xf32, #tpu.memory_space<hbm>> -> memref<256x128xf32, #tpu.memory_space<hbm>>
    tpu.wait_dma2 semaphore(%arg11 : memref<!tpu.dma_semaphore, #tpu.memory_space<semaphore_mem>>) src(%arg9 : memref<256x128xf32, #tpu.memory_space<vmem>>) dst(%dma_wait3A_931 : memref<256x128xf32, #tpu.memory_space<hbm>>)
    %dma_wait3A_932 = arith.constant 31 : i32
    %dma_wait3A_933 = arith.constant 0 : i32
    %dma_wait3A_934 = tpu.memref_slice %arg6[%select_n3A, %dma_wait3A_932, %select_n3A_32, %dma_wait3A_933] : memref<2x32x4096x128xf32, #tpu.memory_space<hbm>> -> memref<1x1x256x128xf32, #tpu.memory_space<hbm>>
    %dma_wait3A_935 = tpu.memref_squeeze %dma_wait3A_934 : memref<1x1x256x128xf32, #tpu.memory_space<hbm>> -> memref<256x128xf32, #tpu.memory_space<hbm>>
    %dma_wait3A_936 = arith.constant 0 : i32
    %dma_wait3A_937 = tpu.memref_slice %arg6[%select_n3A, %dma_wait3A_932, %select_n3A_32, %dma_wait3A_936] : memref<2x32x4096x128xf32, #tpu.memory_space<hbm>> -> memref<1x1x256x128xf32, #tpu.memory_space<hbm>>
    %dma_wait3A_938 = tpu.memref_squeeze %dma_wait3A_937 : memref<1x1x256x128xf32, #tpu.memory_space<hbm>> -> memref<256x128xf32, #tpu.memory_space<hbm>>
    tpu.wait_dma2 semaphore(%arg11 : memref<!tpu.dma_semaphore, #tpu.memory_space<semaphore_mem>>) src(%arg9 : memref<256x128xf32, #tpu.memory_space<vmem>>) dst(%dma_wait3A_938 : memref<256x128xf32, #tpu.memory_space<hbm>>)
    return
  }
}

module attributes {stable_mosaic.version = 14 : i64} {
  func.func @_table_body(%arg0: memref<4096x128xf32, #tpu.memory_space<vmem>>, %arg1: memref<4096x128xf32, #tpu.memory_space<vmem>>) attributes {dimension_semantics = [], scalar_prefetch = 0 : i64, scratch_operands = 0 : i64, tpu.core_type = #tpu.core_type<tc>} {
    %iota3A = tpu.iota {dimensions = array<i32: 0>} : vector<256x64xi32>
    %convert_element_type3A = arith.sitofp %iota3A : vector<256x64xi32> to vector<256x64xf32>
    %iota3A_0 = tpu.iota {dimensions = array<i32: 0>} : vector<16x64xi32>
    %convert_element_type3A_1 = arith.sitofp %iota3A_0 : vector<16x64xi32> to vector<16x64xf32>
    %iota3A_2 = tpu.iota {dimensions = array<i32: 1>} : vector<256x64xi32>
    %convert_element_type3A_3 = arith.sitofp %iota3A_2 : vector<256x64xi32> to vector<256x64xf32>
    %iota3A_4 = tpu.iota {dimensions = array<i32: 1>} : vector<16x64xi32>
    %convert_element_type3A_5 = arith.sitofp %iota3A_4 : vector<16x64xi32> to vector<16x64xf32>
    %mul3A = arith.constant 1.600000e+01 : f32
    %mul3A_6 = vector.broadcast %mul3A : f32 to vector<256x64xf32>
    %mul3A_7 = arith.mulf %mul3A_6, %convert_element_type3A : vector<256x64xf32>
    %mul3A_8 = arith.constant -0.14391157 : f32
    %mul3A_9 = vector.broadcast %mul3A_8 : f32 to vector<256x64xf32>
    %mul3A_10 = arith.mulf %convert_element_type3A_3, %mul3A_9 : vector<256x64xf32>
    %exp3A = math.exp %mul3A_10 : vector<256x64xf32>
    %mul3A_11 = arith.mulf %mul3A_7, %exp3A : vector<256x64xf32>
    %mul3A_12 = arith.constant -0.14391157 : f32
    %mul3A_13 = vector.broadcast %mul3A_12 : f32 to vector<16x64xf32>
    %mul3A_14 = arith.mulf %convert_element_type3A_5, %mul3A_13 : vector<16x64xf32>
    %exp3A_15 = math.exp %mul3A_14 : vector<16x64xf32>
    %mul3A_16 = arith.mulf %convert_element_type3A_1, %exp3A_15 : vector<16x64xf32>
    %cos3A = math.cos %mul3A_11 : vector<256x64xf32>
    %sin3A = math.sin %mul3A_11 : vector<256x64xf32>
    %cos3A_17 = math.cos %mul3A_16 : vector<16x64xf32>
    %sin3A_18 = math.sin %mul3A_16 : vector<16x64xf32>
    %broadcast_in_dim3A = vector.shape_cast %cos3A : vector<256x64xf32> to vector<256x1x64xf32>
    %broadcast_in_dim3A_19 = vector.shape_cast %broadcast_in_dim3A : vector<256x1x64xf32> to vector<256x1x64xf32>
    %broadcast_in_dim3A_20 = vector.broadcast %broadcast_in_dim3A_19 : vector<256x1x64xf32> to vector<256x16x64xf32>
    %reshape3A = vector.shape_cast %broadcast_in_dim3A_20 : vector<256x16x64xf32> to vector<4096x64xf32>
    %broadcast_in_dim3A_21 = vector.shape_cast %sin3A : vector<256x64xf32> to vector<256x1x64xf32>
    %broadcast_in_dim3A_22 = vector.shape_cast %broadcast_in_dim3A_21 : vector<256x1x64xf32> to vector<256x1x64xf32>
    %broadcast_in_dim3A_23 = vector.broadcast %broadcast_in_dim3A_22 : vector<256x1x64xf32> to vector<256x16x64xf32>
    %reshape3A_24 = vector.shape_cast %broadcast_in_dim3A_23 : vector<256x16x64xf32> to vector<4096x64xf32>
    %broadcast_in_dim3A_25 = vector.shape_cast %cos3A_17 : vector<16x64xf32> to vector<1x16x64xf32>
    %broadcast_in_dim3A_26 = vector.shape_cast %broadcast_in_dim3A_25 : vector<1x16x64xf32> to vector<1x16x64xf32>
    %broadcast_in_dim3A_27 = vector.broadcast %broadcast_in_dim3A_26 : vector<1x16x64xf32> to vector<256x16x64xf32>
    %reshape3A_28 = vector.shape_cast %broadcast_in_dim3A_27 : vector<256x16x64xf32> to vector<4096x64xf32>
    %broadcast_in_dim3A_29 = vector.shape_cast %sin3A_18 : vector<16x64xf32> to vector<1x16x64xf32>
    %broadcast_in_dim3A_30 = vector.shape_cast %broadcast_in_dim3A_29 : vector<1x16x64xf32> to vector<1x16x64xf32>
    %broadcast_in_dim3A_31 = vector.broadcast %broadcast_in_dim3A_30 : vector<1x16x64xf32> to vector<256x16x64xf32>
    %reshape3A_32 = vector.shape_cast %broadcast_in_dim3A_31 : vector<256x16x64xf32> to vector<4096x64xf32>
    %mul3A_33 = arith.mulf %reshape3A, %reshape3A_28 : vector<4096x64xf32>
    %mul3A_34 = arith.mulf %reshape3A_24, %reshape3A_32 : vector<4096x64xf32>
    %sub3A = arith.subf %mul3A_33, %mul3A_34 : vector<4096x64xf32>
    %bitcast_convert_type3A = tpu.bitcast %sub3A : vector<4096x64xf32> -> vector<4096x64xi32>
    %shift_right_arithmetic3A = arith.constant 13 : i32
    %shift_right_arithmetic3A_35 = vector.broadcast %shift_right_arithmetic3A : i32 to vector<4096x64xi32>
    %shift_right_arithmetic3A_36 = arith.shrsi %bitcast_convert_type3A, %shift_right_arithmetic3A_35 : vector<4096x64xi32>
    %and3A = arith.constant 1 : i32
    %and3A_37 = vector.broadcast %and3A : i32 to vector<4096x64xi32>
    %and3A_38 = arith.andi %shift_right_arithmetic3A_36, %and3A_37 : vector<4096x64xi32>
    %add3A = arith.constant 4095 : i32
    %add3A_39 = vector.broadcast %add3A : i32 to vector<4096x64xi32>
    %add3A_40 = arith.addi %add3A_39, %and3A_38 : vector<4096x64xi32>
    %add3A_41 = arith.addi %bitcast_convert_type3A, %add3A_40 : vector<4096x64xi32>
    %and3A_42 = arith.constant -8192 : i32
    %and3A_43 = vector.broadcast %and3A_42 : i32 to vector<4096x64xi32>
    %and3A_44 = arith.andi %add3A_41, %and3A_43 : vector<4096x64xi32>
    %bitcast_convert_type3A_45 = tpu.bitcast %and3A_44 : vector<4096x64xi32> -> vector<4096x64xf32>
    %mul3A_46 = arith.mulf %reshape3A_24, %reshape3A_28 : vector<4096x64xf32>
    %mul3A_47 = arith.mulf %reshape3A, %reshape3A_32 : vector<4096x64xf32>
    %add3A_48 = arith.addf %mul3A_46, %mul3A_47 : vector<4096x64xf32>
    %bitcast_convert_type3A_49 = tpu.bitcast %add3A_48 : vector<4096x64xf32> -> vector<4096x64xi32>
    %shift_right_arithmetic3A_50 = arith.constant 13 : i32
    %shift_right_arithmetic3A_51 = vector.broadcast %shift_right_arithmetic3A_50 : i32 to vector<4096x64xi32>
    %shift_right_arithmetic3A_52 = arith.shrsi %bitcast_convert_type3A_49, %shift_right_arithmetic3A_51 : vector<4096x64xi32>
    %and3A_53 = arith.constant 1 : i32
    %and3A_54 = vector.broadcast %and3A_53 : i32 to vector<4096x64xi32>
    %and3A_55 = arith.andi %shift_right_arithmetic3A_52, %and3A_54 : vector<4096x64xi32>
    %add3A_56 = arith.constant 4095 : i32
    %add3A_57 = vector.broadcast %add3A_56 : i32 to vector<4096x64xi32>
    %add3A_58 = arith.addi %add3A_57, %and3A_55 : vector<4096x64xi32>
    %add3A_59 = arith.addi %bitcast_convert_type3A_49, %add3A_58 : vector<4096x64xi32>
    %and3A_60 = arith.constant -8192 : i32
    %and3A_61 = vector.broadcast %and3A_60 : i32 to vector<4096x64xi32>
    %and3A_62 = arith.andi %add3A_59, %and3A_61 : vector<4096x64xi32>
    %bitcast_convert_type3A_63 = tpu.bitcast %and3A_62 : vector<4096x64xi32> -> vector<4096x64xf32>
    %concatenate3A = tpu.concatenate %bitcast_convert_type3A_45, %bitcast_convert_type3A_45 in 1 : vector<4096x64xf32>, vector<4096x64xf32> -> vector<4096x128xf32>
    %swap3A = arith.constant 0 : index
    %swap3A_64 = arith.constant 0 : index
    %swap3A_65 = vector.load %arg0[%swap3A, %swap3A_64] : memref<4096x128xf32, #tpu.memory_space<vmem>>, vector<4096x128xf32>
    tpu.vector_store %arg0[%swap3A, %swap3A_64], %concatenate3A {strides = array<i32>} : memref<4096x128xf32, #tpu.memory_space<vmem>>, vector<4096x128xf32>,
    %concatenate3A_66 = tpu.concatenate %bitcast_convert_type3A_63, %bitcast_convert_type3A_63 in 1 : vector<4096x64xf32>, vector<4096x64xf32> -> vector<4096x128xf32>
    %swap3A_67 = arith.constant 0 : index
    %swap3A_68 = arith.constant 0 : index
    %swap3A_69 = vector.load %arg1[%swap3A_67, %swap3A_68] : memref<4096x128xf32, #tpu.memory_space<vmem>>, vector<4096x128xf32>
    tpu.vector_store %arg1[%swap3A_67, %swap3A_68], %concatenate3A_66 {strides = array<i32>} : memref<4096x128xf32, #tpu.memory_space<vmem>>, vector<4096x128xf32>,
    return
  }
}

</mosaic_0001>

<sc_bundles>
// kernel: kernel.4.cloned.1.call-start
scs
__scs_entry_jumppad:
0x0: {  	(pc) =	sbr.rel $0x88, $3  }
0x1: {  	(tag) =	ssettag $0x0;
	lr =	simm.s32 $0x1  }
0x2: {  	[smem:$0x3FA0] =	sst lr;
	_ =	strace $0xD0000000  }
0x3: {  	_ = 	snop  }
0x4: {  	_ = 	snop  }
0x5: {  	_ = 	snop  }
0x6: {  	_ = 	snop  }
0x7: {  	_ = 	snop  }
__scs_overlays_trampoline_lowered:
0x8: {  	[smem:$0x3FAF] =	sst s0  }
0x9: {  	[smem:$0x3FB0] =	sst s1  }
0xa: {  	[smem:$0x3FB1] =	sst s2  }
0xb: {  	[smem:$0x3FB2] =	sst s3  }
0xc: {  	[smem:$0x3FB3] =	sst s4  }
0xd: {  	[smem:$0x3FB4] =	sst s5  }
0xe: {  	[smem:$0x3FB5] =	sst s6  }
0xf: {  	[smem:$0x3FB6] =	sst s7  }
0x10: {  	[smem:$0x3FB7] =	sst s8  }
0x11: {  	[smem:$0x3FB8] =	sst s9;
	s0 =	simm.s32 @!p0 $0x0  }
0x12: {  	s1 =	sld [smem:$0x3F9E];
	s0 =	simm.s32 @p0 $0x1  }
0x13: {  	[smem:$0x3FB9] =	sst s0;
	s0 =	simm.s32 @!p1 $0x0  }
0x14: {  	s2 =	sld [smem:$0x3F9D];
	s0 =	simm.s32 @p1 $0x1  }
0x15: {  	[smem:$0x3FBA] =	sst s0;
	s0 =	simm.s32 @!p2 $0x0  }
0x16: {  	s3 =	sld [smem:$0x3FDB];
	s0 =	simm.s32 @p2 $0x1  }
0x17: {  	s4 =	simm.s32 $0x1BF5;
	[smem:$0x3FBC] =	sst s0  }
0x18: {  	s0 =	sld [smem:$0x3F9F];
	_ =	swait.ge [sflag:s4], $0x0  }
0x19: {  	s7 =	sld [smem:$0x3FA0]  }
0x1a: {  	s8 =	sadd.s32 $0xFFFFE003, lr  }
0x1b: {  	s9 =	sadd.s32 $0xFFFFFEF7, lr;
	s5 =	simm.s32 $0xFFFFFFFF;
	p2 =	slt.u32 s8, $0xFFFFF086  }
0x1c: {  	p1 =	slt.u32 s9, $0xF7A;
	s5 =	simm.s32 @!p2 $0x0  }
0x1d: {  	s5 =	simm.s32 @p1 $0x1;
	p0 =	seq.s32 s7, s2  }
0x1e: {  	s7 =	smul.u32 @!p0 $0xF7A, s2;
	p2 =	seq.s32 @!p0 s5, $0x0  }
0x1f: {  	s9 =	smul.u32 $0xF7A, s1;
	s8 =	simm.s32 @!p0 $0x1BF5;
	p2 =	por !p2, p0  }
0x20: {  	[sflag:s8] =	ssyncset.s32 @!p0 $0xFFFFF086;
	s6 =	sadd.s32 @!p0 s3, s7;
	s7 =	simm.s32 @!p0 $0x108  }
0x21: {  	s3 =	sadd.s32 s3, s9;
	s6 =	sadd.s32 @!p0 $0x88, s6;
	s7 =	simm.s32 @p2 $0x1082  }
0x22: {  	[simem:s7], [sflag:s8] =	dma.local @!p0 [hbm:s6], $0xF7A  }
0x23: {  	s9 =	sor.u32 $0xD0000000, s2;
	s6 =	simm.s32 $0x108;
	_ =	swait.ge @!p0 [sflag:s8], $0x0  }
0x24: {  	s3 =	sadd.s32 $0x88, s3;
	s6 =	simm.s32 @!p1 $0x1082;
	[sflag:s4] =	ssyncset.s32 $0xFFFFF086  }
0x25: {  	[simem:s6], [sflag:s4] =	dma.local [hbm:s3], $0xF7A  }
0x26: {  	[smem:$0x3FA0] =	sst s1;
	(tag) =	ssettag s2;
	_ =	strace s9  }
0x27: {  	s1 =	sld [smem:$0x3FB0]  }
0x28: {  	s2 =	sld [smem:$0x3FB1]  }
0x29: {  	s4 =	sld [smem:$0x3FB3]  }
0x2a: {  	p0 =	seq.s32 s5, $0x0;
	s5 =	sld [smem:$0x3FB4]  }
0x2b: {  	s6 =	sld [smem:$0x3FB5]  }
0x2c: {  	s7 =	sld [smem:$0x3FB6]  }
0x2d: {  	s3 =	simm.s32 $0x108;
	s8 =	sld [smem:$0x3FB7]  }
0x2e: {  	s3 =	simm.s32 @!p0 $0x1082;
	s9 =	sld [smem:$0x3FB8]  }
0x2f: {  	lr =	sadd.s32 s0, s3;
	s0 =	sld [smem:$0x3FAF]  }
0x30: {  	s3 =	sld [smem:$0x3FB2]  }
0x31: {  	[smem:$0x3FBB] =	sst s10  }
0x32: {  	s10 =	sld [smem:$0x3FB9];
	_ =	sdelay $0x3  }
0x33: {  	p0 =	seq.s32 s10, $0x1;
	s10 =	sld [smem:$0x3FBB];
	_ =	sdelay $0x3  }
0x34: {  	[smem:$0x3FBB] =	sst s10  }
0x35: {  	s10 =	sld [smem:$0x3FBA];
	_ =	sdelay $0x3  }
0x36: {  	p1 =	seq.s32 s10, $0x1;
	s10 =	sld [smem:$0x3FBB];
	_ =	sdelay $0x3  }
0x37: {  	[smem:$0x3FBB] =	sst s10  }
0x38: {  	s10 =	sld [smem:$0x3FBC]  }
0x39: {  	_ = 	snop;
	(pc) =	sbr.ind lr, $3  }
0x3a: {  	_ = 	snop  }
0x3b: {  	_ = 	snop  }
0x3c: {  	p2 =	seq.s32 s10, $0x1;
	s10 =	sld [smem:$0x3FBB]  }
0x3d: {  	_ =	shalt  }
0x3e: {  	_ =	shalt  }
0x3f: {  	_ =	shalt  }
0x40: {  	_ =	shalt  }
0x41: {  	_ =	shalt  }
0x42: {  	_ =	shalt  }
0x43: {  	_ =	shalt  }
0x44: {  	_ =	shalt  }
0x45: {  	_ =	shalt  }
0x46: {  	_ =	shalt  }
0x47: {  	_ =	shalt  }
0x48: {  	_ =	shalt  }
0x49: {  	_ =	shalt  }
0x4a: {  	_ =	shalt  }
0x4b: {  	_ =	shalt  }
0x4c: {  	_ =	shalt  }
0x4d: {  	_ =	shalt  }
0x4e: {  	_ =	shalt  }
0x4f: {  	_ =	shalt  }
0x50: {  	_ =	shalt  }
0x51: {  	_ =	shalt  }
0x52: {  	_ =	shalt  }
0x53: {  	_ =	shalt  }
0x54: {  	_ =	shalt  }
0x55: {  	_ =	shalt  }
0x56: {  	_ =	shalt  }
0x57: {  	_ =	shalt  }
0x58: {  	_ =	shalt  }
0x59: {  	_ =	shalt  }
0x5a: {  	_ =	shalt  }
0x5b: {  	_ =	shalt  }
0x5c: {  	_ =	shalt  }
0x5d: {  	_ =	shalt  }
0x5e: {  	_ =	shalt  }
0x5f: {  	_ =	shalt  }
0x60: {  	_ =	shalt  }
0x61: {  	_ =	shalt  }
0x62: {  	_ =	shalt  }
0x63: {  	_ =	shalt  }
0x64: {  	_ =	shalt  }
0x65: {  	_ =	shalt  }
0x66: {  	_ =	shalt  }
0x67: {  	_ =	shalt  }
0x68: {  	_ =	shalt  }
0x69: {  	_ =	shalt  }
0x6a: {  	_ =	shalt  }
0x6b: {  	_ =	shalt  }
0x6c: {  	_ =	shalt  }
0x6d: {  	_ =	shalt  }
0x6e: {  	_ =	shalt  }
0x6f: {  	_ =	shalt  }
0x70: {  	_ =	shalt  }
0x71: {  	_ =	shalt  }
0x72: {  	_ =	shalt  }
0x73: {  	_ =	shalt  }
0x74: {  	_ =	shalt  }
0x75: {  	_ =	shalt  }
0x76: {  	_ =	shalt  }
0x77: {  	_ =	shalt  }
0x78: {  	_ =	shalt  }
0x79: {  	_ =	shalt  }
0x7a: {  	_ =	shalt  }
0x7b: {  	_ =	shalt  }
0x7c: {  	_ =	shalt  }
0x7d: {  	_ =	shalt  }
0x7e: {  	_ =	shalt  }
0x7f: {  	_ =	shalt  }
0x80: {  	_ =	shalt  }
0x81: {  	_ =	shalt  }
0x82: {  	_ =	shalt  }
0x83: {  	_ =	shalt  }
0x84: {  	_ =	shalt  }
0x85: {  	_ =	shalt  }
0x86: {  	_ =	shalt  }
0x87: {  	_ =	shalt  }
.Lfunc_end0:
.L_simem_size_0:
called_computation_lowered:
.L_overlay_start_0:
0x88: {  	s2 =	sld [smem:$0x3FD9]  }
0x89: {  	s3 =	sld [smem:$0x3FFE];
	_ =	sdelay $0x1  }
0x8a: {  	s1 =	srdreg.scid  }
0x8b: {  	s0 =	sand.u32 $0x1, s1  }
0x8c: {  	s14 =	sshll.u32 s0, $0xA;
	s2 =	sadd.s32 s3, s2  }
0x8d: {  	s2 =	sadd.s32 s2, s14  }
0x8e: {  	[smem:$0x3FC7] =	sst s2  }
0x8f: {  	_ = 	snop  }
0x90: {  	s2 =	sld [smem:$0x3FD0];
	_ =	sdelay $0x2  }
0x91: {  	s15 =	simm.s32 $0xA;
	s4 =	simm.s32 $0x10  }
0x92: {  	[smem:s4], [sflag:s15] =	dma.local [hbm:s2], $0x1  }
0x93: {  	_ =	swait.eq [sflag:s15], $0x1  }
0x94: {  	[sflag:s15] =	ssyncset.done $0x0  }
0x95: {  	s16 =	sld [smem:$0x10];
	[sflag:s15] =	ssyncadd.s32 $0xFFFFFFFF  }
0x96: {  	s17 =	sld [smem:$0x11];
	(tm) =	ssettm $0x1  }
0x97: {  	s18 =	sld [smem:$0x3FFB];
	_ =	sdelay $0x3  }
0x98: {  	_ =	strace s18  }
0x99: {  	s4 =	sld [smem:$0x3FFC];
	_ =	sdelay $0x3  }
0x9a: {  	_ =	strace s4  }
0x9b: {  	s4 =	sld [smem:$0x3FFD];
	_ =	sdelay $0x3  }
0x9c: {  	_ =	strace s4  }
0x9d: {  	_ =	strace $0x8FFFFFFF  }
0x9e: {  	s19 =	sld [smem:$0x3FDB];
	_ =	sdelay $0x1  }
0x9f: {  	s5 =	simm.s32 $_scs_section_size  }
0xa0: {  	s6 =	simm.s32 $_size__tile_overlayer_lowered;
	s7 =	simm.s32 $_tile_overlayer_lowered  }
0xa1: {  	s22 =	simm.s32 $0x1BFF;
	s21 =	sshll.u32 s7, $0x1;
	s4 =	sadd.s32 s5, s19  }
0xa2: {  	s8 =	simm.s32 $0x0;
	s20 =	sshll.u32 s6, $0x1;
	s6 =	sadd.s32 s21, s4  }
0xa3: {  	[timem:s8], [sflag:s22] =	dma.local [hbm:s6], s20  }
0xa4: {  	_ =	swait.ge [sflag:s22], s20  }
0xa5: {  	s5 =	ssub.s32 $0x0, s20;
	[sflag:s22] =	ssyncset.done $0x0  }
0xa6: {  	[sflag:s22] =	ssyncadd.s32 s5;
	_ =	sdelay $0x1  }
0xa7: {  	s23 =	simm.s32 $0x1B8B  }
0xa8: {  	_ =	swait.ge [sflag:s23], $0x1  }
0xa9: {  	[sflag:s23] =	ssyncset.done $0x0  }
0xaa: {  	s25 =	simm.s32 $0x1B8E;
	s24 =	sld [smem:$0x3FFE];
	[sflag:s23] =	ssyncadd.s32 $0xFFFFFFFF  }
0xab: {  	s26 =	simm.s32 $execute0_lowered;
	[smem:$0x3FD2] =	sst s25  }
0xac: {  	s6 =	sshll.u32 s26, $0x1;
	_ =	strace $0x80000046;
	[dreg:$0x1] =	wrdreg $0xFFFFFFFF  }
0xad: {  	s28 =	simm.s32 $_size_execute0_lowered;
	s4 =	sadd.s32 s4, s6;
	[dreg:$0x0] =	wrdreg $0x0  }
0xae: {  	s6 =	sshll.u32 s28, $0x1;
	[dreg:$0x2] =	wrdreg s4  }
0xaf: {  	[dreg:$0x3] =	wrdreg s6  }
0xb0: {  	[dreg:$0x4] =	wrdreg $0xC0  }
0xb1: {  	_ =	task [dreg:s8], $0x5FFFF  }
0xb2: {  	[dreg:$0x1] =	wrdreg $0xFFFFFFFF  }
0xb3: {  	[dreg:$0x0] =	wrdreg $0x60  }
0xb4: {  	[dreg:$0x2] =	wrdreg s24  }
0xb5: {  	[dreg:$0x3] =	wrdreg s16  }
0xb6: {  	[dreg:$0x4] =	wrdreg s17  }
0xb7: {  	[dreg:$0x5] =	wrdreg $0x9  }
0xb8: {  	_ =	task.clear_ibuf [dreg:s8], $0x6FFFF;
	_ =	strace $0x90000046  }
0xb9: {  	s29 =	simm.s32 $0x9;
	_ =	strace $0x80000048  }
0xba: {  	_ =	swait.ge [sflag:s29], $0x1  }
0xbb: {  	[sflag:s29] =	ssyncadd.s32 $0xFFFFFFFF  }
0xbc: {  	_ =	strace $0x90000048  }
0xbd: {  	_ =	sfence  }
0xbe: {  	s30 =	sld [smem:$0x0];
	_ =	sdelay $0x2  }
0xbf: {  	s31 =	sshll.u32 s1, $0xD;
	s1 =	sshrl.u32 s1, $0x2  }
0xc0: {  	s3 =	sand.u32 $0x4000, s31;
	s1 =	sadd.s32 s1, s30  }
0xc1: {  	s0 =	sor.u32 s3, s0;
	s1 =	sshll.u32 s1, $0x11  }
0xc2: {  	s0 =	sor.u32 s1, s0  }
0xc3: {  	s0 =	sadd.s32 $0x8F2B, s0  }
0xc4: {  	[sflag:s0] =	ssyncadd.remote.s32 $0x1  }
0xc5: {  	_ =	sfence.sel $0xFFFF  }
0xc6: {  	[dreg:$0x0] =	wrdreg $0xFFFFFFFF;
	(pc) =	sbr.abs _section_cstart, $3  }
0xc7: {  	[dreg:$0x1] =	wrdreg $0xFFFFFFFF  }
0xc8: {  	_ =	task.clear_ibuf [dreg:s8], $0x2FFFF;
	_ =	strace $0x9FFFFFFF  }
0xc9: {  	(tm) =	ssettm $0x7FFFFFFF  }
tec
execute0_lowered:
.L_overlay_start_1:
0x0: {  	(tag) =	ssettag $0x1  }
0x1: {  	s1 =	rddreg [dreg:$0x0]  }
0x2: {  	s4 =	rddreg [dreg:$0x1]  }
0x3: {  	s0 =	rddreg [dreg:$0x2]  }
0x4: {  	s3 =	simm.s32 $0x0;
	s2 =	srdreg.scid;
	s8 =	stileid.u32  }
0x5: {  	[smem:$0x7FF] =	sst s3;
	s2 =	sand.u32 $0x1, s2;
	s5 =	sadd.s32 $0xC00, s1  }
0x6: {  	s6 =	sshll.u32 s8, $0x9;
	s8 =	sshll.u32 s8, $0x12;
	s7 =	sshll.u32 s2, $0x8  }
0x7: {  	s9 =	sadd.s32 $0x10C00, s1;
	_ =	strace $0x80000047;
	s7 =	sor.u32 s7, s6  }
0x8: {  	[dreg:$0x4] =	wrdreg s5;
	s6 =	sshrl.u32 s7, $0x3;
	s5 =	sshll.u32 s7, $0x4  }
0x9: {  	[smem:$0x7FB] =	sst s2;
	s1 =	sadd.s32 s6, s1;
	s5 =	sor.u32 s8, s5  }
0xa: {  	[dreg:$0x5] =	wrdreg s9;
	s1 =	sadd.s32 $0x20C00, s1;
	s5 =	sand.u32 $0x20F000, s5  }
0xb: {  	[dreg:$0x6] =	wrdreg s1;
	s11 =	sor.u32 $0x10000, s5  }
0xc: {  	s10 =	sadd.s32 s4, s5;
	[smem:$0x7F0] =	sst s11  }
0xd: {  	s13 =	sor.u32 $0x20000, s5;
	[dreg:$0x7] =	wrdreg s10  }
0xe: {  	s15 =	sor.u32 $0x30000, s5;
	[smem:$0x7F2] =	sst s13  }
0xf: {  	s17 =	sor.u32 $0x40000, s5;
	[smem:$0x7F4] =	sst s15  }
0x10: {  	s19 =	sor.u32 $0x50000, s5;
	[smem:$0x7F6] =	sst s17  }
0x11: {  	s12 =	sadd.s32 s4, s11;
	[smem:$0x7F8] =	sst s19  }
0x12: {  	s14 =	sadd.s32 s4, s13;
	[dreg:$0x8] =	wrdreg s12  }
0x13: {  	s16 =	sadd.s32 s4, s15;
	[dreg:$0x9] =	wrdreg s14  }
0x14: {  	s18 =	sadd.s32 s4, s17;
	[dreg:$0xa] =	wrdreg s16  }
0x15: {  	s9 =	sor.u32 $0x60000, s5;
	s20 =	sadd.s32 s4, s19;
	[dreg:$0xb] =	wrdreg s18  }
0x16: {  	s7 =	sor.u32 $0x80000, s5;
	s21 =	sadd.s32 s4, s9;
	[dreg:$0xc] =	wrdreg s20  }
0x17: {  	s8 =	sor.u32 $0x90000, s5;
	s23 =	sadd.s32 s4, s7;
	[dreg:$0xd] =	wrdreg s21  }
0x18: {  	s6 =	sor.u32 $0xA0000, s5;
	s24 =	sadd.s32 s4, s8;
	[dreg:$0xf] =	wrdreg s23  }
0x19: {  	s25 =	sadd.s32 s4, s6;
	[dreg:$0x10] =	wrdreg s24  }
0x1a: {  	s10 =	sor.u32 $0x70000, s5;
	s9 =	sadd.s32 s0, s9;
	[dreg:$0x11] =	wrdreg s25  }
0x1b: {  	s17 =	sor.u32 $0xC0000, s5;
	s22 =	sadd.s32 s4, s10;
	[smem:$0x7FA] =	sst s9  }
0x1c: {  	s19 =	sor.u32 $0xE0000, s5;
	s2 =	sadd.s32 s4, s17;
	[dreg:$0xe] =	wrdreg s22  }
0x1d: {  	s28 =	sor.u32 $0x160000, s5;
	s12 =	sadd.s32 s4, s19;
	[dreg:$0x13] =	wrdreg s2  }
0x1e: {  	s25 =	sadd.s32 s4, s28;
	[dreg:$0x15] =	wrdreg s12  }
0x1f: {  	s16 =	sor.u32 $0xB0000, s5;
	s9 =	sadd.s32 s0, s7;
	[dreg:$0x1d] =	wrdreg s25  }
0x20: {  	s18 =	sor.u32 $0xD0000, s5;
	s26 =	sadd.s32 s4, s16;
	[smem:$0x7FD] =	sst s9  }
0x21: {  	s20 =	sor.u32 $0xF0000, s5;
	s11 =	sadd.s32 s4, s18;
	[dreg:$0x12] =	wrdreg s26  }
0x22: {  	s29 =	sor.u32 $0x170000, s5;
	s13 =	sadd.s32 s4, s20;
	[dreg:$0x14] =	wrdreg s11  }
0x23: {  	s12 =	sor.u32 $0x110000, s5;
	s2 =	sadd.s32 s4, s29;
	[dreg:$0x16] =	wrdreg s13  }
0x24: {  	s11 =	sor.u32 $0x100000, s5;
	s15 =	sadd.s32 s4, s12;
	[dreg:$0x1e] =	wrdreg s2  }
0x25: {  	s13 =	sor.u32 $0x120000, s5;
	s14 =	sadd.s32 s4, s11;
	[dreg:$0x18] =	wrdreg s15  }
0x26: {  	s26 =	sor.u32 $0x150000, s5;
	s21 =	sadd.s32 s4, s13;
	[dreg:$0x17] =	wrdreg s14  }
0x27: {  	s15 =	sor.u32 $0x140000, s5;
	s24 =	sadd.s32 s4, s26;
	[dreg:$0x19] =	wrdreg s21  }
0x28: {  	s30 =	sor.u32 $0x180000, s5;
	s23 =	sadd.s32 s4, s15;
	[dreg:$0x1c] =	wrdreg s24  }
0x29: {  	s14 =	sor.u32 $0x130000, s5;
	s21 =	sadd.s32 s4, s30;
	[dreg:$0x1b] =	wrdreg s23  }
0x2a: {  	s31 =	sor.u32 $0x190000, s5;
	s22 =	sadd.s32 s4, s14;
	[dreg:$0x1f] =	wrdreg s21  }
0x2b: {  	s21 =	sor.u32 $0x1A0000, s5;
	[dreg:$0x1a] =	wrdreg s22;
	s22 =	sadd.s32 s4, s31  }
0x2c: {  	s23 =	sadd.s32 s4, s21;
	[smem:$0x7E8] =	sst s22;
	s22 =	sor.u32 $0x1B0000, s5  }
0x2d: {  	[smem:$0x7E9] =	sst s23;
	s23 =	sor.u32 $0x1C0000, s5;
	s24 =	sadd.s32 s4, s22  }
0x2e: {  	s25 =	sadd.s32 s4, s23;
	[smem:$0x7EA] =	sst s24;
	s24 =	sor.u32 $0x1D0000, s5  }
0x2f: {  	[smem:$0x7EB] =	sst s25;
	s25 =	sor.u32 $0x1E0000, s5;
	s2 =	sadd.s32 s4, s24  }
0x30: {  	s1 =	sadd.s32 s4, s25;
	[smem:$0x7EC] =	sst s2;
	s2 =	sor.u32 $0x1F0000, s5  }
0x31: {  	[smem:$0x7ED] =	sst s1;
	s4 =	sadd.s32 s4, s2  }
0x32: {  	[smem:$0x7EE] =	sst s4  }
0x33: {  	s4 =	sadd.s32 s0, s5;
	s5 =	sld [smem:$0x7F0]  }
0x34: {  	[smem:$0x7EF] =	sst s4  }
0x35: {  	s4 =	sld [smem:$0x7F2]  }
0x36: {  	s1 =	sadd.s32 s0, s5;
	s5 =	sld [smem:$0x7F4]  }
0x37: {  	[smem:$0x7F1] =	sst s1  }
0x38: {  	s1 =	sadd.s32 s0, s4;
	s4 =	sld [smem:$0x7F6]  }
0x39: {  	p0 =	por $0x0, $0x0;
	s7 =	sadd.s32 s0, s17;
	[smem:$0x7F3] =	sst s1  }
0x3a: {  	s17 =	sadd.s32 s0, s28;
	s1 =	sadd.s32 s0, s5;
	s5 =	sld [smem:$0x7F8]  }
0x3b: {  	s28 =	simm.s32 $0x8100;
	s9 =	sadd.s32 s0, s19;
	[smem:$0x7F5] =	sst s1  }
0x3c: {  	s19 =	sadd.s32 s0, s30;
	s1 =	sadd.s32 s0, s4;
	s4 =	sld [smem:$0x7FB]  }
0x3d: {  	s12 =	sadd.s32 s0, s12;
	s11 =	sadd.s32 s0, s11;
	s13 =	sadd.s32 s0, s13  }
0x3e: {  	s15 =	sadd.s32 s0, s15;
	[smem:$0x7F7] =	sst s1;
	s1 =	sadd.s32 s0, s5  }
0x3f: {  	s5 =	sadd.s32 s0, s10;
	[smem:$0x7F9] =	sst s1;
	s1 =	ssub.s32 $0x2, s4  }
0x40: {  	s30 =	simm.s32 $0x100;
	[smem:$0x7FC] =	sst s5;
	s10 =	sshrl.u32 s1, $0x1  }
0x41: {  	s5 =	sadd.s32 s0, s6;
	s6 =	sadd.s32 s0, s16;
	s1 =	ssub.s32 s1, s10  }
0x42: {  	s16 =	sadd.s32 s0, s26;
	s26 =	sadd.s32 s0, s2;
	s2 =	smax.u32 s1, $0x1  }
0x43: {  	s14 =	sadd.s32 s0, s14;
	s21 =	sadd.s32 s0, s21;
	p1 =	sne.s32 s2, $0x1  }
.Ltmp0:
0x44: {  	s22 =	sadd.s32 s0, s22;
	s23 =	sadd.s32 s0, s23;
	(pc) =	sbr.rel @!p1 .LBB2_3-.Ltmp0, $4  }
0x45: {  	s24 =	sadd.s32 s0, s24;
	s25 =	sadd.s32 s0, s25;
	s4 =	sadd.s32 s0, s8  }
0x46: {  	s8 =	sadd.s32 s0, s18;
	s18 =	sadd.s32 s0, s29;
	s29 =	simm.s32 $0x1  }
0x47: {  	s10 =	sadd.s32 s0, s20;
	s20 =	sadd.s32 s0, s31;
	s31 =	simm.s32 $0x3  }
0x48: {  	s1 =	rddreg [dreg:$0x6];
	s0 =	sadd.s32 $0xFFFFFFFF, s2;
	s2 =	simm.s32 $0x2  }
0x49: {  	[tilespmem:s3], [sflag:$0x3] =	stream.linear.gather [hbm4b:s1+s3], $0x100, $0x38;
	[tilespmem:$0x10100] =	vst v63  }
0x4a: {  	_ =	swait.ge [sflag:s31], $0x100  }
0x4b: {  	s1 =	rddreg [dreg:$0x4];
	[sflag:s31] =	ssyncset.done $0x0  }
0x4c: {  	[smem:$0x7E7] =	sst s0;
	[sflag:s31] =	ssyncadd.s32 $0xFFFFFF00  }
0x4d: {  	[tilespmem:s30], [sflag:$0x1] =	stream.indirect.gather [hbm4b:s1+s30], $0x80, s3, s30, $0xb8;
	[tilespmem:$0x10100] =	vst v63  }
0x4e: {  	s0 =	rddreg [dreg:$0x5]  }
0x4f: {  	[tilespmem:s28], [sflag:$0x1] =	stream.indirect.gather [hbm4b:s0+s30], $0x80, s3, s30, $0xb8;
	[tilespmem:$0x10100] =	vst v63  }
0x50: {  	_ =	swait.ge [sflag:s29], $0x8000  }
0x51: {  	s0 =	rddreg [dreg:$0x7];
	[sflag:s29] =	ssyncset.done $0x0  }
0x52: {  	s1 =	rddreg [dreg:$0x8];
	[sflag:s29] =	ssyncadd.s32 $0xFFFF8000  }
0x53: {  	[hbm4b:s0+s3] =	stream.linear.scatter [tilespmem:s30], [sflag:$0x2], $0x8000, $0x38;
	[tilespmem:$0x10100] =	vst v63  }
0x54: {  	s0 =	rddreg [dreg:$0x9]  }
0x55: {  	[hbm4b:s1+s3] =	stream.linear.scatter [tilespmem:s30], [sflag:$0x2], $0x8000, $0x38;
	[tilespmem:$0x10100] =	vst v63  }
0x56: {  	s1 =	rddreg [dreg:$0xa]  }
0x57: {  	[hbm4b:s0+s3] =	stream.linear.scatter [tilespmem:s30], [sflag:$0x2], $0x8000, $0x38;
	[tilespmem:$0x10100] =	vst v63  }
0x58: {  	s0 =	rddreg [dreg:$0xb]  }
0x59: {  	[hbm4b:s1+s3] =	stream.linear.scatter [tilespmem:s30], [sflag:$0x2], $0x8000, $0x38;
	[tilespmem:$0x10100] =	vst v63  }
0x5a: {  	s1 =	rddreg [dreg:$0xc]  }
0x5b: {  	[hbm4b:s0+s3] =	stream.linear.scatter [tilespmem:s30], [sflag:$0x2], $0x8000, $0x38;
	[tilespmem:$0x10100] =	vst v63  }
0x5c: {  	s0 =	rddreg [dreg:$0xd]  }
0x5d: {  	[hbm4b:s1+s3] =	stream.linear.scatter [tilespmem:s30], [sflag:$0x2], $0x8000, $0x38;
	[tilespmem:$0x10100] =	vst v63  }
0x5e: {  	s1 =	rddreg [dreg:$0xe]  }
0x5f: {  	[hbm4b:s0+s3] =	stream.linear.scatter [tilespmem:s30], [sflag:$0x2], $0x8000, $0x38;
	[tilespmem:$0x10100] =	vst v63  }
0x60: {  	s0 =	rddreg [dreg:$0xf]  }
0x61: {  	[hbm4b:s1+s3] =	stream.linear.scatter [tilespmem:s30], [sflag:$0x2], $0x8000, $0x38;
	[tilespmem:$0x10100] =	vst v63  }
0x62: {  	s1 =	rddreg [dreg:$0x10]  }
0x63: {  	[hbm4b:s0+s3] =	stream.linear.scatter [tilespmem:s30], [sflag:$0x2], $0x8000, $0x38;
	[tilespmem:$0x10100] =	vst v63  }
0x64: {  	s0 =	rddreg [dreg:$0x11]  }
0x65: {  	[hbm4b:s1+s3] =	stream.linear.scatter [tilespmem:s30], [sflag:$0x2], $0x8000, $0x38;
	[tilespmem:$0x10100] =	vst v63  }
0x66: {  	s1 =	rddreg [dreg:$0x12]  }
0x67: {  	[hbm4b:s0+s3] =	stream.linear.scatter [tilespmem:s30], [sflag:$0x2], $0x8000, $0x38;
	[tilespmem:$0x10100] =	vst v63  }
0x68: {  	s0 =	rddreg [dreg:$0x13]  }
0x69: {  	[hbm4b:s1+s3] =	stream.linear.scatter [tilespmem:s30], [sflag:$0x2], $0x8000, $0x38;
	[tilespmem:$0x10100] =	vst v63  }
0x6a: {  	s1 =	rddreg [dreg:$0x14]  }
0x6b: {  	[hbm4b:s0+s3] =	stream.linear.scatter [tilespmem:s30], [sflag:$0x2], $0x8000, $0x38;
	[tilespmem:$0x10100] =	vst v63  }
0x6c: {  	s0 =	rddreg [dreg:$0x15]  }
0x6d: {  	[hbm4b:s1+s3] =	stream.linear.scatter [tilespmem:s30], [sflag:$0x2], $0x8000, $0x38;
	[tilespmem:$0x10100] =	vst v63  }
0x6e: {  	s1 =	rddreg [dreg:$0x16]  }
0x6f: {  	[hbm4b:s0+s3] =	stream.linear.scatter [tilespmem:s30], [sflag:$0x2], $0x8000, $0x38;
	[tilespmem:$0x10100] =	vst v63  }
0x70: {  	s0 =	rddreg [dreg:$0x17]  }
0x71: {  	[hbm4b:s1+s3] =	stream.linear.scatter [tilespmem:s30], [sflag:$0x2], $0x8000, $0x38;
	[tilespmem:$0x10100] =	vst v63  }
0x72: {  	s1 =	rddreg [dreg:$0x18]  }
0x73: {  	[hbm4b:s0+s3] =	stream.linear.scatter [tilespmem:s30], [sflag:$0x2], $0x8000, $0x38;
	[tilespmem:$0x10100] =	vst v63  }
0x74: {  	s0 =	rddreg [dreg:$0x19]  }
0x75: {  	[hbm4b:s1+s3] =	stream.linear.scatter [tilespmem:s30], [sflag:$0x2], $0x8000, $0x38;
	[tilespmem:$0x10100] =	vst v63  }
0x76: {  	s1 =	rddreg [dreg:$0x1a]  }
0x77: {  	[hbm4b:s0+s3] =	stream.linear.scatter [tilespmem:s30], [sflag:$0x2], $0x8000, $0x38;
	[tilespmem:$0x10100] =	vst v63  }
0x78: {  	s0 =	rddreg [dreg:$0x1b]  }
0x79: {  	[hbm4b:s1+s3] =	stream.linear.scatter [tilespmem:s30], [sflag:$0x2], $0x8000, $0x38;
	[tilespmem:$0x10100] =	vst v63  }
0x7a: {  	s1 =	rddreg [dreg:$0x1c]  }
0x7b: {  	[hbm4b:s0+s3] =	stream.linear.scatter [tilespmem:s30], [sflag:$0x2], $0x8000, $0x38;
	[tilespmem:$0x10100] =	vst v63  }
0x7c: {  	s0 =	rddreg [dreg:$0x1d]  }
0x7d: {  	[hbm4b:s1+s3] =	stream.linear.scatter [tilespmem:s30], [sflag:$0x2], $0x8000, $0x38;
	[tilespmem:$0x10100] =	vst v63  }
0x7e: {  	s1 =	rddreg [dreg:$0x1e]  }
0x7f: {  	[hbm4b:s0+s3] =	stream.linear.scatter [tilespmem:s30], [sflag:$0x2], $0x8000, $0x38;
	[tilespmem:$0x10100] =	vst v63  }
0x80: {  	s0 =	rddreg [dreg:$0x1f]  }
0x81: {  	[hbm4b:s1+s3] =	stream.linear.scatter [tilespmem:s30], [sflag:$0x2], $0x8000, $0x38;
	[tilespmem:$0x10100] =	vst v63  }
0x82: {  	s1 =	sld [smem:$0x7E8]  }
0x83: {  	[hbm4b:s0+s3] =	stream.linear.scatter [tilespmem:s30], [sflag:$0x2], $0x8000, $0x38;
	[tilespmem:$0x10100] =	vst v63  }
0x84: {  	s0 =	sld [smem:$0x7E9]  }
0x85: {  	[hbm4b:s1+s3] =	stream.linear.scatter [tilespmem:s30], [sflag:$0x2], $0x8000, $0x38;
	[tilespmem:$0x10100] =	vst v63  }
0x86: {  	s1 =	sld [smem:$0x7EA]  }
0x87: {  	[hbm4b:s0+s3] =	stream.linear.scatter [tilespmem:s30], [sflag:$0x2], $0x8000, $0x38;
	[tilespmem:$0x10100] =	vst v63  }
0x88: {  	s0 =	sld [smem:$0x7EB]  }
0x89: {  	[hbm4b:s1+s3] =	stream.linear.scatter [tilespmem:s30], [sflag:$0x2], $0x8000, $0x38;
	[tilespmem:$0x10100] =	vst v63  }
0x8a: {  	s1 =	sld [smem:$0x7EC]  }
0x8b: {  	[hbm4b:s0+s3] =	stream.linear.scatter [tilespmem:s30], [sflag:$0x2], $0x8000, $0x38;
	[tilespmem:$0x10100] =	vst v63  }
0x8c: {  	s0 =	sld [smem:$0x7ED]  }
0x8d: {  	[hbm4b:s1+s3] =	stream.linear.scatter [tilespmem:s30], [sflag:$0x2], $0x8000, $0x38;
	[tilespmem:$0x10100] =	vst v63  }
0x8e: {  	s1 =	sld [smem:$0x7EE]  }
0x8f: {  	[hbm4b:s0+s3] =	stream.linear.scatter [tilespmem:s30], [sflag:$0x2], $0x8000, $0x38;
	[tilespmem:$0x10100] =	vst v63  }
0x90: {  	_ = 	snop  }
0x91: {  	[hbm4b:s1+s3] =	stream.linear.scatter [tilespmem:s30], [sflag:$0x2], $0x8000, $0x38;
	[tilespmem:$0x10100] =	vst v63  }
0x92: {  	_ =	swait.ge [sflag:s29], $0x8000  }
0x93: {  	s0 =	sld [smem:$0x7EF]  }
0x94: {  	[sflag:s29] =	ssyncset.done $0x0  }
0x95: {  	s1 =	sld [smem:$0x7F1];
	[sflag:s29] =	ssyncadd.s32 $0xFFFF8000  }
0x96: {  	[hbm4b:s0+s3] =	stream.linear.scatter [tilespmem:s28], [sflag:$0x2], $0x8000, $0x38;
	[tilespmem:$0x10100] =	vst v63  }
0x97: {  	s0 =	sld [smem:$0x7F3]  }
0x98: {  	[hbm4b:s1+s3] =	stream.linear.scatter [tilespmem:s28], [sflag:$0x2], $0x8000, $0x38;
	[tilespmem:$0x10100] =	vst v63  }
0x99: {  	s1 =	sld [smem:$0x7F5]  }
0x9a: {  	[hbm4b:s0+s3] =	stream.linear.scatter [tilespmem:s28], [sflag:$0x2], $0x8000, $0x38;
	[tilespmem:$0x10100] =	vst v63  }
0x9b: {  	s0 =	sld [smem:$0x7F7]  }
0x9c: {  	[hbm4b:s1+s3] =	stream.linear.scatter [tilespmem:s28], [sflag:$0x2], $0x8000, $0x38;
	[tilespmem:$0x10100] =	vst v63  }
0x9d: {  	s1 =	sld [smem:$0x7F9]  }
0x9e: {  	[hbm4b:s0+s3] =	stream.linear.scatter [tilespmem:s28], [sflag:$0x2], $0x8000, $0x38;
	[tilespmem:$0x10100] =	vst v63  }
0x9f: {  	s0 =	sld [smem:$0x7FA]  }
0xa0: {  	[hbm4b:s1+s3] =	stream.linear.scatter [tilespmem:s28], [sflag:$0x2], $0x8000, $0x38;
	[tilespmem:$0x10100] =	vst v63  }
0xa1: {  	s1 =	sld [smem:$0x7FC]  }
0xa2: {  	[hbm4b:s0+s3] =	stream.linear.scatter [tilespmem:s28], [sflag:$0x2], $0x8000, $0x38;
	[tilespmem:$0x10100] =	vst v63  }
0xa3: {  	s0 =	sld [smem:$0x7FD]  }
0xa4: {  	[hbm4b:s1+s3] =	stream.linear.scatter [tilespmem:s28], [sflag:$0x2], $0x8000, $0x38;
	[tilespmem:$0x10100] =	vst v63  }
0xa5: {  	_ = 	snop  }
0xa6: {  	[hbm4b:s0+s3] =	stream.linear.scatter [tilespmem:s28], [sflag:$0x2], $0x8000, $0x38;
	[tilespmem:$0x10100] =	vst v63  }
0xa7: {  	_ = 	snop  }
0xa8: {  	[hbm4b:s4+s3] =	stream.linear.scatter [tilespmem:s28], [sflag:$0x2], $0x8000, $0x38;
	[tilespmem:$0x10100] =	vst v63  }
0xa9: {  	_ = 	snop  }
0xaa: {  	[hbm4b:s5+s3] =	stream.linear.scatter [tilespmem:s28], [sflag:$0x2], $0x8000, $0x38;
	[tilespmem:$0x10100] =	vst v63  }
0xab: {  	_ = 	snop  }
0xac: {  	[hbm4b:s6+s3] =	stream.linear.scatter [tilespmem:s28], [sflag:$0x2], $0x8000, $0x38;
	[tilespmem:$0x10100] =	vst v63  }
0xad: {  	_ = 	snop  }
0xae: {  	[hbm4b:s7+s3] =	stream.linear.scatter [tilespmem:s28], [sflag:$0x2], $0x8000, $0x38;
	[tilespmem:$0x10100] =	vst v63  }
0xaf: {  	_ = 	snop  }
0xb0: {  	[hbm4b:s8+s3] =	stream.linear.scatter [tilespmem:s28], [sflag:$0x2], $0x8000, $0x38;
	[tilespmem:$0x10100] =	vst v63  }
0xb1: {  	_ = 	snop  }
0xb2: {  	[hbm4b:s9+s3] =	stream.linear.scatter [tilespmem:s28], [sflag:$0x2], $0x8000, $0x38;
	[tilespmem:$0x10100] =	vst v63  }
0xb3: {  	_ = 	snop  }
0xb4: {  	[hbm4b:s10+s3] =	stream.linear.scatter [tilespmem:s28], [sflag:$0x2], $0x8000, $0x38;
	[tilespmem:$0x10100] =	vst v63  }
0xb5: {  	_ = 	snop  }
0xb6: {  	[hbm4b:s11+s3] =	stream.linear.scatter [tilespmem:s28], [sflag:$0x2], $0x8000, $0x38;
	[tilespmem:$0x10100] =	vst v63  }
0xb7: {  	_ = 	snop  }
0xb8: {  	[hbm4b:s12+s3] =	stream.linear.scatter [tilespmem:s28], [sflag:$0x2], $0x8000, $0x38;
	[tilespmem:$0x10100] =	vst v63  }
0xb9: {  	_ = 	snop  }
0xba: {  	[hbm4b:s13+s3] =	stream.linear.scatter [tilespmem:s28], [sflag:$0x2], $0x8000, $0x38;
	[tilespmem:$0x10100] =	vst v63  }
0xbb: {  	_ = 	snop  }
0xbc: {  	[hbm4b:s14+s3] =	stream.linear.scatter [tilespmem:s28], [sflag:$0x2], $0x8000, $0x38;
	[tilespmem:$0x10100] =	vst v63  }
0xbd: {  	_ = 	snop  }
0xbe: {  	[hbm4b:s15+s3] =	stream.linear.scatter [tilespmem:s28], [sflag:$0x2], $0x8000, $0x38;
	[tilespmem:$0x10100] =	vst v63  }
0xbf: {  	_ = 	snop  }
0xc0: {  	[hbm4b:s16+s3] =	stream.linear.scatter [tilespmem:s28], [sflag:$0x2], $0x8000, $0x38;
	[tilespmem:$0x10100] =	vst v63  }
0xc1: {  	_ = 	snop  }
0xc2: {  	[hbm4b:s17+s3] =	stream.linear.scatter [tilespmem:s28], [sflag:$0x2], $0x8000, $0x38;
	[tilespmem:$0x10100] =	vst v63  }
0xc3: {  	_ = 	snop  }
0xc4: {  	[hbm4b:s18+s3] =	stream.linear.scatter [tilespmem:s28], [sflag:$0x2], $0x8000, $0x38;
	[tilespmem:$0x10100] =	vst v63  }
0xc5: {  	_ = 	snop  }
0xc6: {  	[hbm4b:s19+s3] =	stream.linear.scatter [tilespmem:s28], [sflag:$0x2], $0x8000, $0x38;
	[tilespmem:$0x10100] =	vst v63  }
0xc7: {  	_ = 	snop  }
0xc8: {  	[hbm4b:s20+s3] =	stream.linear.scatter [tilespmem:s28], [sflag:$0x2], $0x8000, $0x38;
	[tilespmem:$0x10100] =	vst v63  }
0xc9: {  	_ = 	snop  }
0xca: {  	[hbm4b:s21+s3] =	stream.linear.scatter [tilespmem:s28], [sflag:$0x2], $0x8000, $0x38;
	[tilespmem:$0x10100] =	vst v63  }
0xcb: {  	_ = 	snop  }
0xcc: {  	[hbm4b:s22+s3] =	stream.linear.scatter [tilespmem:s28], [sflag:$0x2], $0x8000, $0x38;
	[tilespmem:$0x10100] =	vst v63  }
0xcd: {  	_ = 	snop  }
0xce: {  	[hbm4b:s23+s3] =	stream.linear.scatter [tilespmem:s28], [sflag:$0x2], $0x8000, $0x38;
	[tilespmem:$0x10100] =	vst v63  }
0xcf: {  	_ = 	snop  }
0xd0: {  	[hbm4b:s24+s3] =	stream.linear.scatter [tilespmem:s28], [sflag:$0x2], $0x8000, $0x38;
	[tilespmem:$0x10100] =	vst v63  }
0xd1: {  	_ = 	snop  }
0xd2: {  	[hbm4b:s25+s3] =	stream.linear.scatter [tilespmem:s28], [sflag:$0x2], $0x8000, $0x38;
	[tilespmem:$0x10100] =	vst v63  }
0xd3: {  	_ = 	snop  }
0xd4: {  	[hbm4b:s26+s3] =	stream.linear.scatter [tilespmem:s28], [sflag:$0x2], $0x8000, $0x38;
	[tilespmem:$0x10100] =	vst v63  }
0xd5: {  	_ =	swait.ge [sflag:s2], $0x8000  }
0xd6: {  	[sflag:s2] =	ssyncset.done $0x0  }
0xd7: {  	[sflag:s2] =	ssyncadd.s32 $0xFFFF8000  }
0xd8: {  	_ =	swait.ge [sflag:s2], $0x8000  }
0xd9: {  	[sflag:s2] =	ssyncset.done $0x0  }
0xda: {  	[sflag:s2] =	ssyncadd.s32 $0xFFFF8000  }
0xdb: {  	_ =	swait.ge [sflag:s2], $0x8000  }
0xdc: {  	[sflag:s2] =	ssyncset.done $0x0  }
0xdd: {  	[sflag:s2] =	ssyncadd.s32 $0xFFFF8000  }
0xde: {  	_ =	swait.ge [sflag:s2], $0x8000  }
0xdf: {  	[sflag:s2] =	ssyncset.done $0x0  }
0xe0: {  	[sflag:s2] =	ssyncadd.s32 $0xFFFF8000  }
0xe1: {  	_ =	swait.ge [sflag:s2], $0x8000  }
0xe2: {  	[sflag:s2] =	ssyncset.done $0x0  }
0xe3: {  	[sflag:s2] =	ssyncadd.s32 $0xFFFF8000  }
0xe4: {  	_ =	swait.ge [sflag:s2], $0x8000  }
0xe5: {  	[sflag:s2] =	ssyncset.done $0x0  }
0xe6: {  	[sflag:s2] =	ssyncadd.s32 $0xFFFF8000  }
0xe7: {  	_ =	swait.ge [sflag:s2], $0x8000  }
0xe8: {  	[sflag:s2] =	ssyncset.done $0x0  }
0xe9: {  	[sflag:s2] =	ssyncadd.s32 $0xFFFF8000  }
0xea: {  	_ =	swait.ge [sflag:s2], $0x8000  }
0xeb: {  	[sflag:s2] =	ssyncset.done $0x0  }
0xec: {  	[sflag:s2] =	ssyncadd.s32 $0xFFFF8000  }
0xed: {  	_ =	swait.ge [sflag:s2], $0x8000  }
0xee: {  	[sflag:s2] =	ssyncset.done $0x0  }
0xef: {  	[sflag:s2] =	ssyncadd.s32 $0xFFFF8000  }
0xf0: {  	_ =	swait.ge [sflag:s2], $0x8000  }
0xf1: {  	[sflag:s2] =	ssyncset.done $0x0  }
0xf2: {  	[sflag:s2] =	ssyncadd.s32 $0xFFFF8000  }
0xf3: {  	_ =	swait.ge [sflag:s2], $0x8000  }
0xf4: {  	[sflag:s2] =	ssyncset.done $0x0  }
0xf5: {  	[sflag:s2] =	ssyncadd.s32 $0xFFFF8000  }
0xf6: {  	_ =	swait.ge [sflag:s2], $0x8000  }
0xf7: {  	[sflag:s2] =	ssyncset.done $0x0  }
0xf8: {  	[sflag:s2] =	ssyncadd.s32 $0xFFFF8000  }
0xf9: {  	_ =	swait.ge [sflag:s2], $0x8000  }
0xfa: {  	[sflag:s2] =	ssyncset.done $0x0  }
0xfb: {  	[sflag:s2] =	ssyncadd.s32 $0xFFFF8000  }
0xfc: {  	_ =	swait.ge [sflag:s2], $0x8000  }
0xfd: {  	[sflag:s2] =	ssyncset.done $0x0  }
0xfe: {  	[sflag:s2] =	ssyncadd.s32 $0xFFFF8000  }
0xff: {  	_ =	swait.ge [sflag:s2], $0x8000  }
0x100: {  	[sflag:s2] =	ssyncset.done $0x0  }
0x101: {  	[sflag:s2] =	ssyncadd.s32 $0xFFFF8000  }
0x102: {  	_ =	swait.ge [sflag:s2], $0x8000  }
0x103: {  	[sflag:s2] =	ssyncset.done $0x0  }
0x104: {  	[sflag:s2] =	ssyncadd.s32 $0xFFFF8000  }
0x105: {  	_ =	swait.ge [sflag:s2], $0x8000  }
0x106: {  	[sflag:s2] =	ssyncset.done $0x0  }
0x107: {  	[sflag:s2] =	ssyncadd.s32 $0xFFFF8000  }
0x108: {  	_ =	swait.ge [sflag:s2], $0x8000  }
0x109: {  	[sflag:s2] =	ssyncset.done $0x0  }
0x10a: {  	[sflag:s2] =	ssyncadd.s32 $0xFFFF8000  }
0x10b: {  	_ =	swait.ge [sflag:s2], $0x8000  }
0x10c: {  	[sflag:s2] =	ssyncset.done $0x0  }
0x10d: {  	[sflag:s2] =	ssyncadd.s32 $0xFFFF8000  }
0x10e: {  	_ =	swait.ge [sflag:s2], $0x8000  }
0x10f: {  	[sflag:s2] =	ssyncset.done $0x0  }
0x110: {  	[sflag:s2] =	ssyncadd.s32 $0xFFFF8000  }
0x111: {  	_ =	swait.ge [sflag:s2], $0x8000  }
0x112: {  	[sflag:s2] =	ssyncset.done $0x0  }
0x113: {  	[sflag:s2] =	ssyncadd.s32 $0xFFFF8000  }
0x114: {  	_ =	swait.ge [sflag:s2], $0x8000  }
0x115: {  	[sflag:s2] =	ssyncset.done $0x0  }
0x116: {  	[sflag:s2] =	ssyncadd.s32 $0xFFFF8000  }
0x117: {  	_ =	swait.ge [sflag:s2], $0x8000  }
0x118: {  	[sflag:s2] =	ssyncset.done $0x0  }
0x119: {  	[sflag:s2] =	ssyncadd.s32 $0xFFFF8000  }
0x11a: {  	_ =	swait.ge [sflag:s2], $0x8000  }
0x11b: {  	[sflag:s2] =	ssyncset.done $0x0  }
0x11c: {  	[sflag:s2] =	ssyncadd.s32 $0xFFFF8000  }
0x11d: {  	_ =	swait.ge [sflag:s2], $0x8000  }
0x11e: {  	[sflag:s2] =	ssyncset.done $0x0  }
0x11f: {  	[sflag:s2] =	ssyncadd.s32 $0xFFFF8000  }
0x120: {  	_ =	swait.ge [sflag:s2], $0x8000  }
0x121: {  	[sflag:s2] =	ssyncset.done $0x0  }
0x122: {  	[sflag:s2] =	ssyncadd.s32 $0xFFFF8000  }
0x123: {  	_ =	swait.ge [sflag:s2], $0x8000  }
0x124: {  	[sflag:s2] =	ssyncset.done $0x0  }
0x125: {  	[sflag:s2] =	ssyncadd.s32 $0xFFFF8000  }
0x126: {  	_ =	swait.ge [sflag:s2], $0x8000  }
0x127: {  	[sflag:s2] =	ssyncset.done $0x0  }
0x128: {  	[sflag:s2] =	ssyncadd.s32 $0xFFFF8000  }
0x129: {  	_ =	swait.ge [sflag:s2], $0x8000  }
0x12a: {  	[sflag:s2] =	ssyncset.done $0x0  }
0x12b: {  	[sflag:s2] =	ssyncadd.s32 $0xFFFF8000  }
0x12c: {  	_ =	swait.ge [sflag:s2], $0x8000  }
0x12d: {  	[sflag:s2] =	ssyncset.done $0x0  }
0x12e: {  	[sflag:s2] =	ssyncadd.s32 $0xFFFF8000  }
0x12f: {  	_ =	swait.ge [sflag:s2], $0x8000  }
0x130: {  	[sflag:s2] =	ssyncset.done $0x0  }
0x131: {  	[sflag:s2] =	ssyncadd.s32 $0xFFFF8000  }
0x132: {  	_ =	swait.ge [sflag:s2], $0x8000  }
0x133: {  	[sflag:s2] =	ssyncset.done $0x0  }
0x134: {  	[sflag:s2] =	ssyncadd.s32 $0xFFFF8000  }
0x135: {  	_ =	swait.ge [sflag:s2], $0x8000  }
0x136: {  	[sflag:s2] =	ssyncset.done $0x0  }
0x137: {  	[sflag:s2] =	ssyncadd.s32 $0xFFFF8000  }
0x138: {  	_ =	swait.ge [sflag:s2], $0x8000  }
0x139: {  	[sflag:s2] =	ssyncset.done $0x0  }
0x13a: {  	[sflag:s2] =	ssyncadd.s32 $0xFFFF8000  }
0x13b: {  	_ =	swait.ge [sflag:s2], $0x8000  }
0x13c: {  	[sflag:s2] =	ssyncset.done $0x0  }
0x13d: {  	[sflag:s2] =	ssyncadd.s32 $0xFFFF8000  }
0x13e: {  	_ =	swait.ge [sflag:s2], $0x8000  }
0x13f: {  	[sflag:s2] =	ssyncset.done $0x0  }
0x140: {  	[sflag:s2] =	ssyncadd.s32 $0xFFFF8000  }
0x141: {  	_ =	swait.ge [sflag:s2], $0x8000  }
0x142: {  	[sflag:s2] =	ssyncset.done $0x0  }
0x143: {  	[sflag:s2] =	ssyncadd.s32 $0xFFFF8000  }
0x144: {  	_ =	swait.ge [sflag:s2], $0x8000  }
0x145: {  	[sflag:s2] =	ssyncset.done $0x0  }
0x146: {  	[sflag:s2] =	ssyncadd.s32 $0xFFFF8000  }
0x147: {  	_ =	swait.ge [sflag:s2], $0x8000  }
0x148: {  	[sflag:s2] =	ssyncset.done $0x0  }
0x149: {  	[sflag:s2] =	ssyncadd.s32 $0xFFFF8000  }
0x14a: {  	_ =	swait.ge [sflag:s2], $0x8000  }
0x14b: {  	[sflag:s2] =	ssyncset.done $0x0  }
0x14c: {  	[sflag:s2] =	ssyncadd.s32 $0xFFFF8000  }
0x14d: {  	_ =	swait.ge [sflag:s2], $0x8000  }
0x14e: {  	[sflag:s2] =	ssyncset.done $0x0  }
0x14f: {  	[sflag:s2] =	ssyncadd.s32 $0xFFFF8000  }
0x150: {  	_ =	swait.ge [sflag:s2], $0x8000  }
0x151: {  	[sflag:s2] =	ssyncset.done $0x0  }
0x152: {  	[sflag:s2] =	ssyncadd.s32 $0xFFFF8000  }
0x153: {  	_ =	swait.ge [sflag:s2], $0x8000  }
0x154: {  	[sflag:s2] =	ssyncset.done $0x0  }
0x155: {  	[sflag:s2] =	ssyncadd.s32 $0xFFFF8000  }
0x156: {  	_ =	swait.ge [sflag:s2], $0x8000  }
0x157: {  	[sflag:s2] =	ssyncset.done $0x0  }
0x158: {  	[sflag:s2] =	ssyncadd.s32 $0xFFFF8000  }
0x159: {  	_ =	swait.ge [sflag:s2], $0x8000  }
0x15a: {  	[sflag:s2] =	ssyncset.done $0x0  }
0x15b: {  	[sflag:s2] =	ssyncadd.s32 $0xFFFF8000  }
0x15c: {  	_ =	swait.ge [sflag:s2], $0x8000  }
0x15d: {  	[sflag:s2] =	ssyncset.done $0x0  }
0x15e: {  	[sflag:s2] =	ssyncadd.s32 $0xFFFF8000  }
0x15f: {  	_ =	swait.ge [sflag:s2], $0x8000  }
0x160: {  	[sflag:s2] =	ssyncset.done $0x0  }
0x161: {  	[sflag:s2] =	ssyncadd.s32 $0xFFFF8000  }
0x162: {  	_ =	swait.ge [sflag:s2], $0x8000  }
0x163: {  	[sflag:s2] =	ssyncset.done $0x0  }
0x164: {  	[sflag:s2] =	ssyncadd.s32 $0xFFFF8000  }
0x165: {  	_ =	swait.ge [sflag:s2], $0x8000  }
0x166: {  	[sflag:s2] =	ssyncset.done $0x0  }
0x167: {  	[sflag:s2] =	ssyncadd.s32 $0xFFFF8000  }
0x168: {  	_ =	swait.ge [sflag:s2], $0x8000  }
0x169: {  	[sflag:s2] =	ssyncset.done $0x0  }
0x16a: {  	[sflag:s2] =	ssyncadd.s32 $0xFFFF8000  }
0x16b: {  	_ =	swait.ge [sflag:s2], $0x8000  }
0x16c: {  	[sflag:s2] =	ssyncset.done $0x0  }
0x16d: {  	[sflag:s2] =	ssyncadd.s32 $0xFFFF8000  }
0x16e: {  	_ =	swait.ge [sflag:s2], $0x8000  }
0x16f: {  	[sflag:s2] =	ssyncset.done $0x0  }
0x170: {  	[sflag:s2] =	ssyncadd.s32 $0xFFFF8000  }
0x171: {  	_ =	swait.ge [sflag:s2], $0x8000  }
0x172: {  	[sflag:s2] =	ssyncset.done $0x0  }
0x173: {  	[sflag:s2] =	ssyncadd.s32 $0xFFFF8000  }
0x174: {  	_ =	swait.ge [sflag:s2], $0x8000  }
0x175: {  	[sflag:s2] =	ssyncset.done $0x0  }
0x176: {  	[sflag:s2] =	ssyncadd.s32 $0xFFFF8000  }
0x177: {  	_ =	swait.ge [sflag:s2], $0x8000  }
0x178: {  	[sflag:s2] =	ssyncset.done $0x0  }
0x179: {  	[sflag:s2] =	ssyncadd.s32 $0xFFFF8000  }
0x17a: {  	_ =	swait.ge [sflag:s2], $0x8000  }
0x17b: {  	[sflag:s2] =	ssyncset.done $0x0  }
0x17c: {  	[sflag:s2] =	ssyncadd.s32 $0xFFFF8000  }
0x17d: {  	_ =	swait.ge [sflag:s2], $0x8000  }
0x17e: {  	[sflag:s2] =	ssyncset.done $0x0  }
0x17f: {  	[sflag:s2] =	ssyncadd.s32 $0xFFFF8000  }
0x180: {  	_ =	swait.ge [sflag:s2], $0x8000  }
0x181: {  	[sflag:s2] =	ssyncset.done $0x0  }
0x182: {  	[sflag:s2] =	ssyncadd.s32 $0xFFFF8000  }
0x183: {  	_ =	swait.ge [sflag:s2], $0x8000  }
0x184: {  	[sflag:s2] =	ssyncset.done $0x0  }
0x185: {  	[sflag:s2] =	ssyncadd.s32 $0xFFFF8000  }
0x186: {  	_ =	swait.ge [sflag:s2], $0x8000  }
0x187: {  	[sflag:s2] =	ssyncset.done $0x0  }
0x188: {  	[sflag:s2] =	ssyncadd.s32 $0xFFFF8000  }
0x189: {  	_ =	swait.ge [sflag:s2], $0x8000  }
0x18a: {  	[sflag:s2] =	ssyncset.done $0x0  }
0x18b: {  	[sflag:s2] =	ssyncadd.s32 $0xFFFF8000  }
0x18c: {  	_ =	swait.ge [sflag:s2], $0x8000  }
0x18d: {  	[sflag:s2] =	ssyncset.done $0x0  }
0x18e: {  	[sflag:s2] =	ssyncadd.s32 $0xFFFF8000  }
0x18f: {  	_ =	swait.ge [sflag:s2], $0x8000  }
0x190: {  	s1 =	sld [smem:$0x7E7];
	_ =	sdelay $0x2  }
0x191: {  	p1 =	sne.s32 s1, $0x1  }
.Ltmp1:
0x192: {  	_ = 	snop;
	(pc) =	sbr.rel @!p1 .LBB2_3-.Ltmp1, $4  }
0x193: {  	[sflag:s2] =	ssyncset.done $0x0  }
0x194: {  	[sflag:s2] =	ssyncadd.s32 $0xFFFF8000  }
0x195: {  	p0 =	por $0x1, $0x1;
	_ =	swait.ge [sflag:s2], $0x8000  }
0x196: {  	s0 =	sadd.s32 $0xFFFFFFFF, s1;
	s1 =	rddreg [dreg:$0x6];
	[sflag:s2] =	ssyncset.done $0x0  }
.LBB2_2:
0x197: {  	[sflag:s2] =	ssyncadd.s32 $0xFFFF8000  }
0x198: {  	[tilespmem:s3], [sflag:$0x3] =	stream.linear.gather [hbm4b:s1+s3], $0x100, $0x38;
	[tilespmem:$0x10100] =	vst v63  }
0x199: {  	_ =	swait.ge [sflag:s31], $0x100  }
0x19a: {  	[sflag:s31] =	ssyncset.done $0x0  }
0x19b: {  	s1 =	rddreg [dreg:$0x4];
	[sflag:s31] =	ssyncadd.s32 $0xFFFFFF00  }
0x19c: {  	s31 =	smov.u32 s26;
	s26 =	smov.u32 s25;
	s25 =	smov.u32 s24  }
0x19d: {  	s24 =	smov.u32 s23;
	s23 =	smov.u32 s22;
	s22 =	smov.u32 s21  }
0x19e: {  	s21 =	smov.u32 s20;
	s20 =	smov.u32 s19;
	s19 =	smov.u32 s18  }
0x19f: {  	s18 =	smov.u32 s17;
	s17 =	smov.u32 s16;
	s16 =	smov.u32 s15  }
0x1a0: {  	s15 =	smov.u32 s14;
	s14 =	smov.u32 s13;
	s13 =	smov.u32 s12  }
0x1a1: {  	s12 =	smov.u32 s11;
	s11 =	smov.u32 s10;
	s10 =	smov.u32 s9  }
0x1a2: {  	s9 =	smov.u32 s8;
	s8 =	smov.u32 s7;
	s7 =	smov.u32 s6  }
0x1a3: {  	[tilespmem:s30], [sflag:$0x1] =	stream.indirect.gather [hbm4b:s1+s30], $0x80, s3, s30, $0xb8;
	[tilespmem:$0x10100] =	vst v63  }
0x1a4: {  	s6 =	smov.u32 s5;
	s5 =	smov.u32 s4;
	s4 =	rddreg [dreg:$0x5]  }
0x1a5: {  	[tilespmem:s28], [sflag:$0x1] =	stream.indirect.gather [hbm4b:s4+s30], $0x80, s3, s30, $0xb8;
	[tilespmem:$0x10100] =	vst v63  }
0x1a6: {  	_ =	swait.ge [sflag:s29], $0x8000  }
0x1a7: {  	s1 =	rddreg [dreg:$0x7];
	[sflag:s29] =	ssyncset.done $0x0  }
0x1a8: {  	s4 =	rddreg [dreg:$0x8];
	[sflag:s29] =	ssyncadd.s32 $0xFFFF8000  }
0x1a9: {  	[hbm4b:s1+s3] =	stream.linear.scatter [tilespmem:s30], [sflag:$0x2], $0x8000, $0x38;
	[tilespmem:$0x10100] =	vst v63  }
0x1aa: {  	s1 =	rddreg [dreg:$0x9]  }
0x1ab: {  	[hbm4b:s4+s3] =	stream.linear.scatter [tilespmem:s30], [sflag:$0x2], $0x8000, $0x38;
	[tilespmem:$0x10100] =	vst v63  }
0x1ac: {  	s4 =	rddreg [dreg:$0xa]  }
0x1ad: {  	[hbm4b:s1+s3] =	stream.linear.scatter [tilespmem:s30], [sflag:$0x2], $0x8000, $0x38;
	[tilespmem:$0x10100] =	vst v63  }
0x1ae: {  	s1 =	rddreg [dreg:$0xb]  }
0x1af: {  	[hbm4b:s4+s3] =	stream.linear.scatter [tilespmem:s30], [sflag:$0x2], $0x8000, $0x38;
	[tilespmem:$0x10100] =	vst v63  }
0x1b0: {  	s4 =	rddreg [dreg:$0xc]  }
0x1b1: {  	[hbm4b:s1+s3] =	stream.linear.scatter [tilespmem:s30], [sflag:$0x2], $0x8000, $0x38;
	[tilespmem:$0x10100] =	vst v63  }
0x1b2: {  	s1 =	rddreg [dreg:$0xd]  }
0x1b3: {  	[hbm4b:s4+s3] =	stream.linear.scatter [tilespmem:s30], [sflag:$0x2], $0x8000, $0x38;
	[tilespmem:$0x10100] =	vst v63  }
0x1b4: {  	s4 =	rddreg [dreg:$0xe]  }
0x1b5: {  	[hbm4b:s1+s3] =	stream.linear.scatter [tilespmem:s30], [sflag:$0x2], $0x8000, $0x38;
	[tilespmem:$0x10100] =	vst v63  }
0x1b6: {  	s1 =	rddreg [dreg:$0xf]  }
0x1b7: {  	[hbm4b:s4+s3] =	stream.linear.scatter [tilespmem:s30], [sflag:$0x2], $0x8000, $0x38;
	[tilespmem:$0x10100] =	vst v63  }
0x1b8: {  	s4 =	rddreg [dreg:$0x10]  }
0x1b9: {  	[hbm4b:s1+s3] =	stream.linear.scatter [tilespmem:s30], [sflag:$0x2], $0x8000, $0x38;
	[tilespmem:$0x10100] =	vst v63  }
0x1ba: {  	s1 =	rddreg [dreg:$0x11]  }
0x1bb: {  	[hbm4b:s4+s3] =	stream.linear.scatter [tilespmem:s30], [sflag:$0x2], $0x8000, $0x38;
	[tilespmem:$0x10100] =	vst v63  }
0x1bc: {  	s4 =	rddreg [dreg:$0x12]  }
0x1bd: {  	[hbm4b:s1+s3] =	stream.linear.scatter [tilespmem:s30], [sflag:$0x2], $0x8000, $0x38;
	[tilespmem:$0x10100] =	vst v63  }
0x1be: {  	s1 =	rddreg [dreg:$0x13]  }
0x1bf: {  	[hbm4b:s4+s3] =	stream.linear.scatter [tilespmem:s30], [sflag:$0x2], $0x8000, $0x38;
	[tilespmem:$0x10100] =	vst v63  }
0x1c0: {  	s4 =	rddreg [dreg:$0x14]  }
0x1c1: {  	[hbm4b:s1+s3] =	stream.linear.scatter [tilespmem:s30], [sflag:$0x2], $0x8000, $0x38;
	[tilespmem:$0x10100] =	vst v63  }
0x1c2: {  	s1 =	rddreg [dreg:$0x15]  }
0x1c3: {  	[hbm4b:s4+s3] =	stream.linear.scatter [tilespmem:s30], [sflag:$0x2], $0x8000, $0x38;
	[tilespmem:$0x10100] =	vst v63  }
0x1c4: {  	s4 =	rddreg [dreg:$0x16]  }
0x1c5: {  	[hbm4b:s1+s3] =	stream.linear.scatter [tilespmem:s30], [sflag:$0x2], $0x8000, $0x38;
	[tilespmem:$0x10100] =	vst v63  }
0x1c6: {  	s1 =	rddreg [dreg:$0x17]  }
0x1c7: {  	[hbm4b:s4+s3] =	stream.linear.scatter [tilespmem:s30], [sflag:$0x2], $0x8000, $0x38;
	[tilespmem:$0x10100] =	vst v63  }
0x1c8: {  	s4 =	rddreg [dreg:$0x18]  }
0x1c9: {  	[hbm4b:s1+s3] =	stream.linear.scatter [tilespmem:s30], [sflag:$0x2], $0x8000, $0x38;
	[tilespmem:$0x10100] =	vst v63  }
0x1ca: {  	s1 =	rddreg [dreg:$0x19]  }
0x1cb: {  	[hbm4b:s4+s3] =	stream.linear.scatter [tilespmem:s30], [sflag:$0x2], $0x8000, $0x38;
	[tilespmem:$0x10100] =	vst v63  }
0x1cc: {  	s4 =	rddreg [dreg:$0x1a]  }
0x1cd: {  	[hbm4b:s1+s3] =	stream.linear.scatter [tilespmem:s30], [sflag:$0x2], $0x8000, $0x38;
	[tilespmem:$0x10100] =	vst v63  }
0x1ce: {  	s1 =	rddreg [dreg:$0x1b]  }
0x1cf: {  	[hbm4b:s4+s3] =	stream.linear.scatter [tilespmem:s30], [sflag:$0x2], $0x8000, $0x38;
	[tilespmem:$0x10100] =	vst v63  }
0x1d0: {  	s4 =	rddreg [dreg:$0x1c]  }
0x1d1: {  	[hbm4b:s1+s3] =	stream.linear.scatter [tilespmem:s30], [sflag:$0x2], $0x8000, $0x38;
	[tilespmem:$0x10100] =	vst v63  }
0x1d2: {  	s1 =	rddreg [dreg:$0x1d]  }
0x1d3: {  	[hbm4b:s4+s3] =	stream.linear.scatter [tilespmem:s30], [sflag:$0x2], $0x8000, $0x38;
	[tilespmem:$0x10100] =	vst v63  }
0x1d4: {  	s4 =	rddreg [dreg:$0x1e]  }
0x1d5: {  	[hbm4b:s1+s3] =	stream.linear.scatter [tilespmem:s30], [sflag:$0x2], $0x8000, $0x38;
	[tilespmem:$0x10100] =	vst v63  }
0x1d6: {  	s1 =	rddreg [dreg:$0x1f]  }
0x1d7: {  	[hbm4b:s4+s3] =	stream.linear.scatter [tilespmem:s30], [sflag:$0x2], $0x8000, $0x38;
	[tilespmem:$0x10100] =	vst v63  }
0x1d8: {  	s4 =	sld [smem:$0x7E8]  }
0x1d9: {  	[hbm4b:s1+s3] =	stream.linear.scatter [tilespmem:s30], [sflag:$0x2], $0x8000, $0x38;
	[tilespmem:$0x10100] =	vst v63  }
0x1da: {  	s1 =	sld [smem:$0x7E9]  }
0x1db: {  	[hbm4b:s4+s3] =	stream.linear.scatter [tilespmem:s30], [sflag:$0x2], $0x8000, $0x38;
	[tilespmem:$0x10100] =	vst v63  }
0x1dc: {  	s4 =	sld [smem:$0x7EA]  }
0x1dd: {  	[hbm4b:s1+s3] =	stream.linear.scatter [tilespmem:s30], [sflag:$0x2], $0x8000, $0x38;
	[tilespmem:$0x10100] =	vst v63  }
0x1de: {  	s1 =	sld [smem:$0x7EB]  }
0x1df: {  	[hbm4b:s4+s3] =	stream.linear.scatter [tilespmem:s30], [sflag:$0x2], $0x8000, $0x38;
	[tilespmem:$0x10100] =	vst v63  }
0x1e0: {  	s4 =	sld [smem:$0x7EC]  }
0x1e1: {  	[hbm4b:s1+s3] =	stream.linear.scatter [tilespmem:s30], [sflag:$0x2], $0x8000, $0x38;
	[tilespmem:$0x10100] =	vst v63  }
0x1e2: {  	s1 =	sld [smem:$0x7ED]  }
0x1e3: {  	[hbm4b:s4+s3] =	stream.linear.scatter [tilespmem:s30], [sflag:$0x2], $0x8000, $0x38;
	[tilespmem:$0x10100] =	vst v63  }
0x1e4: {  	s4 =	sld [smem:$0x7EE]  }
0x1e5: {  	[hbm4b:s1+s3] =	stream.linear.scatter [tilespmem:s30], [sflag:$0x2], $0x8000, $0x38;
	[tilespmem:$0x10100] =	vst v63  }
0x1e6: {  	_ = 	snop  }
0x1e7: {  	[hbm4b:s4+s3] =	stream.linear.scatter [tilespmem:s30], [sflag:$0x2], $0x8000, $0x38;
	[tilespmem:$0x10100] =	vst v63  }
0x1e8: {  	_ =	swait.ge [sflag:s29], $0x8000  }
0x1e9: {  	s1 =	sld [smem:$0x7EF]  }
0x1ea: {  	[sflag:s29] =	ssyncset.done $0x0  }
0x1eb: {  	s4 =	sld [smem:$0x7F1];
	[sflag:s29] =	ssyncadd.s32 $0xFFFF8000  }
0x1ec: {  	[hbm4b:s1+s3] =	stream.linear.scatter [tilespmem:s28], [sflag:$0x2], $0x8000, $0x38;
	[tilespmem:$0x10100] =	vst v63  }
0x1ed: {  	s1 =	sld [smem:$0x7F3]  }
0x1ee: {  	[hbm4b:s4+s3] =	stream.linear.scatter [tilespmem:s28], [sflag:$0x2], $0x8000, $0x38;
	[tilespmem:$0x10100] =	vst v63  }
0x1ef: {  	s4 =	sld [smem:$0x7F5]  }
0x1f0: {  	[hbm4b:s1+s3] =	stream.linear.scatter [tilespmem:s28], [sflag:$0x2], $0x8000, $0x38;
	[tilespmem:$0x10100] =	vst v63  }
0x1f1: {  	s1 =	sld [smem:$0x7F7]  }
0x1f2: {  	[hbm4b:s4+s3] =	stream.linear.scatter [tilespmem:s28], [sflag:$0x2], $0x8000, $0x38;
	[tilespmem:$0x10100] =	vst v63  }
0x1f3: {  	s4 =	sld [smem:$0x7F9]  }
0x1f4: {  	[hbm4b:s1+s3] =	stream.linear.scatter [tilespmem:s28], [sflag:$0x2], $0x8000, $0x38;
	[tilespmem:$0x10100] =	vst v63  }
0x1f5: {  	s1 =	sld [smem:$0x7FA]  }
0x1f6: {  	[hbm4b:s4+s3] =	stream.linear.scatter [tilespmem:s28], [sflag:$0x2], $0x8000, $0x38;
	[tilespmem:$0x10100] =	vst v63  }
0x1f7: {  	s4 =	sld [smem:$0x7FC]  }
0x1f8: {  	[hbm4b:s1+s3] =	stream.linear.scatter [tilespmem:s28], [sflag:$0x2], $0x8000, $0x38;
	[tilespmem:$0x10100] =	vst v63  }
0x1f9: {  	s1 =	sld [smem:$0x7FD]  }
0x1fa: {  	[hbm4b:s4+s3] =	stream.linear.scatter [tilespmem:s28], [sflag:$0x2], $0x8000, $0x38;
	[tilespmem:$0x10100] =	vst v63  }
0x1fb: {  	_ = 	snop  }
0x1fc: {  	[hbm4b:s1+s3] =	stream.linear.scatter [tilespmem:s28], [sflag:$0x2], $0x8000, $0x38;
	[tilespmem:$0x10100] =	vst v63  }
0x1fd: {  	s4 =	smov.u32 s5  }
0x1fe: {  	[hbm4b:s4+s3] =	stream.linear.scatter [tilespmem:s28], [sflag:$0x2], $0x8000, $0x38;
	[tilespmem:$0x10100] =	vst v63  }
0x1ff: {  	s5 =	smov.u32 s6  }
0x200: {  	[hbm4b:s5+s3] =	stream.linear.scatter [tilespmem:s28], [sflag:$0x2], $0x8000, $0x38;
	[tilespmem:$0x10100] =	vst v63  }
0x201: {  	s6 =	smov.u32 s7  }
0x202: {  	[hbm4b:s6+s3] =	stream.linear.scatter [tilespmem:s28], [sflag:$0x2], $0x8000, $0x38;
	[tilespmem:$0x10100] =	vst v63  }
0x203: {  	s7 =	smov.u32 s8  }
0x204: {  	[hbm4b:s7+s3] =	stream.linear.scatter [tilespmem:s28], [sflag:$0x2], $0x8000, $0x38;
	[tilespmem:$0x10100] =	vst v63  }
0x205: {  	s8 =	smov.u32 s9  }
0x206: {  	[hbm4b:s8+s3] =	stream.linear.scatter [tilespmem:s28], [sflag:$0x2], $0x8000, $0x38;
	[tilespmem:$0x10100] =	vst v63  }
0x207: {  	s9 =	smov.u32 s10  }
0x208: {  	[hbm4b:s9+s3] =	stream.linear.scatter [tilespmem:s28], [sflag:$0x2], $0x8000, $0x38;
	[tilespmem:$0x10100] =	vst v63  }
0x209: {  	s10 =	smov.u32 s11  }
0x20a: {  	[hbm4b:s10+s3] =	stream.linear.scatter [tilespmem:s28], [sflag:$0x2], $0x8000, $0x38;
	[tilespmem:$0x10100] =	vst v63  }
0x20b: {  	s11 =	smov.u32 s12  }
0x20c: {  	[hbm4b:s11+s3] =	stream.linear.scatter [tilespmem:s28], [sflag:$0x2], $0x8000, $0x38;
	[tilespmem:$0x10100] =	vst v63  }
0x20d: {  	s12 =	smov.u32 s13  }
0x20e: {  	[hbm4b:s12+s3] =	stream.linear.scatter [tilespmem:s28], [sflag:$0x2], $0x8000, $0x38;
	[tilespmem:$0x10100] =	vst v63  }
0x20f: {  	s13 =	smov.u32 s14  }
0x210: {  	[hbm4b:s13+s3] =	stream.linear.scatter [tilespmem:s28], [sflag:$0x2], $0x8000, $0x38;
	[tilespmem:$0x10100] =	vst v63  }
0x211: {  	s14 =	smov.u32 s15  }
0x212: {  	[hbm4b:s14+s3] =	stream.linear.scatter [tilespmem:s28], [sflag:$0x2], $0x8000, $0x38;
	[tilespmem:$0x10100] =	vst v63  }
0x213: {  	s15 =	smov.u32 s16  }
0x214: {  	[hbm4b:s15+s3] =	stream.linear.scatter [tilespmem:s28], [sflag:$0x2], $0x8000, $0x38;
	[tilespmem:$0x10100] =	vst v63  }
0x215: {  	s16 =	smov.u32 s17  }
0x216: {  	[hbm4b:s16+s3] =	stream.linear.scatter [tilespmem:s28], [sflag:$0x2], $0x8000, $0x38;
	[tilespmem:$0x10100] =	vst v63  }
0x217: {  	s17 =	smov.u32 s18  }
0x218: {  	[hbm4b:s17+s3] =	stream.linear.scatter [tilespmem:s28], [sflag:$0x2], $0x8000, $0x38;
	[tilespmem:$0x10100] =	vst v63  }
0x219: {  	s18 =	smov.u32 s19  }
0x21a: {  	[hbm4b:s18+s3] =	stream.linear.scatter [tilespmem:s28], [sflag:$0x2], $0x8000, $0x38;
	[tilespmem:$0x10100] =	vst v63  }
0x21b: {  	s19 =	smov.u32 s20  }
0x21c: {  	[hbm4b:s19+s3] =	stream.linear.scatter [tilespmem:s28], [sflag:$0x2], $0x8000, $0x38;
	[tilespmem:$0x10100] =	vst v63  }
0x21d: {  	s20 =	smov.u32 s21  }
0x21e: {  	[hbm4b:s20+s3] =	stream.linear.scatter [tilespmem:s28], [sflag:$0x2], $0x8000, $0x38;
	[tilespmem:$0x10100] =	vst v63  }
0x21f: {  	s21 =	smov.u32 s22  }
0x220: {  	[hbm4b:s21+s3] =	stream.linear.scatter [tilespmem:s28], [sflag:$0x2], $0x8000, $0x38;
	[tilespmem:$0x10100] =	vst v63  }
0x221: {  	s22 =	smov.u32 s23  }
0x222: {  	[hbm4b:s22+s3] =	stream.linear.scatter [tilespmem:s28], [sflag:$0x2], $0x8000, $0x38;
	[tilespmem:$0x10100] =	vst v63  }
0x223: {  	s23 =	smov.u32 s24  }
0x224: {  	[hbm4b:s23+s3] =	stream.linear.scatter [tilespmem:s28], [sflag:$0x2], $0x8000, $0x38;
	[tilespmem:$0x10100] =	vst v63  }
0x225: {  	s24 =	smov.u32 s25  }
0x226: {  	[hbm4b:s24+s3] =	stream.linear.scatter [tilespmem:s28], [sflag:$0x2], $0x8000, $0x38;
	[tilespmem:$0x10100] =	vst v63  }
0x227: {  	s25 =	smov.u32 s26  }
0x228: {  	[hbm4b:s25+s3] =	stream.linear.scatter [tilespmem:s28], [sflag:$0x2], $0x8000, $0x38;
	[tilespmem:$0x10100] =	vst v63  }
0x229: {  	s26 =	smov.u32 s31  }
0x22a: {  	[hbm4b:s26+s3] =	stream.linear.scatter [tilespmem:s28], [sflag:$0x2], $0x8000, $0x38;
	[tilespmem:$0x10100] =	vst v63  }
0x22b: {  	_ =	swait.ge [sflag:s2], $0x8000  }
0x22c: {  	[sflag:s2] =	ssyncset.done $0x0  }
0x22d: {  	[sflag:s2] =	ssyncadd.s32 $0xFFFF8000  }
0x22e: {  	_ =	swait.ge [sflag:s2], $0x8000  }
0x22f: {  	[sflag:s2] =	ssyncset.done $0x0  }
0x230: {  	[sflag:s2] =	ssyncadd.s32 $0xFFFF8000  }
0x231: {  	_ =	swait.ge [sflag:s2], $0x8000  }
0x232: {  	[sflag:s2] =	ssyncset.done $0x0  }
0x233: {  	[sflag:s2] =	ssyncadd.s32 $0xFFFF8000  }
0x234: {  	_ =	swait.ge [sflag:s2], $0x8000  }
0x235: {  	[sflag:s2] =	ssyncset.done $0x0  }
0x236: {  	[sflag:s2] =	ssyncadd.s32 $0xFFFF8000  }
0x237: {  	_ =	swait.ge [sflag:s2], $0x8000  }
0x238: {  	[sflag:s2] =	ssyncset.done $0x0  }
0x239: {  	[sflag:s2] =	ssyncadd.s32 $0xFFFF8000  }
0x23a: {  	_ =	swait.ge [sflag:s2], $0x8000  }
0x23b: {  	[sflag:s2] =	ssyncset.done $0x0  }
0x23c: {  	[sflag:s2] =	ssyncadd.s32 $0xFFFF8000  }
0x23d: {  	_ =	swait.ge [sflag:s2], $0x8000  }
0x23e: {  	[sflag:s2] =	ssyncset.done $0x0  }
0x23f: {  	[sflag:s2] =	ssyncadd.s32 $0xFFFF8000  }
0x240: {  	_ =	swait.ge [sflag:s2], $0x8000  }
0x241: {  	[sflag:s2] =	ssyncset.done $0x0  }
0x242: {  	[sflag:s2] =	ssyncadd.s32 $0xFFFF8000  }
0x243: {  	_ =	swait.ge [sflag:s2], $0x8000  }
0x244: {  	[sflag:s2] =	ssyncset.done $0x0  }
0x245: {  	[sflag:s2] =	ssyncadd.s32 $0xFFFF8000  }
0x246: {  	_ =	swait.ge [sflag:s2], $0x8000  }
0x247: {  	[sflag:s2] =	ssyncset.done $0x0  }
0x248: {  	[sflag:s2] =	ssyncadd.s32 $0xFFFF8000  }
0x249: {  	_ =	swait.ge [sflag:s2], $0x8000  }
0x24a: {  	[sflag:s2] =	ssyncset.done $0x0  }
0x24b: {  	[sflag:s2] =	ssyncadd.s32 $0xFFFF8000  }
0x24c: {  	_ =	swait.ge [sflag:s2], $0x8000  }
0x24d: {  	[sflag:s2] =	ssyncset.done $0x0  }
0x24e: {  	[sflag:s2] =	ssyncadd.s32 $0xFFFF8000  }
0x24f: {  	_ =	swait.ge [sflag:s2], $0x8000  }
0x250: {  	[sflag:s2] =	ssyncset.done $0x0  }
0x251: {  	[sflag:s2] =	ssyncadd.s32 $0xFFFF8000  }
0x252: {  	_ =	swait.ge [sflag:s2], $0x8000  }
0x253: {  	[sflag:s2] =	ssyncset.done $0x0  }
0x254: {  	[sflag:s2] =	ssyncadd.s32 $0xFFFF8000  }
0x255: {  	_ =	swait.ge [sflag:s2], $0x8000  }
0x256: {  	[sflag:s2] =	ssyncset.done $0x0  }
0x257: {  	[sflag:s2] =	ssyncadd.s32 $0xFFFF8000  }
0x258: {  	_ =	swait.ge [sflag:s2], $0x8000  }
0x259: {  	[sflag:s2] =	ssyncset.done $0x0  }
0x25a: {  	[sflag:s2] =	ssyncadd.s32 $0xFFFF8000  }
0x25b: {  	_ =	swait.ge [sflag:s2], $0x8000  }
0x25c: {  	[sflag:s2] =	ssyncset.done $0x0  }
0x25d: {  	[sflag:s2] =	ssyncadd.s32 $0xFFFF8000  }
0x25e: {  	_ =	swait.ge [sflag:s2], $0x8000  }
0x25f: {  	[sflag:s2] =	ssyncset.done $0x0  }
0x260: {  	[sflag:s2] =	ssyncadd.s32 $0xFFFF8000  }
0x261: {  	_ =	swait.ge [sflag:s2], $0x8000  }
0x262: {  	[sflag:s2] =	ssyncset.done $0x0  }
0x263: {  	[sflag:s2] =	ssyncadd.s32 $0xFFFF8000  }
0x264: {  	_ =	swait.ge [sflag:s2], $0x8000  }
0x265: {  	[sflag:s2] =	ssyncset.done $0x0  }
0x266: {  	[sflag:s2] =	ssyncadd.s32 $0xFFFF8000  }
0x267: {  	_ =	swait.ge [sflag:s2], $0x8000  }
0x268: {  	[sflag:s2] =	ssyncset.done $0x0  }
0x269: {  	[sflag:s2] =	ssyncadd.s32 $0xFFFF8000  }
0x26a: {  	_ =	swait.ge [sflag:s2], $0x8000  }
0x26b: {  	[sflag:s2] =	ssyncset.done $0x0  }
0x26c: {  	[sflag:s2] =	ssyncadd.s32 $0xFFFF8000  }
0x26d: {  	_ =	swait.ge [sflag:s2], $0x8000  }
0x26e: {  	[sflag:s2] =	ssyncset.done $0x0  }
0x26f: {  	[sflag:s2] =	ssyncadd.s32 $0xFFFF8000  }
0x270: {  	_ =	swait.ge [sflag:s2], $0x8000  }
0x271: {  	[sflag:s2] =	ssyncset.done $0x0  }
0x272: {  	[sflag:s2] =	ssyncadd.s32 $0xFFFF8000  }
0x273: {  	_ =	swait.ge [sflag:s2], $0x8000  }
0x274: {  	[sflag:s2] =	ssyncset.done $0x0  }
0x275: {  	[sflag:s2] =	ssyncadd.s32 $0xFFFF8000  }
0x276: {  	_ =	swait.ge [sflag:s2], $0x8000  }
0x277: {  	[sflag:s2] =	ssyncset.done $0x0  }
0x278: {  	[sflag:s2] =	ssyncadd.s32 $0xFFFF8000  }
0x279: {  	_ =	swait.ge [sflag:s2], $0x8000  }
0x27a: {  	[sflag:s2] =	ssyncset.done $0x0  }
0x27b: {  	[sflag:s2] =	ssyncadd.s32 $0xFFFF8000  }
0x27c: {  	_ =	swait.ge [sflag:s2], $0x8000  }
0x27d: {  	[sflag:s2] =	ssyncset.done $0x0  }
0x27e: {  	[sflag:s2] =	ssyncadd.s32 $0xFFFF8000  }
0x27f: {  	_ =	swait.ge [sflag:s2], $0x8000  }
0x280: {  	[sflag:s2] =	ssyncset.done $0x0  }
0x281: {  	[sflag:s2] =	ssyncadd.s32 $0xFFFF8000  }
0x282: {  	_ =	swait.ge [sflag:s2], $0x8000  }
0x283: {  	[sflag:s2] =	ssyncset.done $0x0  }
0x284: {  	[sflag:s2] =	ssyncadd.s32 $0xFFFF8000  }
0x285: {  	_ =	swait.ge [sflag:s2], $0x8000  }
0x286: {  	[sflag:s2] =	ssyncset.done $0x0  }
0x287: {  	[sflag:s2] =	ssyncadd.s32 $0xFFFF8000  }
0x288: {  	_ =	swait.ge [sflag:s2], $0x8000  }
0x289: {  	[sflag:s2] =	ssyncset.done $0x0  }
0x28a: {  	[sflag:s2] =	ssyncadd.s32 $0xFFFF8000  }
0x28b: {  	_ =	swait.ge [sflag:s2], $0x8000  }
0x28c: {  	[sflag:s2] =	ssyncset.done $0x0  }
0x28d: {  	[sflag:s2] =	ssyncadd.s32 $0xFFFF8000  }
0x28e: {  	_ =	swait.ge [sflag:s2], $0x8000  }
0x28f: {  	[sflag:s2] =	ssyncset.done $0x0  }
0x290: {  	[sflag:s2] =	ssyncadd.s32 $0xFFFF8000  }
0x291: {  	_ =	swait.ge [sflag:s2], $0x8000  }
0x292: {  	[sflag:s2] =	ssyncset.done $0x0  }
0x293: {  	[sflag:s2] =	ssyncadd.s32 $0xFFFF8000  }
0x294: {  	_ =	swait.ge [sflag:s2], $0x8000  }
0x295: {  	[sflag:s2] =	ssyncset.done $0x0  }
0x296: {  	[sflag:s2] =	ssyncadd.s32 $0xFFFF8000  }
0x297: {  	_ =	swait.ge [sflag:s2], $0x8000  }
0x298: {  	[sflag:s2] =	ssyncset.done $0x0  }
0x299: {  	[sflag:s2] =	ssyncadd.s32 $0xFFFF8000  }
0x29a: {  	_ =	swait.ge [sflag:s2], $0x8000  }
0x29b: {  	[sflag:s2] =	ssyncset.done $0x0  }
0x29c: {  	[sflag:s2] =	ssyncadd.s32 $0xFFFF8000  }
0x29d: {  	_ =	swait.ge [sflag:s2], $0x8000  }
0x29e: {  	[sflag:s2] =	ssyncset.done $0x0  }
0x29f: {  	[sflag:s2] =	ssyncadd.s32 $0xFFFF8000  }
0x2a0: {  	_ =	swait.ge [sflag:s2], $0x8000  }
0x2a1: {  	[sflag:s2] =	ssyncset.done $0x0  }
0x2a2: {  	[sflag:s2] =	ssyncadd.s32 $0xFFFF8000  }
0x2a3: {  	_ =	swait.ge [sflag:s2], $0x8000  }
0x2a4: {  	[sflag:s2] =	ssyncset.done $0x0  }
0x2a5: {  	[sflag:s2] =	ssyncadd.s32 $0xFFFF8000  }
0x2a6: {  	_ =	swait.ge [sflag:s2], $0x8000  }
0x2a7: {  	[sflag:s2] =	ssyncset.done $0x0  }
0x2a8: {  	[sflag:s2] =	ssyncadd.s32 $0xFFFF8000  }
0x2a9: {  	_ =	swait.ge [sflag:s2], $0x8000  }
0x2aa: {  	[sflag:s2] =	ssyncset.done $0x0  }
0x2ab: {  	[sflag:s2] =	ssyncadd.s32 $0xFFFF8000  }
0x2ac: {  	_ =	swait.ge [sflag:s2], $0x8000  }
0x2ad: {  	[sflag:s2] =	ssyncset.done $0x0  }
0x2ae: {  	[sflag:s2] =	ssyncadd.s32 $0xFFFF8000  }
0x2af: {  	_ =	swait.ge [sflag:s2], $0x8000  }
0x2b0: {  	[sflag:s2] =	ssyncset.done $0x0  }
0x2b1: {  	[sflag:s2] =	ssyncadd.s32 $0xFFFF8000  }
0x2b2: {  	_ =	swait.ge [sflag:s2], $0x8000  }
0x2b3: {  	[sflag:s2] =	ssyncset.done $0x0  }
0x2b4: {  	[sflag:s2] =	ssyncadd.s32 $0xFFFF8000  }
0x2b5: {  	_ =	swait.ge [sflag:s2], $0x8000  }
0x2b6: {  	[sflag:s2] =	ssyncset.done $0x0  }
0x2b7: {  	[sflag:s2] =	ssyncadd.s32 $0xFFFF8000  }
0x2b8: {  	_ =	swait.ge [sflag:s2], $0x8000  }
0x2b9: {  	[sflag:s2] =	ssyncset.done $0x0  }
0x2ba: {  	[sflag:s2] =	ssyncadd.s32 $0xFFFF8000  }
0x2bb: {  	_ =	swait.ge [sflag:s2], $0x8000  }
0x2bc: {  	[sflag:s2] =	ssyncset.done $0x0  }
0x2bd: {  	[sflag:s2] =	ssyncadd.s32 $0xFFFF8000  }
0x2be: {  	_ =	swait.ge [sflag:s2], $0x8000  }
0x2bf: {  	[sflag:s2] =	ssyncset.done $0x0  }
0x2c0: {  	[sflag:s2] =	ssyncadd.s32 $0xFFFF8000  }
0x2c1: {  	_ =	swait.ge [sflag:s2], $0x8000  }
0x2c2: {  	[sflag:s2] =	ssyncset.done $0x0  }
0x2c3: {  	[sflag:s2] =	ssyncadd.s32 $0xFFFF8000  }
0x2c4: {  	_ =	swait.ge [sflag:s2], $0x8000  }
0x2c5: {  	[sflag:s2] =	ssyncset.done $0x0  }
0x2c6: {  	[sflag:s2] =	ssyncadd.s32 $0xFFFF8000  }
0x2c7: {  	_ =	swait.ge [sflag:s2], $0x8000  }
0x2c8: {  	[sflag:s2] =	ssyncset.done $0x0  }
0x2c9: {  	[sflag:s2] =	ssyncadd.s32 $0xFFFF8000  }
0x2ca: {  	_ =	swait.ge [sflag:s2], $0x8000  }
0x2cb: {  	[sflag:s2] =	ssyncset.done $0x0  }
0x2cc: {  	[sflag:s2] =	ssyncadd.s32 $0xFFFF8000  }
0x2cd: {  	_ =	swait.ge [sflag:s2], $0x8000  }
0x2ce: {  	[sflag:s2] =	ssyncset.done $0x0  }
0x2cf: {  	[sflag:s2] =	ssyncadd.s32 $0xFFFF8000  }
0x2d0: {  	_ =	swait.ge [sflag:s2], $0x8000  }
0x2d1: {  	[sflag:s2] =	ssyncset.done $0x0  }
0x2d2: {  	[sflag:s2] =	ssyncadd.s32 $0xFFFF8000  }
0x2d3: {  	_ =	swait.ge [sflag:s2], $0x8000  }
0x2d4: {  	[sflag:s2] =	ssyncset.done $0x0  }
0x2d5: {  	[sflag:s2] =	ssyncadd.s32 $0xFFFF8000  }
0x2d6: {  	_ =	swait.ge [sflag:s2], $0x8000  }
0x2d7: {  	[sflag:s2] =	ssyncset.done $0x0  }
0x2d8: {  	[sflag:s2] =	ssyncadd.s32 $0xFFFF8000  }
0x2d9: {  	_ =	swait.ge [sflag:s2], $0x8000  }
0x2da: {  	[sflag:s2] =	ssyncset.done $0x0  }
0x2db: {  	[sflag:s2] =	ssyncadd.s32 $0xFFFF8000  }
0x2dc: {  	_ =	swait.ge [sflag:s2], $0x8000  }
0x2dd: {  	[sflag:s2] =	ssyncset.done $0x0  }
0x2de: {  	[sflag:s2] =	ssyncadd.s32 $0xFFFF8000  }
0x2df: {  	_ =	swait.ge [sflag:s2], $0x8000  }
0x2e0: {  	[sflag:s2] =	ssyncset.done $0x0  }
0x2e1: {  	[sflag:s2] =	ssyncadd.s32 $0xFFFF8000  }
0x2e2: {  	_ =	swait.ge [sflag:s2], $0x8000  }
0x2e3: {  	[sflag:s2] =	ssyncset.done $0x0  }
0x2e4: {  	p1 =	sne.s32 s0, $0x1;
	[sflag:s2] =	ssyncadd.s32 $0xFFFF8000  }
.Ltmp2:
0x2e5: {  	_ =	swait.ge [sflag:s2], $0x8000;
	(pc) =	sbr.rel @p1 .LBB2_2-.Ltmp2, $4  }
0x2e6: {  	[sflag:s2] =	ssyncset.done $0x0  }
0x2e7: {  	[sflag:s2] =	ssyncadd.s32 $0xFFFF8000  }
0x2e8: {  	s0 =	sadd.s32 $0xFFFFFFFF, s0;
	_ =	swait.ge [sflag:s2], $0x8000  }
0x2e9: {  	s31 =	simm.s32 $0x3;
	s1 =	rddreg [dreg:$0x6];
	[sflag:s2] =	ssyncset.done $0x0  }
.LBB2_3:
0x2ea: {  	[sflag:s2] =	ssyncadd.s32 @p0 $0xFFFF8000  }
0x2eb: {  	[tilespmem:s3], [sflag:$0x3] =	stream.linear.gather [hbm4b:s1+s3], $0x100, $0x38;
	[tilespmem:$0x10100] =	vst v63  }
0x2ec: {  	_ =	swait.ge [sflag:s31], $0x100  }
0x2ed: {  	[sflag:s31] =	ssyncset.done $0x0  }
0x2ee: {  	s0 =	rddreg [dreg:$0x4];
	[sflag:s31] =	ssyncadd.s32 $0xFFFFFF00  }
0x2ef: {  	[tilespmem:s30], [sflag:$0x1] =	stream.indirect.gather [hbm4b:s0+s30], $0x80, s3, s30, $0xb8;
	[tilespmem:$0x10100] =	vst v63  }
0x2f0: {  	s31 =	rddreg [dreg:$0x5]  }
0x2f1: {  	[tilespmem:s28], [sflag:$0x1] =	stream.indirect.gather [hbm4b:s31+s30], $0x80, s3, s30, $0xb8;
	[tilespmem:$0x10100] =	vst v63  }
0x2f2: {  	_ =	swait.ge [sflag:s29], $0x8000  }
0x2f3: {  	s1 =	rddreg [dreg:$0x7];
	[sflag:s29] =	ssyncset.done $0x0  }
0x2f4: {  	s31 =	rddreg [dreg:$0x8];
	[sflag:s29] =	ssyncadd.s32 $0xFFFF8000  }
0x2f5: {  	[hbm4b:s1+s3] =	stream.linear.scatter [tilespmem:s30], [sflag:$0x2], $0x8000, $0x38;
	[tilespmem:$0x10100] =	vst v63  }
0x2f6: {  	s0 =	rddreg [dreg:$0x9]  }
0x2f7: {  	[hbm4b:s31+s3] =	stream.linear.scatter [tilespmem:s30], [sflag:$0x2], $0x8000, $0x38;
	[tilespmem:$0x10100] =	vst v63  }
0x2f8: {  	s31 =	rddreg [dreg:$0xa]  }
0x2f9: {  	[hbm4b:s0+s3] =	stream.linear.scatter [tilespmem:s30], [sflag:$0x2], $0x8000, $0x38;
	[tilespmem:$0x10100] =	vst v63  }
0x2fa: {  	s0 =	rddreg [dreg:$0xb]  }
0x2fb: {  	[hbm4b:s31+s3] =	stream.linear.scatter [tilespmem:s30], [sflag:$0x2], $0x8000, $0x38;
	[tilespmem:$0x10100] =	vst v63  }
0x2fc: {  	s31 =	rddreg [dreg:$0xc]  }
0x2fd: {  	[hbm4b:s0+s3] =	stream.linear.scatter [tilespmem:s30], [sflag:$0x2], $0x8000, $0x38;
	[tilespmem:$0x10100] =	vst v63  }
0x2fe: {  	s0 =	rddreg [dreg:$0xd]  }
0x2ff: {  	[hbm4b:s31+s3] =	stream.linear.scatter [tilespmem:s30], [sflag:$0x2], $0x8000, $0x38;
	[tilespmem:$0x10100] =	vst v63  }
0x300: {  	s31 =	rddreg [dreg:$0xe]  }
0x301: {  	[hbm4b:s0+s3] =	stream.linear.scatter [tilespmem:s30], [sflag:$0x2], $0x8000, $0x38;
	[tilespmem:$0x10100] =	vst v63  }
0x302: {  	s0 =	rddreg [dreg:$0xf]  }
0x303: {  	[hbm4b:s31+s3] =	stream.linear.scatter [tilespmem:s30], [sflag:$0x2], $0x8000, $0x38;
	[tilespmem:$0x10100] =	vst v63  }
0x304: {  	s31 =	rddreg [dreg:$0x10]  }
0x305: {  	[hbm4b:s0+s3] =	stream.linear.scatter [tilespmem:s30], [sflag:$0x2], $0x8000, $0x38;
	[tilespmem:$0x10100] =	vst v63  }
0x306: {  	s0 =	rddreg [dreg:$0x11]  }
0x307: {  	[hbm4b:s31+s3] =	stream.linear.scatter [tilespmem:s30], [sflag:$0x2], $0x8000, $0x38;
	[tilespmem:$0x10100] =	vst v63  }
0x308: {  	s31 =	rddreg [dreg:$0x12]  }
0x309: {  	[hbm4b:s0+s3] =	stream.linear.scatter [tilespmem:s30], [sflag:$0x2], $0x8000, $0x38;
	[tilespmem:$0x10100] =	vst v63  }
0x30a: {  	s0 =	rddreg [dreg:$0x13]  }
0x30b: {  	[hbm4b:s31+s3] =	stream.linear.scatter [tilespmem:s30], [sflag:$0x2], $0x8000, $0x38;
	[tilespmem:$0x10100] =	vst v63  }
0x30c: {  	s31 =	rddreg [dreg:$0x14]  }
0x30d: {  	[hbm4b:s0+s3] =	stream.linear.scatter [tilespmem:s30], [sflag:$0x2], $0x8000, $0x38;
	[tilespmem:$0x10100] =	vst v63  }
0x30e: {  	s0 =	rddreg [dreg:$0x15]  }
0x30f: {  	[hbm4b:s31+s3] =	stream.linear.scatter [tilespmem:s30], [sflag:$0x2], $0x8000, $0x38;
	[tilespmem:$0x10100] =	vst v63  }
0x310: {  	s31 =	rddreg [dreg:$0x16]  }
0x311: {  	[hbm4b:s0+s3] =	stream.linear.scatter [tilespmem:s30], [sflag:$0x2], $0x8000, $0x38;
	[tilespmem:$0x10100] =	vst v63  }
0x312: {  	s0 =	rddreg [dreg:$0x17]  }
0x313: {  	[hbm4b:s31+s3] =	stream.linear.scatter [tilespmem:s30], [sflag:$0x2], $0x8000, $0x38;
	[tilespmem:$0x10100] =	vst v63  }
0x314: {  	s31 =	rddreg [dreg:$0x18]  }
0x315: {  	[hbm4b:s0+s3] =	stream.linear.scatter [tilespmem:s30], [sflag:$0x2], $0x8000, $0x38;
	[tilespmem:$0x10100] =	vst v63  }
0x316: {  	s0 =	rddreg [dreg:$0x19]  }
0x317: {  	[hbm4b:s31+s3] =	stream.linear.scatter [tilespmem:s30], [sflag:$0x2], $0x8000, $0x38;
	[tilespmem:$0x10100] =	vst v63  }
0x318: {  	s31 =	rddreg [dreg:$0x1a]  }
0x319: {  	[hbm4b:s0+s3] =	stream.linear.scatter [tilespmem:s30], [sflag:$0x2], $0x8000, $0x38;
	[tilespmem:$0x10100] =	vst v63  }
0x31a: {  	s0 =	rddreg [dreg:$0x1b]  }
0x31b: {  	[hbm4b:s31+s3] =	stream.linear.scatter [tilespmem:s30], [sflag:$0x2], $0x8000, $0x38;
	[tilespmem:$0x10100] =	vst v63  }
0x31c: {  	s31 =	rddreg [dreg:$0x1c]  }
0x31d: {  	[hbm4b:s0+s3] =	stream.linear.scatter [tilespmem:s30], [sflag:$0x2], $0x8000, $0x38;
	[tilespmem:$0x10100] =	vst v63  }
0x31e: {  	s0 =	rddreg [dreg:$0x1d]  }
0x31f: {  	[hbm4b:s31+s3] =	stream.linear.scatter [tilespmem:s30], [sflag:$0x2], $0x8000, $0x38;
	[tilespmem:$0x10100] =	vst v63  }
0x320: {  	s31 =	rddreg [dreg:$0x1e]  }
0x321: {  	[hbm4b:s0+s3] =	stream.linear.scatter [tilespmem:s30], [sflag:$0x2], $0x8000, $0x38;
	[tilespmem:$0x10100] =	vst v63  }
0x322: {  	s0 =	rddreg [dreg:$0x1f]  }
0x323: {  	[hbm4b:s31+s3] =	stream.linear.scatter [tilespmem:s30], [sflag:$0x2], $0x8000, $0x38;
	[tilespmem:$0x10100] =	vst v63  }
0x324: {  	s31 =	sld [smem:$0x7E8]  }
0x325: {  	[hbm4b:s0+s3] =	stream.linear.scatter [tilespmem:s30], [sflag:$0x2], $0x8000, $0x38;
	[tilespmem:$0x10100] =	vst v63  }
0x326: {  	s0 =	sld [smem:$0x7E9]  }
0x327: {  	[hbm4b:s31+s3] =	stream.linear.scatter [tilespmem:s30], [sflag:$0x2], $0x8000, $0x38;
	[tilespmem:$0x10100] =	vst v63  }
0x328: {  	s31 =	sld [smem:$0x7EA]  }
0x329: {  	[hbm4b:s0+s3] =	stream.linear.scatter [tilespmem:s30], [sflag:$0x2], $0x8000, $0x38;
	[tilespmem:$0x10100] =	vst v63  }
0x32a: {  	s0 =	sld [smem:$0x7EB]  }
0x32b: {  	[hbm4b:s31+s3] =	stream.linear.scatter [tilespmem:s30], [sflag:$0x2], $0x8000, $0x38;
	[tilespmem:$0x10100] =	vst v63  }
0x32c: {  	s31 =	sld [smem:$0x7EC]  }
0x32d: {  	[hbm4b:s0+s3] =	stream.linear.scatter [tilespmem:s30], [sflag:$0x2], $0x8000, $0x38;
	[tilespmem:$0x10100] =	vst v63  }
0x32e: {  	s0 =	sld [smem:$0x7ED]  }
0x32f: {  	[hbm4b:s31+s3] =	stream.linear.scatter [tilespmem:s30], [sflag:$0x2], $0x8000, $0x38;
	[tilespmem:$0x10100] =	vst v63  }
0x330: {  	s31 =	sld [smem:$0x7EE]  }
0x331: {  	[hbm4b:s0+s3] =	stream.linear.scatter [tilespmem:s30], [sflag:$0x2], $0x8000, $0x38;
	[tilespmem:$0x10100] =	vst v63  }
0x332: {  	_ = 	snop  }
0x333: {  	[hbm4b:s31+s3] =	stream.linear.scatter [tilespmem:s30], [sflag:$0x2], $0x8000, $0x38;
	[tilespmem:$0x10100] =	vst v63  }
0x334: {  	_ =	swait.ge [sflag:s29], $0x8000  }
0x335: {  	s1 =	sld [smem:$0x7EF]  }
0x336: {  	[sflag:s29] =	ssyncset.done $0x0  }
0x337: {  	[sflag:s29] =	ssyncadd.s32 $0xFFFF8000;
	s29 =	sld [smem:$0x7F1]  }
0x338: {  	[hbm4b:s1+s3] =	stream.linear.scatter [tilespmem:s28], [sflag:$0x2], $0x8000, $0x38;
	[tilespmem:$0x10100] =	vst v63  }
0x339: {  	s30 =	sld [smem:$0x7F3]  }
0x33a: {  	[hbm4b:s29+s3] =	stream.linear.scatter [tilespmem:s28], [sflag:$0x2], $0x8000, $0x38;
	[tilespmem:$0x10100] =	vst v63  }
0x33b: {  	s31 =	sld [smem:$0x7F5]  }
0x33c: {  	[hbm4b:s30+s3] =	stream.linear.scatter [tilespmem:s28], [sflag:$0x2], $0x8000, $0x38;
	[tilespmem:$0x10100] =	vst v63  }
0x33d: {  	s29 =	sld [smem:$0x7F7]  }
0x33e: {  	[hbm4b:s31+s3] =	stream.linear.scatter [tilespmem:s28], [sflag:$0x2], $0x8000, $0x38;
	[tilespmem:$0x10100] =	vst v63  }
0x33f: {  	s30 =	sld [smem:$0x7F9]  }
0x340: {  	[hbm4b:s29+s3] =	stream.linear.scatter [tilespmem:s28], [sflag:$0x2], $0x8000, $0x38;
	[tilespmem:$0x10100] =	vst v63  }
0x341: {  	s31 =	sld [smem:$0x7FA]  }
0x342: {  	[hbm4b:s30+s3] =	stream.linear.scatter [tilespmem:s28], [sflag:$0x2], $0x8000, $0x38;
	[tilespmem:$0x10100] =	vst v63  }
0x343: {  	s29 =	sld [smem:$0x7FC]  }
0x344: {  	[hbm4b:s31+s3] =	stream.linear.scatter [tilespmem:s28], [sflag:$0x2], $0x8000, $0x38;
	[tilespmem:$0x10100] =	vst v63  }
0x345: {  	s30 =	sld [smem:$0x7FD]  }
0x346: {  	[hbm4b:s29+s3] =	stream.linear.scatter [tilespmem:s28], [sflag:$0x2], $0x8000, $0x38;
	[tilespmem:$0x10100] =	vst v63  }
0x347: {  	_ = 	snop  }
0x348: {  	[hbm4b:s30+s3] =	stream.linear.scatter [tilespmem:s28], [sflag:$0x2], $0x8000, $0x38;
	[tilespmem:$0x10100] =	vst v63  }
0x349: {  	_ = 	snop  }
0x34a: {  	[hbm4b:s4+s3] =	stream.linear.scatter [tilespmem:s28], [sflag:$0x2], $0x8000, $0x38;
	[tilespmem:$0x10100] =	vst v63  }
0x34b: {  	_ = 	snop  }
0x34c: {  	[hbm4b:s5+s3] =	stream.linear.scatter [tilespmem:s28], [sflag:$0x2], $0x8000, $0x38;
	[tilespmem:$0x10100] =	vst v63  }
0x34d: {  	_ = 	snop  }
0x34e: {  	[hbm4b:s6+s3] =	stream.linear.scatter [tilespmem:s28], [sflag:$0x2], $0x8000, $0x38;
	[tilespmem:$0x10100] =	vst v63  }
0x34f: {  	_ = 	snop  }
0x350: {  	[hbm4b:s7+s3] =	stream.linear.scatter [tilespmem:s28], [sflag:$0x2], $0x8000, $0x38;
	[tilespmem:$0x10100] =	vst v63  }
0x351: {  	_ = 	snop  }
0x352: {  	[hbm4b:s8+s3] =	stream.linear.scatter [tilespmem:s28], [sflag:$0x2], $0x8000, $0x38;
	[tilespmem:$0x10100] =	vst v63  }
0x353: {  	_ = 	snop  }
0x354: {  	[hbm4b:s9+s3] =	stream.linear.scatter [tilespmem:s28], [sflag:$0x2], $0x8000, $0x38;
	[tilespmem:$0x10100] =	vst v63  }
0x355: {  	_ = 	snop  }
0x356: {  	[hbm4b:s10+s3] =	stream.linear.scatter [tilespmem:s28], [sflag:$0x2], $0x8000, $0x38;
	[tilespmem:$0x10100] =	vst v63  }
0x357: {  	_ = 	snop  }
0x358: {  	[hbm4b:s11+s3] =	stream.linear.scatter [tilespmem:s28], [sflag:$0x2], $0x8000, $0x38;
	[tilespmem:$0x10100] =	vst v63  }
0x359: {  	_ = 	snop  }
0x35a: {  	[hbm4b:s12+s3] =	stream.linear.scatter [tilespmem:s28], [sflag:$0x2], $0x8000, $0x38;
	[tilespmem:$0x10100] =	vst v63  }
0x35b: {  	_ = 	snop  }
0x35c: {  	[hbm4b:s13+s3] =	stream.linear.scatter [tilespmem:s28], [sflag:$0x2], $0x8000, $0x38;
	[tilespmem:$0x10100] =	vst v63  }
0x35d: {  	_ = 	snop  }
0x35e: {  	[hbm4b:s14+s3] =	stream.linear.scatter [tilespmem:s28], [sflag:$0x2], $0x8000, $0x38;
	[tilespmem:$0x10100] =	vst v63  }
0x35f: {  	_ = 	snop  }
0x360: {  	[hbm4b:s15+s3] =	stream.linear.scatter [tilespmem:s28], [sflag:$0x2], $0x8000, $0x38;
	[tilespmem:$0x10100] =	vst v63  }
0x361: {  	_ = 	snop  }
0x362: {  	[hbm4b:s16+s3] =	stream.linear.scatter [tilespmem:s28], [sflag:$0x2], $0x8000, $0x38;
	[tilespmem:$0x10100] =	vst v63  }
0x363: {  	_ = 	snop  }
0x364: {  	[hbm4b:s17+s3] =	stream.linear.scatter [tilespmem:s28], [sflag:$0x2], $0x8000, $0x38;
	[tilespmem:$0x10100] =	vst v63  }
0x365: {  	_ = 	snop  }
0x366: {  	[hbm4b:s18+s3] =	stream.linear.scatter [tilespmem:s28], [sflag:$0x2], $0x8000, $0x38;
	[tilespmem:$0x10100] =	vst v63  }
0x367: {  	_ = 	snop  }
0x368: {  	[hbm4b:s19+s3] =	stream.linear.scatter [tilespmem:s28], [sflag:$0x2], $0x8000, $0x38;
	[tilespmem:$0x10100] =	vst v63  }
0x369: {  	_ = 	snop  }
0x36a: {  	[hbm4b:s20+s3] =	stream.linear.scatter [tilespmem:s28], [sflag:$0x2], $0x8000, $0x38;
	[tilespmem:$0x10100] =	vst v63  }
0x36b: {  	_ = 	snop  }
0x36c: {  	[hbm4b:s21+s3] =	stream.linear.scatter [tilespmem:s28], [sflag:$0x2], $0x8000, $0x38;
	[tilespmem:$0x10100] =	vst v63  }
0x36d: {  	_ = 	snop  }
0x36e: {  	[hbm4b:s22+s3] =	stream.linear.scatter [tilespmem:s28], [sflag:$0x2], $0x8000, $0x38;
	[tilespmem:$0x10100] =	vst v63  }
0x36f: {  	_ = 	snop  }
0x370: {  	[hbm4b:s23+s3] =	stream.linear.scatter [tilespmem:s28], [sflag:$0x2], $0x8000, $0x38;
	[tilespmem:$0x10100] =	vst v63  }
0x371: {  	_ = 	snop  }
0x372: {  	[hbm4b:s24+s3] =	stream.linear.scatter [tilespmem:s28], [sflag:$0x2], $0x8000, $0x38;
	[tilespmem:$0x10100] =	vst v63  }
0x373: {  	_ = 	snop  }
0x374: {  	[hbm4b:s25+s3] =	stream.linear.scatter [tilespmem:s28], [sflag:$0x2], $0x8000, $0x38;
	[tilespmem:$0x10100] =	vst v63  }
0x375: {  	_ = 	snop  }
0x376: {  	[hbm4b:s26+s3] =	stream.linear.scatter [tilespmem:s28], [sflag:$0x2], $0x8000, $0x38;
	[tilespmem:$0x10100] =	vst v63  }
0x377: {  	_ =	swait.ge [sflag:s2], $0x8000  }
0x378: {  	[sflag:s2] =	ssyncset.done $0x0  }
0x379: {  	[sflag:s2] =	ssyncadd.s32 $0xFFFF8000  }
0x37a: {  	_ =	swait.ge [sflag:s2], $0x8000  }
0x37b: {  	[sflag:s2] =	ssyncset.done $0x0  }
0x37c: {  	[sflag:s2] =	ssyncadd.s32 $0xFFFF8000  }
0x37d: {  	_ =	swait.ge [sflag:s2], $0x8000  }
0x37e: {  	[sflag:s2] =	ssyncset.done $0x0  }
0x37f: {  	[sflag:s2] =	ssyncadd.s32 $0xFFFF8000  }
0x380: {  	_ =	swait.ge [sflag:s2], $0x8000  }
0x381: {  	[sflag:s2] =	ssyncset.done $0x0  }
0x382: {  	[sflag:s2] =	ssyncadd.s32 $0xFFFF8000  }
0x383: {  	_ =	swait.ge [sflag:s2], $0x8000  }
0x384: {  	[sflag:s2] =	ssyncset.done $0x0  }
0x385: {  	[sflag:s2] =	ssyncadd.s32 $0xFFFF8000  }
0x386: {  	_ =	swait.ge [sflag:s2], $0x8000  }
0x387: {  	[sflag:s2] =	ssyncset.done $0x0  }
0x388: {  	[sflag:s2] =	ssyncadd.s32 $0xFFFF8000  }
0x389: {  	_ =	swait.ge [sflag:s2], $0x8000  }
0x38a: {  	[sflag:s2] =	ssyncset.done $0x0  }
0x38b: {  	[sflag:s2] =	ssyncadd.s32 $0xFFFF8000  }
0x38c: {  	_ =	swait.ge [sflag:s2], $0x8000  }
0x38d: {  	[sflag:s2] =	ssyncset.done $0x0  }
0x38e: {  	[sflag:s2] =	ssyncadd.s32 $0xFFFF8000  }
0x38f: {  	_ =	swait.ge [sflag:s2], $0x8000  }
0x390: {  	[sflag:s2] =	ssyncset.done $0x0  }
0x391: {  	[sflag:s2] =	ssyncadd.s32 $0xFFFF8000  }
0x392: {  	_ =	swait.ge [sflag:s2], $0x8000  }
0x393: {  	[sflag:s2] =	ssyncset.done $0x0  }
0x394: {  	[sflag:s2] =	ssyncadd.s32 $0xFFFF8000  }
0x395: {  	_ =	swait.ge [sflag:s2], $0x8000  }
0x396: {  	[sflag:s2] =	ssyncset.done $0x0  }
0x397: {  	[sflag:s2] =	ssyncadd.s32 $0xFFFF8000  }
0x398: {  	_ =	swait.ge [sflag:s2], $0x8000  }
0x399: {  	[sflag:s2] =	ssyncset.done $0x0  }
0x39a: {  	[sflag:s2] =	ssyncadd.s32 $0xFFFF8000  }
0x39b: {  	_ =	swait.ge [sflag:s2], $0x8000  }
0x39c: {  	[sflag:s2] =	ssyncset.done $0x0  }
0x39d: {  	[sflag:s2] =	ssyncadd.s32 $0xFFFF8000  }
0x39e: {  	_ =	swait.ge [sflag:s2], $0x8000  }
0x39f: {  	[sflag:s2] =	ssyncset.done $0x0  }
0x3a0: {  	[sflag:s2] =	ssyncadd.s32 $0xFFFF8000  }
0x3a1: {  	_ =	swait.ge [sflag:s2], $0x8000  }
0x3a2: {  	[sflag:s2] =	ssyncset.done $0x0  }
0x3a3: {  	[sflag:s2] =	ssyncadd.s32 $0xFFFF8000  }
0x3a4: {  	_ =	swait.ge [sflag:s2], $0x8000  }
0x3a5: {  	[sflag:s2] =	ssyncset.done $0x0  }
0x3a6: {  	[sflag:s2] =	ssyncadd.s32 $0xFFFF8000  }
0x3a7: {  	_ =	swait.ge [sflag:s2], $0x8000  }
0x3a8: {  	[sflag:s2] =	ssyncset.done $0x0  }
0x3a9: {  	[sflag:s2] =	ssyncadd.s32 $0xFFFF8000  }
0x3aa: {  	_ =	swait.ge [sflag:s2], $0x8000  }
0x3ab: {  	[sflag:s2] =	ssyncset.done $0x0  }
0x3ac: {  	[sflag:s2] =	ssyncadd.s32 $0xFFFF8000  }
0x3ad: {  	_ =	swait.ge [sflag:s2], $0x8000  }
0x3ae: {  	[sflag:s2] =	ssyncset.done $0x0  }
0x3af: {  	[sflag:s2] =	ssyncadd.s32 $0xFFFF8000  }
0x3b0: {  	_ =	swait.ge [sflag:s2], $0x8000  }
0x3b1: {  	[sflag:s2] =	ssyncset.done $0x0  }
0x3b2: {  	[sflag:s2] =	ssyncadd.s32 $0xFFFF8000  }
0x3b3: {  	_ =	swait.ge [sflag:s2], $0x8000  }
0x3b4: {  	[sflag:s2] =	ssyncset.done $0x0  }
0x3b5: {  	[sflag:s2] =	ssyncadd.s32 $0xFFFF8000  }
0x3b6: {  	_ =	swait.ge [sflag:s2], $0x8000  }
0x3b7: {  	[sflag:s2] =	ssyncset.done $0x0  }
0x3b8: {  	[sflag:s2] =	ssyncadd.s32 $0xFFFF8000  }
0x3b9: {  	_ =	swait.ge [sflag:s2], $0x8000  }
0x3ba: {  	[sflag:s2] =	ssyncset.done $0x0  }
0x3bb: {  	[sflag:s2] =	ssyncadd.s32 $0xFFFF8000  }
0x3bc: {  	_ =	swait.ge [sflag:s2], $0x8000  }
0x3bd: {  	[sflag:s2] =	ssyncset.done $0x0  }
0x3be: {  	[sflag:s2] =	ssyncadd.s32 $0xFFFF8000  }
0x3bf: {  	_ =	swait.ge [sflag:s2], $0x8000  }
0x3c0: {  	[sflag:s2] =	ssyncset.done $0x0  }
0x3c1: {  	[sflag:s2] =	ssyncadd.s32 $0xFFFF8000  }
0x3c2: {  	_ =	swait.ge [sflag:s2], $0x8000  }
0x3c3: {  	[sflag:s2] =	ssyncset.done $0x0  }
0x3c4: {  	[sflag:s2] =	ssyncadd.s32 $0xFFFF8000  }
0x3c5: {  	_ =	swait.ge [sflag:s2], $0x8000  }
0x3c6: {  	[sflag:s2] =	ssyncset.done $0x0  }
0x3c7: {  	[sflag:s2] =	ssyncadd.s32 $0xFFFF8000  }
0x3c8: {  	_ =	swait.ge [sflag:s2], $0x8000  }
0x3c9: {  	[sflag:s2] =	ssyncset.done $0x0  }
0x3ca: {  	[sflag:s2] =	ssyncadd.s32 $0xFFFF8000  }
0x3cb: {  	_ =	swait.ge [sflag:s2], $0x8000  }
0x3cc: {  	[sflag:s2] =	ssyncset.done $0x0  }
0x3cd: {  	[sflag:s2] =	ssyncadd.s32 $0xFFFF8000  }
0x3ce: {  	_ =	swait.ge [sflag:s2], $0x8000  }
0x3cf: {  	[sflag:s2] =	ssyncset.done $0x0  }
0x3d0: {  	[sflag:s2] =	ssyncadd.s32 $0xFFFF8000  }
0x3d1: {  	_ =	swait.ge [sflag:s2], $0x8000  }
0x3d2: {  	[sflag:s2] =	ssyncset.done $0x0  }
0x3d3: {  	[sflag:s2] =	ssyncadd.s32 $0xFFFF8000  }
0x3d4: {  	_ =	swait.ge [sflag:s2], $0x8000  }
0x3d5: {  	[sflag:s2] =	ssyncset.done $0x0  }
0x3d6: {  	[sflag:s2] =	ssyncadd.s32 $0xFFFF8000  }
0x3d7: {  	_ =	swait.ge [sflag:s2], $0x8000  }
0x3d8: {  	[sflag:s2] =	ssyncset.done $0x0  }
0x3d9: {  	[sflag:s2] =	ssyncadd.s32 $0xFFFF8000  }
0x3da: {  	_ =	swait.ge [sflag:s2], $0x8000  }
0x3db: {  	[sflag:s2] =	ssyncset.done $0x0  }
0x3dc: {  	[sflag:s2] =	ssyncadd.s32 $0xFFFF8000  }
0x3dd: {  	_ =	swait.ge [sflag:s2], $0x8000  }
0x3de: {  	[sflag:s2] =	ssyncset.done $0x0  }
0x3df: {  	[sflag:s2] =	ssyncadd.s32 $0xFFFF8000  }
0x3e0: {  	_ =	swait.ge [sflag:s2], $0x8000  }
0x3e1: {  	[sflag:s2] =	ssyncset.done $0x0  }
0x3e2: {  	[sflag:s2] =	ssyncadd.s32 $0xFFFF8000  }
0x3e3: {  	_ =	swait.ge [sflag:s2], $0x8000  }
0x3e4: {  	[sflag:s2] =	ssyncset.done $0x0  }
0x3e5: {  	[sflag:s2] =	ssyncadd.s32 $0xFFFF8000  }
0x3e6: {  	_ =	swait.ge [sflag:s2], $0x8000  }
0x3e7: {  	[sflag:s2] =	ssyncset.done $0x0  }
0x3e8: {  	[sflag:s2] =	ssyncadd.s32 $0xFFFF8000  }
0x3e9: {  	_ =	swait.ge [sflag:s2], $0x8000  }
0x3ea: {  	[sflag:s2] =	ssyncset.done $0x0  }
0x3eb: {  	[sflag:s2] =	ssyncadd.s32 $0xFFFF8000  }
0x3ec: {  	_ =	swait.ge [sflag:s2], $0x8000  }
0x3ed: {  	[sflag:s2] =	ssyncset.done $0x0  }
0x3ee: {  	[sflag:s2] =	ssyncadd.s32 $0xFFFF8000  }
0x3ef: {  	_ =	swait.ge [sflag:s2], $0x8000  }
0x3f0: {  	[sflag:s2] =	ssyncset.done $0x0  }
0x3f1: {  	[sflag:s2] =	ssyncadd.s32 $0xFFFF8000  }
0x3f2: {  	_ =	swait.ge [sflag:s2], $0x8000  }
0x3f3: {  	[sflag:s2] =	ssyncset.done $0x0  }
0x3f4: {  	[sflag:s2] =	ssyncadd.s32 $0xFFFF8000  }
0x3f5: {  	_ =	swait.ge [sflag:s2], $0x8000  }
0x3f6: {  	[sflag:s2] =	ssyncset.done $0x0  }
0x3f7: {  	[sflag:s2] =	ssyncadd.s32 $0xFFFF8000  }
0x3f8: {  	_ =	swait.ge [sflag:s2], $0x8000  }
0x3f9: {  	[sflag:s2] =	ssyncset.done $0x0  }
0x3fa: {  	[sflag:s2] =	ssyncadd.s32 $0xFFFF8000  }
0x3fb: {  	_ =	swait.ge [sflag:s2], $0x8000  }
0x3fc: {  	[sflag:s2] =	ssyncset.done $0x0  }
0x3fd: {  	[sflag:s2] =	ssyncadd.s32 $0xFFFF8000  }
0x3fe: {  	_ =	swait.ge [sflag:s2], $0x8000  }
0x3ff: {  	[sflag:s2] =	ssyncset.done $0x0  }
0x400: {  	[sflag:s2] =	ssyncadd.s32 $0xFFFF8000  }
0x401: {  	_ =	swait.ge [sflag:s2], $0x8000  }
0x402: {  	[sflag:s2] =	ssyncset.done $0x0  }
0x403: {  	[sflag:s2] =	ssyncadd.s32 $0xFFFF8000  }
0x404: {  	_ =	swait.ge [sflag:s2], $0x8000  }
0x405: {  	[sflag:s2] =	ssyncset.done $0x0  }
0x406: {  	[sflag:s2] =	ssyncadd.s32 $0xFFFF8000  }
0x407: {  	_ =	swait.ge [sflag:s2], $0x8000  }
0x408: {  	[sflag:s2] =	ssyncset.done $0x0  }
0x409: {  	[sflag:s2] =	ssyncadd.s32 $0xFFFF8000  }
0x40a: {  	_ =	swait.ge [sflag:s2], $0x8000  }
0x40b: {  	[sflag:s2] =	ssyncset.done $0x0  }
0x40c: {  	[sflag:s2] =	ssyncadd.s32 $0xFFFF8000  }
0x40d: {  	_ =	swait.ge [sflag:s2], $0x8000  }
0x40e: {  	[sflag:s2] =	ssyncset.done $0x0  }
0x40f: {  	[sflag:s2] =	ssyncadd.s32 $0xFFFF8000  }
0x410: {  	_ =	swait.ge [sflag:s2], $0x8000  }
0x411: {  	[sflag:s2] =	ssyncset.done $0x0  }
0x412: {  	[sflag:s2] =	ssyncadd.s32 $0xFFFF8000  }
0x413: {  	_ =	swait.ge [sflag:s2], $0x8000  }
0x414: {  	[sflag:s2] =	ssyncset.done $0x0  }
0x415: {  	[sflag:s2] =	ssyncadd.s32 $0xFFFF8000  }
0x416: {  	_ =	swait.ge [sflag:s2], $0x8000  }
0x417: {  	[sflag:s2] =	ssyncset.done $0x0  }
0x418: {  	[sflag:s2] =	ssyncadd.s32 $0xFFFF8000  }
0x419: {  	_ =	swait.ge [sflag:s2], $0x8000  }
0x41a: {  	[sflag:s2] =	ssyncset.done $0x0  }
0x41b: {  	[sflag:s2] =	ssyncadd.s32 $0xFFFF8000  }
0x41c: {  	_ =	swait.ge [sflag:s2], $0x8000  }
0x41d: {  	[sflag:s2] =	ssyncset.done $0x0  }
0x41e: {  	[sflag:s2] =	ssyncadd.s32 $0xFFFF8000  }
0x41f: {  	_ =	swait.ge [sflag:s2], $0x8000  }
0x420: {  	[sflag:s2] =	ssyncset.done $0x0  }
0x421: {  	[sflag:s2] =	ssyncadd.s32 $0xFFFF8000  }
0x422: {  	_ =	swait.ge [sflag:s2], $0x8000  }
0x423: {  	[sflag:s2] =	ssyncset.done $0x0  }
0x424: {  	[sflag:s2] =	ssyncadd.s32 $0xFFFF8000  }
0x425: {  	_ =	swait.ge [sflag:s2], $0x8000  }
0x426: {  	[sflag:s2] =	ssyncset.done $0x0  }
0x427: {  	[sflag:s2] =	ssyncadd.s32 $0xFFFF8000  }
0x428: {  	_ =	swait.ge [sflag:s2], $0x8000  }
0x429: {  	[sflag:s2] =	ssyncset.done $0x0  }
0x42a: {  	[sflag:s2] =	ssyncadd.s32 $0xFFFF8000  }
0x42b: {  	_ =	swait.ge [sflag:s2], $0x8000  }
0x42c: {  	[sflag:s2] =	ssyncset.done $0x0  }
0x42d: {  	[sflag:s2] =	ssyncadd.s32 $0xFFFF8000  }
0x42e: {  	_ =	swait.ge [sflag:s2], $0x8000  }
0x42f: {  	[sflag:s2] =	ssyncset.done $0x0  }
0x430: {  	[sflag:s2] =	ssyncadd.s32 $0xFFFF8000  }
0x431: {  	_ =	swait.ge [sflag:s2], $0x8000  }
0x432: {  	[sflag:s2] =	ssyncset.done $0x0  }
0x433: {  	[sflag:s2] =	ssyncadd.s32 $0xFFFF8000  }
0x434: {  	_ =	swait.ge [sflag:s2], $0x8000  }
0x435: {  	[sflag:s2] =	ssyncset.done $0x0  }
0x436: {  	[sflag:s2] =	ssyncadd.s32 $0xFFFF8000  }
0x437: {  	_ =	sfence.sel $0x180000  }
0x438: {  	[bflag:$0x0] =	sbarrier.arrive $0xFFFF  }
0x439: {  	_ =	strace $0x90000047  }
0x43a: {  	s31 =	stileid.u32;
	[bflag:$0x2] =	sbarrier.arrive $0xFFFF  }
0x43b: {  	p0 =	sne.s32 s31, $0x0;
	s0 =	rddreg [dreg:$0x3]  }
0x43c: {  	s0 =	sadd.s32 @!p0 $0x100000, s0  }
0x43d: {  	[sflag:s0] =	ssyncadd.tile.s32 @!p0 $0x1;
	_ =	shalt  }
.Lfunc_end2:
_tile_overlayer_lowered:
.L_overlay_start_2:
0x43e: {  	(tag) =	ssettag $0x2  }
0x43f: {  	s0 =	rddreg [dreg:$0x0];
	s2 =	stileid.u32  }
0x440: {  	s1 =	rddreg [dreg:$0x1];
	p0 =	sne.s32 s2, $0x0  }
0x441: {  	s3 =	rddreg [dreg:$0x2];
	[bflag:$0x3] =	sbarrier.arrive $0xFFFF;
	s2 =	simm.s32 @!p0 $0x1C03  }
0x442: {  	[timem:s3], [sflag:s2] =	dma.local @!p0 [hbm:s0], s1  }
0x443: {  	s0 =	simm.s32 @!p0 $0x3  }
0x444: {  	_ =	swait.ge @!p0 [sflag:s0], s1  }
0x445: {  	s1 =	ssub.s32 @!p0 $0x0, s1;
	[sflag:s0] =	ssyncset.done @!p0 $0x0  }
0x446: {  	[sflag:s0] =	ssyncadd.s32 @!p0 s1  }
0x447: {  	[bflag:$0x3] =	sbarrier.arrive $0xFFFF  }
0x448: {  	_ =	shalt  }

</sc_bundles>
